<compile_context>
chip_gen: v7x
topology: tpu7x:2x2x1
jax: 0.10.2.dev20260603
libtpu: 0.0.44.dev20260713+nightly
codegen_flags: <defaults>
</compile_context>

<pallas_src>
import functools

import jax
import jax.numpy as jnp
import numpy as np
from jax import lax
from jax.experimental import pallas as pl
from jax.experimental.pallas import tpu as pltpu
from jax.experimental.pallas import tpu_sc as plsc

B, L, D, V = 4096, 50, 256, 1000
VW = 256
VP = 4 * VW
BLK = 1024

NC, NS = 2, 16
NW = NC * NS
RPW = B // NW
G = 16
NG = RPW // G

_j = np.arange(VP)
STACK_V = 4 * (_j % VW) + _j // VW
STACK_VALID = STACK_V < V
STACK_IDX = np.where(STACK_VALID, STACK_V, 0)


def _sc_counts_body(ids_hbm, out_hbm, ids_v, tile_a, tile_b, sem_a, sem_b):
    wid = lax.axis_index("s") * NC + lax.axis_index("c")
    pltpu.sync_copy(ids_hbm.at[wid], ids_v)

    lane = lax.broadcasted_iota(jnp.int32, (G,), 0)
    zeros = jnp.zeros((G,), jnp.int32)

    pending = [None, None]
    for g in range(NG):
        tile = tile_a if g % 2 == 0 else tile_b
        sem = sem_a if g % 2 == 0 else sem_b
        if pending[g % 2] is not None:
            pending[g % 2].wait()

        def zero_tile(k, _):
            for j in range(G):
                tile[j, pl.ds(k * 16, 16)] = zeros
            return 0
        lax.fori_loop(0, VW // 16, zero_tile, 0)

        lane_l = lane * L
        ones = jnp.full((G,), 1, jnp.int32)

        def scat1(l):
            ids_vec = plsc.load_gather(ids_v, [lane_l + (g * G * L + l)])
            val = jnp.left_shift(ones, (ids_vec & 3) * 8)
            plsc.addupdate_scatter(tile, [lane, ids_vec >> 2], val)

        def scat(i, _):
            for u in range(5):
                scat1(i * 5 + u)
            return 0
        lax.fori_loop(0, L // 5, scat, 0)

        cp = pltpu.make_async_copy(
            tile, out_hbm.at[pl.ds(wid * RPW + g * G, G), :], sem)
        cp.start()
        pending[g % 2] = cp
    pending[0].wait()
    pending[1].wait()


def _sc_counts(ids_grouped):
    mesh = plsc.VectorSubcoreMesh(core_axis_name="c", subcore_axis_name="s")
    run = functools.partial(
        pl.kernel,
        mesh=mesh,
        compiler_params=pltpu.CompilerParams(needs_layout_passes=False),
        out_type=jax.ShapeDtypeStruct((B, VW), jnp.int32),
        scratch_types=[
            pltpu.VMEM((RPW * L,), jnp.int32),
            pltpu.VMEM((G, VW), jnp.int32),
            pltpu.VMEM((G, VW), jnp.int32),
            pltpu.SemaphoreType.DMA,
            pltpu.SemaphoreType.DMA,
        ],
    )(_sc_counts_body)
    return run(ids_grouped)


def _tc_body(cnt_ref, pos_ref, table_ref, aux_ref, W1_ref, W2_ref, out_ref):
    w = cnt_ref[...]
    counts = jnp.concatenate(
        [((w >> (8 * q)) & 0xFF).astype(jnp.float32) for q in range(4)],
        axis=1)
    sym_mean = jnp.dot(counts, table_ref[...],
                       preferred_element_type=jnp.float32) * (1.0 / L)

    pos = pos_ref[...]
    par = lax.broadcasted_iota(jnp.int32, (1, 2 * L), 1) % 2
    px = jnp.sum(jnp.where(par == 0, pos, 0.0), axis=1, keepdims=True) * (1.0 / L)
    py = jnp.sum(jnp.where(par == 1, pos, 0.0), axis=1, keepdims=True) * (1.0 / L)
    aux = aux_ref[...]
    pos_pool = px * aux[0:1, :] + py * aux[1:2, :] + aux[2:3, :]

    pre = (jnp.dot(sym_mean, W1_ref[0:D, :], preferred_element_type=jnp.float32)
           + jnp.dot(pos_pool, W1_ref[D:2 * D, :], preferred_element_type=jnp.float32)
           + aux[3:4, :])
    h = 0.5 * pre * (1.0 + jax.lax.erf(pre * (2.0 ** -0.5)))
    out_ref[...] = jnp.dot(h, W2_ref[...],
                           preferred_element_type=jnp.float32) + aux[4:5, :]


def kernel(symbol_ids, positions, embed_table, pos_W, pos_b, W1, b1, W2, b2):
    ids_grouped = symbol_ids.reshape(NW, RPW * L)
    counts_w = _sc_counts(ids_grouped)

    table_stack = jnp.where(
        jnp.asarray(STACK_VALID[:, None]),
        embed_table[jnp.asarray(STACK_IDX), :],
        0.0,
    )

    pos_flat = positions.reshape(B, 2 * L)
    aux = jnp.concatenate([
        pos_W,
        pos_b[None, :], b1[None, :], b2[None, :],
        jnp.zeros((3, D), jnp.float32),
    ], axis=0)

    grid = (B // BLK,)
    return pl.pallas_call(
        _tc_body,
        grid=grid,
        in_specs=[
            pl.BlockSpec((BLK, VW), lambda i: (i, 0)),
            pl.BlockSpec((BLK, 2 * L), lambda i: (i, 0)),
            pl.BlockSpec((VP, D), lambda i: (0, 0)),
            pl.BlockSpec((8, D), lambda i: (0, 0)),
            pl.BlockSpec((2 * D, D), lambda i: (0, 0)),
            pl.BlockSpec((D, D), lambda i: (0, 0)),
        ],
        out_specs=pl.BlockSpec((BLK, D), lambda i: (i, 0)),
        out_shape=jax.ShapeDtypeStruct((B, D), jnp.float32),
    )(counts_w, pos_flat, table_stack, aux, W1, W2)

# --- scband reference (transcript-rebuilt; emitter-appended) ---
"""Pipeline reference for scband-simple-fswencoder-22780506538153 (READ-ONLY COPY).

The authoritative reference and input builder live on the scoring server;
editing this copy changes nothing except your own understanding.
"""

import jax, jax.numpy as jnp
import numpy as np

B, L, D, V = 4096, 50, 256, 1000

def setup_inputs(seed: int = 0) -> dict:
    key = jax.random.key(seed)
    ks = jax.random.split(key, 10)
    symbol_ids = jax.random.randint(ks[0], (B, L), 0, V, dtype=jnp.int32)
    positions = jnp.clip(jax.random.normal(ks[1], (B, L, 2), dtype=jnp.float32), -2.0, 2.0)
    # learned parameters
    embed_table = jax.random.normal(ks[2], (V, D), dtype=jnp.float32)
    pos_W = jax.random.normal(ks[3], (2, D), dtype=jnp.float32) * (1.0 / np.sqrt(2.0))
    pos_b = jax.random.normal(ks[4], (D,), dtype=jnp.float32) * 0.01
    W1 = jax.random.normal(ks[5], (2 * D, D), dtype=jnp.float32) * (1.0 / np.sqrt(2.0 * D))
    b1 = jax.random.normal(ks[6], (D,), dtype=jnp.float32) * 0.01
    W2 = jax.random.normal(ks[7], (D, D), dtype=jnp.float32) * (1.0 / np.sqrt(D))
    b2 = jax.random.normal(ks[8], (D,), dtype=jnp.float32) * 0.01
    return {"symbol_ids": symbol_ids, "positions": positions, "embed_table": embed_table,
            "pos_W": pos_W, "pos_b": pos_b, "W1": W1, "b1": b1, "W2": W2, "b2": b2}

def reference(symbol_ids, positions, embed_table, pos_W, pos_b, W1, b1, W2, b2):
    # per-symbol embedding lookup (SparseCore gather)
    sym_emb = jnp.take(embed_table, symbol_ids, axis=0)          # [B, L, D]
    # position encoder: Linear(2 -> D)
    pos_emb = positions @ pos_W + pos_b                          # [B, L, D]
    combined = jnp.concatenate([sym_emb, pos_emb], axis=-1)      # [B, L, 2D]
    # mean pool over symbols (matches torch.stack(...).mean(dim=0))
    pooled = jnp.mean(combined, axis=1)                          # [B, 2D]
    # output_proj: Linear(2D->D) -> GELU(exact erf, torch default) -> Linear(D->D)
    h = jax.nn.gelu(pooled @ W1 + b1, approximate=False)
    out = h @ W2 + b2                                            # [B, D]
    return out

if __name__ == "__main__":
    import jax
    _d = setup_inputs()
    print(jax.jit(kernel)(*tuple(_d.values())))

</pallas_src>

<mosaic_0001>
#map = affine_map<(d0, d1) -> (0, 0)>
module attributes {stable_mosaic.version = 14 : i64} {
  func.func @_sc_counts_body(%arg0: i32, %arg1: i32, %arg2: memref<32x6400xi32, #tpu.memory_space<hbm>>, %arg3: memref<4096x256xi32, #tpu.memory_space<hbm>>, %arg4: memref<6400xi32, #tpu.memory_space<vmem>>, %arg5: memref<16x256xi32, #tpu.memory_space<vmem>>, %arg6: memref<16x256xi32, #tpu.memory_space<vmem>>, %arg7: memref<!tpu.dma_semaphore, #tpu.memory_space<semaphore_mem>>, %arg8: memref<!tpu.dma_semaphore, #tpu.memory_space<semaphore_mem>>) attributes {dimension_semantics = [#tpu.dimension_semantics<core_parallel>, #tpu.dimension_semantics<subcore_parallel>], iteration_bounds = array<i64: 2, 16>, scalar_prefetch = 0 : i64, scratch_operands = 5 : i64, tpu.core_type = #tpu.core_type<sc_vector_subcore>, window_params = [{transform_indices = #map}, {transform_indices = #map}]} {
    %mul3A = arith.constant 2 : i32
    %mul3A_0 = arith.muli %arg1, %mul3A : i32
    %add3A = arith.addi %mul3A_0, %arg0 : i32
    "tpu.region"() ({
      %run_scoped3A = tpu.sem_alloc : memref<!tpu.dma_semaphore, #tpu.memory_space<semaphore_mem>>
      %dma_start3A_247 = arith.constant 0 : i32
      %dma_start3A_248 = tpu.memref_slice %arg2[%add3A, %dma_start3A_247] : memref<32x6400xi32, #tpu.memory_space<hbm>> -> memref<1x6400xi32, #tpu.memory_space<hbm>>
      %dma_start3A_249 = tpu.memref_squeeze %dma_start3A_248 : memref<1x6400xi32, #tpu.memory_space<hbm>> -> memref<6400xi32, #tpu.memory_space<hbm>>
      %dma_start3A_250 = arith.constant 0 : i32
      %dma_start3A_251 = tpu.memref_slice %arg2[%add3A, %dma_start3A_250] : memref<32x6400xi32, #tpu.memory_space<hbm>> -> memref<1x6400xi32, #tpu.memory_space<hbm>>
      %dma_start3A_252 = tpu.memref_squeeze %dma_start3A_251 : memref<1x6400xi32, #tpu.memory_space<hbm>> -> memref<6400xi32, #tpu.memory_space<hbm>>
      tpu.enqueue_dma source(%dma_start3A_252 : memref<6400xi32, #tpu.memory_space<hbm>>) target(%arg4 : memref<6400xi32, #tpu.memory_space<vmem>>) target_semaphore(%run_scoped3A : memref<!tpu.dma_semaphore, #tpu.memory_space<semaphore_mem>>)
      %dma_wait3A_253 = arith.constant 0 : i32
      %dma_wait3A_254 = tpu.memref_slice %arg2[%add3A, %dma_wait3A_253] : memref<32x6400xi32, #tpu.memory_space<hbm>> -> memref<1x6400xi32, #tpu.memory_space<hbm>>
      %dma_wait3A_255 = tpu.memref_squeeze %dma_wait3A_254 : memref<1x6400xi32, #tpu.memory_space<hbm>> -> memref<6400xi32, #tpu.memory_space<hbm>>
      %dma_wait3A_256 = arith.constant 0 : i32
      %dma_wait3A_257 = tpu.memref_slice %arg2[%add3A, %dma_wait3A_256] : memref<32x6400xi32, #tpu.memory_space<hbm>> -> memref<1x6400xi32, #tpu.memory_space<hbm>>
      %dma_wait3A_258 = tpu.memref_squeeze %dma_wait3A_257 : memref<1x6400xi32, #tpu.memory_space<hbm>> -> memref<6400xi32, #tpu.memory_space<hbm>>
      tpu.wait_dma2 semaphore(%run_scoped3A : memref<!tpu.dma_semaphore, #tpu.memory_space<semaphore_mem>>) src(%dma_wait3A_258 : memref<6400xi32, #tpu.memory_space<hbm>>) dst(%arg4 : memref<6400xi32, #tpu.memory_space<vmem>>)
      tpu.yield
    }) : () -> ()
    %iota3A = tpu.iota {dimensions = array<i32: 0>} : vector<16xi32>
    %broadcast_in_dim3A = arith.constant 0 : i32
    %broadcast_in_dim3A_1 = vector.broadcast %broadcast_in_dim3A : i32 to vector<16xi32>
    %scan3A = arith.constant 0 : i32
    %scan3A_2 = arith.constant 0 : i32
    %scan3A_3 = arith.constant 16 : i32
    %scan3A_4 = arith.addi %scan3A_2, %scan3A_3 : i32
    %scan3A_5 = arith.constant 1 : i32
    %scan3A_6 = scf.for %scan3A_247 = %scan3A_2 to %scan3A_4 step %scan3A_5 iter_args(%scan3A_248 = %scan3A) -> (i32)  : i32 {
      %mul3A_249 = arith.constant 16 : i32
      %mul3A_250 = arith.muli %scan3A_247, %mul3A_249 : i32
      %swap3A = arith.constant 0 : i32
      %swap3A_251 = arith.index_cast %swap3A : i32 to index
      %swap3A_252 = arith.index_cast %mul3A_250 : i32 to index
      %swap3A_253 = tpu.vector_load %arg5[%swap3A_251, %swap3A_252] {strides = array<i32>} : memref<16x256xi32, #tpu.memory_space<vmem>>, vector<16xi32>,
      tpu.vector_store %arg5[%swap3A_251, %swap3A_252], %broadcast_in_dim3A_1 {strides = array<i32>} : memref<16x256xi32, #tpu.memory_space<vmem>>, vector<16xi32>,
      %mul3A_254 = arith.constant 16 : i32
      %mul3A_255 = arith.muli %scan3A_247, %mul3A_254 : i32
      %swap3A_256 = arith.constant 1 : i32
      %swap3A_257 = arith.index_cast %swap3A_256 : i32 to index
      %swap3A_258 = arith.index_cast %mul3A_255 : i32 to index
      %swap3A_259 = tpu.vector_load %arg5[%swap3A_257, %swap3A_258] {strides = array<i32>} : memref<16x256xi32, #tpu.memory_space<vmem>>, vector<16xi32>,
      tpu.vector_store %arg5[%swap3A_257, %swap3A_258], %broadcast_in_dim3A_1 {strides = array<i32>} : memref<16x256xi32, #tpu.memory_space<vmem>>, vector<16xi32>,
      %mul3A_260 = arith.constant 16 : i32
      %mul3A_261 = arith.muli %scan3A_247, %mul3A_260 : i32
      %swap3A_262 = arith.constant 2 : i32
      %swap3A_263 = arith.index_cast %swap3A_262 : i32 to index
      %swap3A_264 = arith.index_cast %mul3A_261 : i32 to index
      %swap3A_265 = tpu.vector_load %arg5[%swap3A_263, %swap3A_264] {strides = array<i32>} : memref<16x256xi32, #tpu.memory_space<vmem>>, vector<16xi32>,
      tpu.vector_store %arg5[%swap3A_263, %swap3A_264], %broadcast_in_dim3A_1 {strides = array<i32>} : memref<16x256xi32, #tpu.memory_space<vmem>>, vector<16xi32>,
      %mul3A_266 = arith.constant 16 : i32
      %mul3A_267 = arith.muli %scan3A_247, %mul3A_266 : i32
      %swap3A_268 = arith.constant 3 : i32
      %swap3A_269 = arith.index_cast %swap3A_268 : i32 to index
      %swap3A_270 = arith.index_cast %mul3A_267 : i32 to index
      %swap3A_271 = tpu.vector_load %arg5[%swap3A_269, %swap3A_270] {strides = array<i32>} : memref<16x256xi32, #tpu.memory_space<vmem>>, vector<16xi32>,
      tpu.vector_store %arg5[%swap3A_269, %swap3A_270], %broadcast_in_dim3A_1 {strides = array<i32>} : memref<16x256xi32, #tpu.memory_space<vmem>>, vector<16xi32>,
      %mul3A_272 = arith.constant 16 : i32
      %mul3A_273 = arith.muli %scan3A_247, %mul3A_272 : i32
      %swap3A_274 = arith.constant 4 : i32
      %swap3A_275 = arith.index_cast %swap3A_274 : i32 to index
      %swap3A_276 = arith.index_cast %mul3A_273 : i32 to index
      %swap3A_277 = tpu.vector_load %arg5[%swap3A_275, %swap3A_276] {strides = array<i32>} : memref<16x256xi32, #tpu.memory_space<vmem>>, vector<16xi32>,
      tpu.vector_store %arg5[%swap3A_275, %swap3A_276], %broadcast_in_dim3A_1 {strides = array<i32>} : memref<16x256xi32, #tpu.memory_space<vmem>>, vector<16xi32>,
      %mul3A_278 = arith.constant 16 : i32
      %mul3A_279 = arith.muli %scan3A_247, %mul3A_278 : i32
      %swap3A_280 = arith.constant 5 : i32
      %swap3A_281 = arith.index_cast %swap3A_280 : i32 to index
      %swap3A_282 = arith.index_cast %mul3A_279 : i32 to index
      %swap3A_283 = tpu.vector_load %arg5[%swap3A_281, %swap3A_282] {strides = array<i32>} : memref<16x256xi32, #tpu.memory_space<vmem>>, vector<16xi32>,
      tpu.vector_store %arg5[%swap3A_281, %swap3A_282], %broadcast_in_dim3A_1 {strides = array<i32>} : memref<16x256xi32, #tpu.memory_space<vmem>>, vector<16xi32>,
      %mul3A_284 = arith.constant 16 : i32
      %mul3A_285 = arith.muli %scan3A_247, %mul3A_284 : i32
      %swap3A_286 = arith.constant 6 : i32
      %swap3A_287 = arith.index_cast %swap3A_286 : i32 to index
      %swap3A_288 = arith.index_cast %mul3A_285 : i32 to index
      %swap3A_289 = tpu.vector_load %arg5[%swap3A_287, %swap3A_288] {strides = array<i32>} : memref<16x256xi32, #tpu.memory_space<vmem>>, vector<16xi32>,
      tpu.vector_store %arg5[%swap3A_287, %swap3A_288], %broadcast_in_dim3A_1 {strides = array<i32>} : memref<16x256xi32, #tpu.memory_space<vmem>>, vector<16xi32>,
      %mul3A_290 = arith.constant 16 : i32
      %mul3A_291 = arith.muli %scan3A_247, %mul3A_290 : i32
      %swap3A_292 = arith.constant 7 : i32
      %swap3A_293 = arith.index_cast %swap3A_292 : i32 to index
      %swap3A_294 = arith.index_cast %mul3A_291 : i32 to index
      %swap3A_295 = tpu.vector_load %arg5[%swap3A_293, %swap3A_294] {strides = array<i32>} : memref<16x256xi32, #tpu.memory_space<vmem>>, vector<16xi32>,
      tpu.vector_store %arg5[%swap3A_293, %swap3A_294], %broadcast_in_dim3A_1 {strides = array<i32>} : memref<16x256xi32, #tpu.memory_space<vmem>>, vector<16xi32>,
      %mul3A_296 = arith.constant 16 : i32
      %mul3A_297 = arith.muli %scan3A_247, %mul3A_296 : i32
      %swap3A_298 = arith.constant 8 : i32
      %swap3A_299 = arith.index_cast %swap3A_298 : i32 to index
      %swap3A_300 = arith.index_cast %mul3A_297 : i32 to index
      %swap3A_301 = tpu.vector_load %arg5[%swap3A_299, %swap3A_300] {strides = array<i32>} : memref<16x256xi32, #tpu.memory_space<vmem>>, vector<16xi32>,
      tpu.vector_store %arg5[%swap3A_299, %swap3A_300], %broadcast_in_dim3A_1 {strides = array<i32>} : memref<16x256xi32, #tpu.memory_space<vmem>>, vector<16xi32>,
      %mul3A_302 = arith.constant 16 : i32
      %mul3A_303 = arith.muli %scan3A_247, %mul3A_302 : i32
      %swap3A_304 = arith.constant 9 : i32
      %swap3A_305 = arith.index_cast %swap3A_304 : i32 to index
      %swap3A_306 = arith.index_cast %mul3A_303 : i32 to index
      %swap3A_307 = tpu.vector_load %arg5[%swap3A_305, %swap3A_306] {strides = array<i32>} : memref<16x256xi32, #tpu.memory_space<vmem>>, vector<16xi32>,
      tpu.vector_store %arg5[%swap3A_305, %swap3A_306], %broadcast_in_dim3A_1 {strides = array<i32>} : memref<16x256xi32, #tpu.memory_space<vmem>>, vector<16xi32>,
      %mul3A_308 = arith.constant 16 : i32
      %mul3A_309 = arith.muli %scan3A_247, %mul3A_308 : i32
      %swap3A_310 = arith.constant 10 : i32
      %swap3A_311 = arith.index_cast %swap3A_310 : i32 to index
      %swap3A_312 = arith.index_cast %mul3A_309 : i32 to index
      %swap3A_313 = tpu.vector_load %arg5[%swap3A_311, %swap3A_312] {strides = array<i32>} : memref<16x256xi32, #tpu.memory_space<vmem>>, vector<16xi32>,
      tpu.vector_store %arg5[%swap3A_311, %swap3A_312], %broadcast_in_dim3A_1 {strides = array<i32>} : memref<16x256xi32, #tpu.memory_space<vmem>>, vector<16xi32>,
      %mul3A_314 = arith.constant 16 : i32
      %mul3A_315 = arith.muli %scan3A_247, %mul3A_314 : i32
      %swap3A_316 = arith.constant 11 : i32
      %swap3A_317 = arith.index_cast %swap3A_316 : i32 to index
      %swap3A_318 = arith.index_cast %mul3A_315 : i32 to index
      %swap3A_319 = tpu.vector_load %arg5[%swap3A_317, %swap3A_318] {strides = array<i32>} : memref<16x256xi32, #tpu.memory_space<vmem>>, vector<16xi32>,
      tpu.vector_store %arg5[%swap3A_317, %swap3A_318], %broadcast_in_dim3A_1 {strides = array<i32>} : memref<16x256xi32, #tpu.memory_space<vmem>>, vector<16xi32>,
      %mul3A_320 = arith.constant 16 : i32
      %mul3A_321 = arith.muli %scan3A_247, %mul3A_320 : i32
      %swap3A_322 = arith.constant 12 : i32
      %swap3A_323 = arith.index_cast %swap3A_322 : i32 to index
      %swap3A_324 = arith.index_cast %mul3A_321 : i32 to index
      %swap3A_325 = tpu.vector_load %arg5[%swap3A_323, %swap3A_324] {strides = array<i32>} : memref<16x256xi32, #tpu.memory_space<vmem>>, vector<16xi32>,
      tpu.vector_store %arg5[%swap3A_323, %swap3A_324], %broadcast_in_dim3A_1 {strides = array<i32>} : memref<16x256xi32, #tpu.memory_space<vmem>>, vector<16xi32>,
      %mul3A_326 = arith.constant 16 : i32
      %mul3A_327 = arith.muli %scan3A_247, %mul3A_326 : i32
      %swap3A_328 = arith.constant 13 : i32
      %swap3A_329 = arith.index_cast %swap3A_328 : i32 to index
      %swap3A_330 = arith.index_cast %mul3A_327 : i32 to index
      %swap3A_331 = tpu.vector_load %arg5[%swap3A_329, %swap3A_330] {strides = array<i32>} : memref<16x256xi32, #tpu.memory_space<vmem>>, vector<16xi32>,
      tpu.vector_store %arg5[%swap3A_329, %swap3A_330], %broadcast_in_dim3A_1 {strides = array<i32>} : memref<16x256xi32, #tpu.memory_space<vmem>>, vector<16xi32>,
      %mul3A_332 = arith.constant 16 : i32
      %mul3A_333 = arith.muli %scan3A_247, %mul3A_332 : i32
      %swap3A_334 = arith.constant 14 : i32
      %swap3A_335 = arith.index_cast %swap3A_334 : i32 to index
      %swap3A_336 = arith.index_cast %mul3A_333 : i32 to index
      %swap3A_337 = tpu.vector_load %arg5[%swap3A_335, %swap3A_336] {strides = array<i32>} : memref<16x256xi32, #tpu.memory_space<vmem>>, vector<16xi32>,
      tpu.vector_store %arg5[%swap3A_335, %swap3A_336], %broadcast_in_dim3A_1 {strides = array<i32>} : memref<16x256xi32, #tpu.memory_space<vmem>>, vector<16xi32>,
      %mul3A_338 = arith.constant 16 : i32
      %mul3A_339 = arith.muli %scan3A_247, %mul3A_338 : i32
      %swap3A_340 = arith.constant 15 : i32
      %swap3A_341 = arith.index_cast %swap3A_340 : i32 to index
      %swap3A_342 = arith.index_cast %mul3A_339 : i32 to index
      %swap3A_343 = tpu.vector_load %arg5[%swap3A_341, %swap3A_342] {strides = array<i32>} : memref<16x256xi32, #tpu.memory_space<vmem>>, vector<16xi32>,
      tpu.vector_store %arg5[%swap3A_341, %swap3A_342], %broadcast_in_dim3A_1 {strides = array<i32>} : memref<16x256xi32, #tpu.memory_space<vmem>>, vector<16xi32>,
      %scan3A_344 = arith.constant 0 : i32
      scf.yield %scan3A_344 : i32
    }
    %scan3A_7 = arith.constant 16 : i32
    %mul3A_8 = arith.constant 50 : i32
    %mul3A_9 = vector.broadcast %mul3A_8 : i32 to vector<16xi32>
    %mul3A_10 = arith.muli %iota3A, %mul3A_9 : vector<16xi32>
    %broadcast_in_dim3A_11 = arith.constant 1 : i32
    %broadcast_in_dim3A_12 = vector.broadcast %broadcast_in_dim3A_11 : i32 to vector<16xi32>
    %scan3A_13 = arith.constant 0 : i32
    %scan3A_14 = arith.constant 0 : i32
    %scan3A_15 = arith.constant 10 : i32
    %scan3A_16 = arith.addi %scan3A_14, %scan3A_15 : i32
    %scan3A_17 = arith.constant 1 : i32
    %scan3A_18 = scf.for %scan3A_247 = %scan3A_14 to %scan3A_16 step %scan3A_17 iter_args(%scan3A_248 = %scan3A_13) -> (i32)  : i32 {
      %mul3A_249 = arith.constant 5 : i32
      %mul3A_250 = arith.muli %scan3A_247, %mul3A_249 : i32
      %add3A_251 = arith.constant 0 : i32
      %add3A_252 = arith.addi %mul3A_250, %add3A_251 : i32
      %add3A_253 = arith.constant 0 : i32
      %add3A_254 = arith.addi %add3A_253, %add3A_252 : i32
      %add3A_255 = vector.broadcast %add3A_254 : i32 to vector<16xi32>
      %add3A_256 = arith.addi %mul3A_10, %add3A_255 : vector<16xi32>
      %gather3A = tpu.vector_load_idx %arg4[%add3A_256] : memref<6400xi32, #tpu.memory_space<vmem>>[vector<16xi32>], vector<16xi32>,
      %and3A = arith.constant 3 : i32
      %and3A_257 = vector.broadcast %and3A : i32 to vector<16xi32>
      %and3A_258 = arith.andi %gather3A, %and3A_257 : vector<16xi32>
      %mul3A_259 = arith.constant 8 : i32
      %mul3A_260 = vector.broadcast %mul3A_259 : i32 to vector<16xi32>
      %mul3A_261 = arith.muli %and3A_258, %mul3A_260 : vector<16xi32>
      %shift_left3A = arith.shli %broadcast_in_dim3A_12, %mul3A_261 : vector<16xi32>
      %shift_right_arithmetic3A = arith.constant 2 : i32
      %shift_right_arithmetic3A_262 = vector.broadcast %shift_right_arithmetic3A : i32 to vector<16xi32>
      %shift_right_arithmetic3A_263 = arith.shrsi %gather3A, %shift_right_arithmetic3A_262 : vector<16xi32>
      tpu.vector_store_idx %arg5[%iota3A, %shift_right_arithmetic3A_263], %shift_left3A {add = true} : memref<16x256xi32, #tpu.memory_space<vmem>>[vector<16xi32>, vector<16xi32>], vector<16xi32>,
      %mul3A_264 = arith.constant 5 : i32
      %mul3A_265 = arith.muli %scan3A_247, %mul3A_264 : i32
      %add3A_266 = arith.constant 1 : i32
      %add3A_267 = arith.addi %mul3A_265, %add3A_266 : i32
      %add3A_268 = arith.constant 0 : i32
      %add3A_269 = arith.addi %add3A_268, %add3A_267 : i32
      %add3A_270 = vector.broadcast %add3A_269 : i32 to vector<16xi32>
      %add3A_271 = arith.addi %mul3A_10, %add3A_270 : vector<16xi32>
      %gather3A_272 = tpu.vector_load_idx %arg4[%add3A_271] : memref<6400xi32, #tpu.memory_space<vmem>>[vector<16xi32>], vector<16xi32>,
      %and3A_273 = arith.constant 3 : i32
      %and3A_274 = vector.broadcast %and3A_273 : i32 to vector<16xi32>
      %and3A_275 = arith.andi %gather3A_272, %and3A_274 : vector<16xi32>
      %mul3A_276 = arith.constant 8 : i32
      %mul3A_277 = vector.broadcast %mul3A_276 : i32 to vector<16xi32>
      %mul3A_278 = arith.muli %and3A_275, %mul3A_277 : vector<16xi32>
      %shift_left3A_279 = arith.shli %broadcast_in_dim3A_12, %mul3A_278 : vector<16xi32>
      %shift_right_arithmetic3A_280 = arith.constant 2 : i32
      %shift_right_arithmetic3A_281 = vector.broadcast %shift_right_arithmetic3A_280 : i32 to vector<16xi32>
      %shift_right_arithmetic3A_282 = arith.shrsi %gather3A_272, %shift_right_arithmetic3A_281 : vector<16xi32>
      tpu.vector_store_idx %arg5[%iota3A, %shift_right_arithmetic3A_282], %shift_left3A_279 {add = true} : memref<16x256xi32, #tpu.memory_space<vmem>>[vector<16xi32>, vector<16xi32>], vector<16xi32>,
      %mul3A_283 = arith.constant 5 : i32
      %mul3A_284 = arith.muli %scan3A_247, %mul3A_283 : i32
      %add3A_285 = arith.constant 2 : i32
      %add3A_286 = arith.addi %mul3A_284, %add3A_285 : i32
      %add3A_287 = arith.constant 0 : i32
      %add3A_288 = arith.addi %add3A_287, %add3A_286 : i32
      %add3A_289 = vector.broadcast %add3A_288 : i32 to vector<16xi32>
      %add3A_290 = arith.addi %mul3A_10, %add3A_289 : vector<16xi32>
      %gather3A_291 = tpu.vector_load_idx %arg4[%add3A_290] : memref<6400xi32, #tpu.memory_space<vmem>>[vector<16xi32>], vector<16xi32>,
      %and3A_292 = arith.constant 3 : i32
      %and3A_293 = vector.broadcast %and3A_292 : i32 to vector<16xi32>
      %and3A_294 = arith.andi %gather3A_291, %and3A_293 : vector<16xi32>
      %mul3A_295 = arith.constant 8 : i32
      %mul3A_296 = vector.broadcast %mul3A_295 : i32 to vector<16xi32>
      %mul3A_297 = arith.muli %and3A_294, %mul3A_296 : vector<16xi32>
      %shift_left3A_298 = arith.shli %broadcast_in_dim3A_12, %mul3A_297 : vector<16xi32>
      %shift_right_arithmetic3A_299 = arith.constant 2 : i32
      %shift_right_arithmetic3A_300 = vector.broadcast %shift_right_arithmetic3A_299 : i32 to vector<16xi32>
      %shift_right_arithmetic3A_301 = arith.shrsi %gather3A_291, %shift_right_arithmetic3A_300 : vector<16xi32>
      tpu.vector_store_idx %arg5[%iota3A, %shift_right_arithmetic3A_301], %shift_left3A_298 {add = true} : memref<16x256xi32, #tpu.memory_space<vmem>>[vector<16xi32>, vector<16xi32>], vector<16xi32>,
      %mul3A_302 = arith.constant 5 : i32
      %mul3A_303 = arith.muli %scan3A_247, %mul3A_302 : i32
      %add3A_304 = arith.constant 3 : i32
      %add3A_305 = arith.addi %mul3A_303, %add3A_304 : i32
      %add3A_306 = arith.constant 0 : i32
      %add3A_307 = arith.addi %add3A_306, %add3A_305 : i32
      %add3A_308 = vector.broadcast %add3A_307 : i32 to vector<16xi32>
      %add3A_309 = arith.addi %mul3A_10, %add3A_308 : vector<16xi32>
      %gather3A_310 = tpu.vector_load_idx %arg4[%add3A_309] : memref<6400xi32, #tpu.memory_space<vmem>>[vector<16xi32>], vector<16xi32>,
      %and3A_311 = arith.constant 3 : i32
      %and3A_312 = vector.broadcast %and3A_311 : i32 to vector<16xi32>
      %and3A_313 = arith.andi %gather3A_310, %and3A_312 : vector<16xi32>
      %mul3A_314 = arith.constant 8 : i32
      %mul3A_315 = vector.broadcast %mul3A_314 : i32 to vector<16xi32>
      %mul3A_316 = arith.muli %and3A_313, %mul3A_315 : vector<16xi32>
      %shift_left3A_317 = arith.shli %broadcast_in_dim3A_12, %mul3A_316 : vector<16xi32>
      %shift_right_arithmetic3A_318 = arith.constant 2 : i32
      %shift_right_arithmetic3A_319 = vector.broadcast %shift_right_arithmetic3A_318 : i32 to vector<16xi32>
      %shift_right_arithmetic3A_320 = arith.shrsi %gather3A_310, %shift_right_arithmetic3A_319 : vector<16xi32>
      tpu.vector_store_idx %arg5[%iota3A, %shift_right_arithmetic3A_320], %shift_left3A_317 {add = true} : memref<16x256xi32, #tpu.memory_space<vmem>>[vector<16xi32>, vector<16xi32>], vector<16xi32>,
      %mul3A_321 = arith.constant 5 : i32
      %mul3A_322 = arith.muli %scan3A_247, %mul3A_321 : i32
      %add3A_323 = arith.constant 4 : i32
      %add3A_324 = arith.addi %mul3A_322, %add3A_323 : i32
      %add3A_325 = arith.constant 0 : i32
      %add3A_326 = arith.addi %add3A_325, %add3A_324 : i32
      %add3A_327 = vector.broadcast %add3A_326 : i32 to vector<16xi32>
      %add3A_328 = arith.addi %mul3A_10, %add3A_327 : vector<16xi32>
      %gather3A_329 = tpu.vector_load_idx %arg4[%add3A_328] : memref<6400xi32, #tpu.memory_space<vmem>>[vector<16xi32>], vector<16xi32>,
      %and3A_330 = arith.constant 3 : i32
      %and3A_331 = vector.broadcast %and3A_330 : i32 to vector<16xi32>
      %and3A_332 = arith.andi %gather3A_329, %and3A_331 : vector<16xi32>
      %mul3A_333 = arith.constant 8 : i32
      %mul3A_334 = vector.broadcast %mul3A_333 : i32 to vector<16xi32>
      %mul3A_335 = arith.muli %and3A_332, %mul3A_334 : vector<16xi32>
      %shift_left3A_336 = arith.shli %broadcast_in_dim3A_12, %mul3A_335 : vector<16xi32>
      %shift_right_arithmetic3A_337 = arith.constant 2 : i32
      %shift_right_arithmetic3A_338 = vector.broadcast %shift_right_arithmetic3A_337 : i32 to vector<16xi32>
      %shift_right_arithmetic3A_339 = arith.shrsi %gather3A_329, %shift_right_arithmetic3A_338 : vector<16xi32>
      tpu.vector_store_idx %arg5[%iota3A, %shift_right_arithmetic3A_339], %shift_left3A_336 {add = true} : memref<16x256xi32, #tpu.memory_space<vmem>>[vector<16xi32>, vector<16xi32>], vector<16xi32>,
      %scan3A_340 = arith.constant 0 : i32
      scf.yield %scan3A_340 : i32
    }
    %scan3A_19 = arith.constant 10 : i32
    %mul3A_20 = arith.constant 128 : i32
    %mul3A_21 = arith.muli %add3A, %mul3A_20 : i32
    %add3A_22 = arith.constant 0 : i32
    %add3A_23 = arith.addi %mul3A_21, %add3A_22 : i32
    %dma_start3A = arith.constant 0 : i32
    %dma_start3A_24 = tpu.memref_slice %arg3[%add3A_23, %dma_start3A] : memref<4096x256xi32, #tpu.memory_space<hbm>> -> memref<16x256xi32, #tpu.memory_space<hbm>>
    %dma_start3A_25 = arith.constant 0 : i32
    %dma_start3A_26 = tpu.memref_slice %arg3[%add3A_23, %dma_start3A_25] : memref<4096x256xi32, #tpu.memory_space<hbm>> -> memref<16x256xi32, #tpu.memory_space<hbm>>
    tpu.enqueue_dma source(%arg5 : memref<16x256xi32, #tpu.memory_space<vmem>>) target(%dma_start3A_26 : memref<16x256xi32, #tpu.memory_space<hbm>>) target_semaphore(%arg7 : memref<!tpu.dma_semaphore, #tpu.memory_space<semaphore_mem>>)
    %scan3A_27 = arith.constant 0 : i32
    %scan3A_28 = arith.constant 0 : i32
    %scan3A_29 = arith.constant 16 : i32
    %scan3A_30 = arith.addi %scan3A_28, %scan3A_29 : i32
    %scan3A_31 = arith.constant 1 : i32
    %scan3A_32 = scf.for %scan3A_247 = %scan3A_28 to %scan3A_30 step %scan3A_31 iter_args(%scan3A_248 = %scan3A_27) -> (i32)  : i32 {
      %mul3A_249 = arith.constant 16 : i32
      %mul3A_250 = arith.muli %scan3A_247, %mul3A_249 : i32
      %swap3A = arith.constant 0 : i32
      %swap3A_251 = arith.index_cast %swap3A : i32 to index
      %swap3A_252 = arith.index_cast %mul3A_250 : i32 to index
      %swap3A_253 = tpu.vector_load %arg6[%swap3A_251, %swap3A_252] {strides = array<i32>} : memref<16x256xi32, #tpu.memory_space<vmem>>, vector<16xi32>,
      tpu.vector_store %arg6[%swap3A_251, %swap3A_252], %broadcast_in_dim3A_1 {strides = array<i32>} : memref<16x256xi32, #tpu.memory_space<vmem>>, vector<16xi32>,
      %mul3A_254 = arith.constant 16 : i32
      %mul3A_255 = arith.muli %scan3A_247, %mul3A_254 : i32
      %swap3A_256 = arith.constant 1 : i32
      %swap3A_257 = arith.index_cast %swap3A_256 : i32 to index
      %swap3A_258 = arith.index_cast %mul3A_255 : i32 to index
      %swap3A_259 = tpu.vector_load %arg6[%swap3A_257, %swap3A_258] {strides = array<i32>} : memref<16x256xi32, #tpu.memory_space<vmem>>, vector<16xi32>,
      tpu.vector_store %arg6[%swap3A_257, %swap3A_258], %broadcast_in_dim3A_1 {strides = array<i32>} : memref<16x256xi32, #tpu.memory_space<vmem>>, vector<16xi32>,
      %mul3A_260 = arith.constant 16 : i32
      %mul3A_261 = arith.muli %scan3A_247, %mul3A_260 : i32
      %swap3A_262 = arith.constant 2 : i32
      %swap3A_263 = arith.index_cast %swap3A_262 : i32 to index
      %swap3A_264 = arith.index_cast %mul3A_261 : i32 to index
      %swap3A_265 = tpu.vector_load %arg6[%swap3A_263, %swap3A_264] {strides = array<i32>} : memref<16x256xi32, #tpu.memory_space<vmem>>, vector<16xi32>,
      tpu.vector_store %arg6[%swap3A_263, %swap3A_264], %broadcast_in_dim3A_1 {strides = array<i32>} : memref<16x256xi32, #tpu.memory_space<vmem>>, vector<16xi32>,
      %mul3A_266 = arith.constant 16 : i32
      %mul3A_267 = arith.muli %scan3A_247, %mul3A_266 : i32
      %swap3A_268 = arith.constant 3 : i32
      %swap3A_269 = arith.index_cast %swap3A_268 : i32 to index
      %swap3A_270 = arith.index_cast %mul3A_267 : i32 to index
      %swap3A_271 = tpu.vector_load %arg6[%swap3A_269, %swap3A_270] {strides = array<i32>} : memref<16x256xi32, #tpu.memory_space<vmem>>, vector<16xi32>,
      tpu.vector_store %arg6[%swap3A_269, %swap3A_270], %broadcast_in_dim3A_1 {strides = array<i32>} : memref<16x256xi32, #tpu.memory_space<vmem>>, vector<16xi32>,
      %mul3A_272 = arith.constant 16 : i32
      %mul3A_273 = arith.muli %scan3A_247, %mul3A_272 : i32
      %swap3A_274 = arith.constant 4 : i32
      %swap3A_275 = arith.index_cast %swap3A_274 : i32 to index
      %swap3A_276 = arith.index_cast %mul3A_273 : i32 to index
      %swap3A_277 = tpu.vector_load %arg6[%swap3A_275, %swap3A_276] {strides = array<i32>} : memref<16x256xi32, #tpu.memory_space<vmem>>, vector<16xi32>,
      tpu.vector_store %arg6[%swap3A_275, %swap3A_276], %broadcast_in_dim3A_1 {strides = array<i32>} : memref<16x256xi32, #tpu.memory_space<vmem>>, vector<16xi32>,
      %mul3A_278 = arith.constant 16 : i32
      %mul3A_279 = arith.muli %scan3A_247, %mul3A_278 : i32
      %swap3A_280 = arith.constant 5 : i32
      %swap3A_281 = arith.index_cast %swap3A_280 : i32 to index
      %swap3A_282 = arith.index_cast %mul3A_279 : i32 to index
      %swap3A_283 = tpu.vector_load %arg6[%swap3A_281, %swap3A_282] {strides = array<i32>} : memref<16x256xi32, #tpu.memory_space<vmem>>, vector<16xi32>,
      tpu.vector_store %arg6[%swap3A_281, %swap3A_282], %broadcast_in_dim3A_1 {strides = array<i32>} : memref<16x256xi32, #tpu.memory_space<vmem>>, vector<16xi32>,
      %mul3A_284 = arith.constant 16 : i32
      %mul3A_285 = arith.muli %scan3A_247, %mul3A_284 : i32
      %swap3A_286 = arith.constant 6 : i32
      %swap3A_287 = arith.index_cast %swap3A_286 : i32 to index
      %swap3A_288 = arith.index_cast %mul3A_285 : i32 to index
      %swap3A_289 = tpu.vector_load %arg6[%swap3A_287, %swap3A_288] {strides = array<i32>} : memref<16x256xi32, #tpu.memory_space<vmem>>, vector<16xi32>,
      tpu.vector_store %arg6[%swap3A_287, %swap3A_288], %broadcast_in_dim3A_1 {strides = array<i32>} : memref<16x256xi32, #tpu.memory_space<vmem>>, vector<16xi32>,
      %mul3A_290 = arith.constant 16 : i32
      %mul3A_291 = arith.muli %scan3A_247, %mul3A_290 : i32
      %swap3A_292 = arith.constant 7 : i32
      %swap3A_293 = arith.index_cast %swap3A_292 : i32 to index
      %swap3A_294 = arith.index_cast %mul3A_291 : i32 to index
      %swap3A_295 = tpu.vector_load %arg6[%swap3A_293, %swap3A_294] {strides = array<i32>} : memref<16x256xi32, #tpu.memory_space<vmem>>, vector<16xi32>,
      tpu.vector_store %arg6[%swap3A_293, %swap3A_294], %broadcast_in_dim3A_1 {strides = array<i32>} : memref<16x256xi32, #tpu.memory_space<vmem>>, vector<16xi32>,
      %mul3A_296 = arith.constant 16 : i32
      %mul3A_297 = arith.muli %scan3A_247, %mul3A_296 : i32
      %swap3A_298 = arith.constant 8 : i32
      %swap3A_299 = arith.index_cast %swap3A_298 : i32 to index
      %swap3A_300 = arith.index_cast %mul3A_297 : i32 to index
      %swap3A_301 = tpu.vector_load %arg6[%swap3A_299, %swap3A_300] {strides = array<i32>} : memref<16x256xi32, #tpu.memory_space<vmem>>, vector<16xi32>,
      tpu.vector_store %arg6[%swap3A_299, %swap3A_300], %broadcast_in_dim3A_1 {strides = array<i32>} : memref<16x256xi32, #tpu.memory_space<vmem>>, vector<16xi32>,
      %mul3A_302 = arith.constant 16 : i32
      %mul3A_303 = arith.muli %scan3A_247, %mul3A_302 : i32
      %swap3A_304 = arith.constant 9 : i32
      %swap3A_305 = arith.index_cast %swap3A_304 : i32 to index
      %swap3A_306 = arith.index_cast %mul3A_303 : i32 to index
      %swap3A_307 = tpu.vector_load %arg6[%swap3A_305, %swap3A_306] {strides = array<i32>} : memref<16x256xi32, #tpu.memory_space<vmem>>, vector<16xi32>,
      tpu.vector_store %arg6[%swap3A_305, %swap3A_306], %broadcast_in_dim3A_1 {strides = array<i32>} : memref<16x256xi32, #tpu.memory_space<vmem>>, vector<16xi32>,
      %mul3A_308 = arith.constant 16 : i32
      %mul3A_309 = arith.muli %scan3A_247, %mul3A_308 : i32
      %swap3A_310 = arith.constant 10 : i32
      %swap3A_311 = arith.index_cast %swap3A_310 : i32 to index
      %swap3A_312 = arith.index_cast %mul3A_309 : i32 to index
      %swap3A_313 = tpu.vector_load %arg6[%swap3A_311, %swap3A_312] {strides = array<i32>} : memref<16x256xi32, #tpu.memory_space<vmem>>, vector<16xi32>,
      tpu.vector_store %arg6[%swap3A_311, %swap3A_312], %broadcast_in_dim3A_1 {strides = array<i32>} : memref<16x256xi32, #tpu.memory_space<vmem>>, vector<16xi32>,
      %mul3A_314 = arith.constant 16 : i32
      %mul3A_315 = arith.muli %scan3A_247, %mul3A_314 : i32
      %swap3A_316 = arith.constant 11 : i32
      %swap3A_317 = arith.index_cast %swap3A_316 : i32 to index
      %swap3A_318 = arith.index_cast %mul3A_315 : i32 to index
      %swap3A_319 = tpu.vector_load %arg6[%swap3A_317, %swap3A_318] {strides = array<i32>} : memref<16x256xi32, #tpu.memory_space<vmem>>, vector<16xi32>,
      tpu.vector_store %arg6[%swap3A_317, %swap3A_318], %broadcast_in_dim3A_1 {strides = array<i32>} : memref<16x256xi32, #tpu.memory_space<vmem>>, vector<16xi32>,
      %mul3A_320 = arith.constant 16 : i32
      %mul3A_321 = arith.muli %scan3A_247, %mul3A_320 : i32
      %swap3A_322 = arith.constant 12 : i32
      %swap3A_323 = arith.index_cast %swap3A_322 : i32 to index
      %swap3A_324 = arith.index_cast %mul3A_321 : i32 to index
      %swap3A_325 = tpu.vector_load %arg6[%swap3A_323, %swap3A_324] {strides = array<i32>} : memref<16x256xi32, #tpu.memory_space<vmem>>, vector<16xi32>,
      tpu.vector_store %arg6[%swap3A_323, %swap3A_324], %broadcast_in_dim3A_1 {strides = array<i32>} : memref<16x256xi32, #tpu.memory_space<vmem>>, vector<16xi32>,
      %mul3A_326 = arith.constant 16 : i32
      %mul3A_327 = arith.muli %scan3A_247, %mul3A_326 : i32
      %swap3A_328 = arith.constant 13 : i32
      %swap3A_329 = arith.index_cast %swap3A_328 : i32 to index
      %swap3A_330 = arith.index_cast %mul3A_327 : i32 to index
      %swap3A_331 = tpu.vector_load %arg6[%swap3A_329, %swap3A_330] {strides = array<i32>} : memref<16x256xi32, #tpu.memory_space<vmem>>, vector<16xi32>,
      tpu.vector_store %arg6[%swap3A_329, %swap3A_330], %broadcast_in_dim3A_1 {strides = array<i32>} : memref<16x256xi32, #tpu.memory_space<vmem>>, vector<16xi32>,
      %mul3A_332 = arith.constant 16 : i32
      %mul3A_333 = arith.muli %scan3A_247, %mul3A_332 : i32
      %swap3A_334 = arith.constant 14 : i32
      %swap3A_335 = arith.index_cast %swap3A_334 : i32 to index
      %swap3A_336 = arith.index_cast %mul3A_333 : i32 to index
      %swap3A_337 = tpu.vector_load %arg6[%swap3A_335, %swap3A_336] {strides = array<i32>} : memref<16x256xi32, #tpu.memory_space<vmem>>, vector<16xi32>,
      tpu.vector_store %arg6[%swap3A_335, %swap3A_336], %broadcast_in_dim3A_1 {strides = array<i32>} : memref<16x256xi32, #tpu.memory_space<vmem>>, vector<16xi32>,
      %mul3A_338 = arith.constant 16 : i32
      %mul3A_339 = arith.muli %scan3A_247, %mul3A_338 : i32
      %swap3A_340 = arith.constant 15 : i32
      %swap3A_341 = arith.index_cast %swap3A_340 : i32 to index
      %swap3A_342 = arith.index_cast %mul3A_339 : i32 to index
      %swap3A_343 = tpu.vector_load %arg6[%swap3A_341, %swap3A_342] {strides = array<i32>} : memref<16x256xi32, #tpu.memory_space<vmem>>, vector<16xi32>,
      tpu.vector_store %arg6[%swap3A_341, %swap3A_342], %broadcast_in_dim3A_1 {strides = array<i32>} : memref<16x256xi32, #tpu.memory_space<vmem>>, vector<16xi32>,
      %scan3A_344 = arith.constant 0 : i32
      scf.yield %scan3A_344 : i32
    }
    %scan3A_33 = arith.constant 16 : i32
    %mul3A_34 = arith.constant 50 : i32
    %mul3A_35 = vector.broadcast %mul3A_34 : i32 to vector<16xi32>
    %mul3A_36 = arith.muli %iota3A, %mul3A_35 : vector<16xi32>
    %broadcast_in_dim3A_37 = arith.constant 1 : i32
    %broadcast_in_dim3A_38 = vector.broadcast %broadcast_in_dim3A_37 : i32 to vector<16xi32>
    %scan3A_39 = arith.constant 0 : i32
    %scan3A_40 = arith.constant 0 : i32
    %scan3A_41 = arith.constant 10 : i32
    %scan3A_42 = arith.addi %scan3A_40, %scan3A_41 : i32
    %scan3A_43 = arith.constant 1 : i32
    %scan3A_44 = scf.for %scan3A_247 = %scan3A_40 to %scan3A_42 step %scan3A_43 iter_args(%scan3A_248 = %scan3A_39) -> (i32)  : i32 {
      %mul3A_249 = arith.constant 5 : i32
      %mul3A_250 = arith.muli %scan3A_247, %mul3A_249 : i32
      %add3A_251 = arith.constant 0 : i32
      %add3A_252 = arith.addi %mul3A_250, %add3A_251 : i32
      %add3A_253 = arith.constant 800 : i32
      %add3A_254 = arith.addi %add3A_253, %add3A_252 : i32
      %add3A_255 = vector.broadcast %add3A_254 : i32 to vector<16xi32>
      %add3A_256 = arith.addi %mul3A_36, %add3A_255 : vector<16xi32>
      %gather3A = tpu.vector_load_idx %arg4[%add3A_256] : memref<6400xi32, #tpu.memory_space<vmem>>[vector<16xi32>], vector<16xi32>,
      %and3A = arith.constant 3 : i32
      %and3A_257 = vector.broadcast %and3A : i32 to vector<16xi32>
      %and3A_258 = arith.andi %gather3A, %and3A_257 : vector<16xi32>
      %mul3A_259 = arith.constant 8 : i32
      %mul3A_260 = vector.broadcast %mul3A_259 : i32 to vector<16xi32>
      %mul3A_261 = arith.muli %and3A_258, %mul3A_260 : vector<16xi32>
      %shift_left3A = arith.shli %broadcast_in_dim3A_38, %mul3A_261 : vector<16xi32>
      %shift_right_arithmetic3A = arith.constant 2 : i32
      %shift_right_arithmetic3A_262 = vector.broadcast %shift_right_arithmetic3A : i32 to vector<16xi32>
      %shift_right_arithmetic3A_263 = arith.shrsi %gather3A, %shift_right_arithmetic3A_262 : vector<16xi32>
      tpu.vector_store_idx %arg6[%iota3A, %shift_right_arithmetic3A_263], %shift_left3A {add = true} : memref<16x256xi32, #tpu.memory_space<vmem>>[vector<16xi32>, vector<16xi32>], vector<16xi32>,
      %mul3A_264 = arith.constant 5 : i32
      %mul3A_265 = arith.muli %scan3A_247, %mul3A_264 : i32
      %add3A_266 = arith.constant 1 : i32
      %add3A_267 = arith.addi %mul3A_265, %add3A_266 : i32
      %add3A_268 = arith.constant 800 : i32
      %add3A_269 = arith.addi %add3A_268, %add3A_267 : i32
      %add3A_270 = vector.broadcast %add3A_269 : i32 to vector<16xi32>
      %add3A_271 = arith.addi %mul3A_36, %add3A_270 : vector<16xi32>
      %gather3A_272 = tpu.vector_load_idx %arg4[%add3A_271] : memref<6400xi32, #tpu.memory_space<vmem>>[vector<16xi32>], vector<16xi32>,
      %and3A_273 = arith.constant 3 : i32
      %and3A_274 = vector.broadcast %and3A_273 : i32 to vector<16xi32>
      %and3A_275 = arith.andi %gather3A_272, %and3A_274 : vector<16xi32>
      %mul3A_276 = arith.constant 8 : i32
      %mul3A_277 = vector.broadcast %mul3A_276 : i32 to vector<16xi32>
      %mul3A_278 = arith.muli %and3A_275, %mul3A_277 : vector<16xi32>
      %shift_left3A_279 = arith.shli %broadcast_in_dim3A_38, %mul3A_278 : vector<16xi32>
      %shift_right_arithmetic3A_280 = arith.constant 2 : i32
      %shift_right_arithmetic3A_281 = vector.broadcast %shift_right_arithmetic3A_280 : i32 to vector<16xi32>
      %shift_right_arithmetic3A_282 = arith.shrsi %gather3A_272, %shift_right_arithmetic3A_281 : vector<16xi32>
      tpu.vector_store_idx %arg6[%iota3A, %shift_right_arithmetic3A_282], %shift_left3A_279 {add = true} : memref<16x256xi32, #tpu.memory_space<vmem>>[vector<16xi32>, vector<16xi32>], vector<16xi32>,
      %mul3A_283 = arith.constant 5 : i32
      %mul3A_284 = arith.muli %scan3A_247, %mul3A_283 : i32
      %add3A_285 = arith.constant 2 : i32
      %add3A_286 = arith.addi %mul3A_284, %add3A_285 : i32
      %add3A_287 = arith.constant 800 : i32
      %add3A_288 = arith.addi %add3A_287, %add3A_286 : i32
      %add3A_289 = vector.broadcast %add3A_288 : i32 to vector<16xi32>
      %add3A_290 = arith.addi %mul3A_36, %add3A_289 : vector<16xi32>
      %gather3A_291 = tpu.vector_load_idx %arg4[%add3A_290] : memref<6400xi32, #tpu.memory_space<vmem>>[vector<16xi32>], vector<16xi32>,
      %and3A_292 = arith.constant 3 : i32
      %and3A_293 = vector.broadcast %and3A_292 : i32 to vector<16xi32>
      %and3A_294 = arith.andi %gather3A_291, %and3A_293 : vector<16xi32>
      %mul3A_295 = arith.constant 8 : i32
      %mul3A_296 = vector.broadcast %mul3A_295 : i32 to vector<16xi32>
      %mul3A_297 = arith.muli %and3A_294, %mul3A_296 : vector<16xi32>
      %shift_left3A_298 = arith.shli %broadcast_in_dim3A_38, %mul3A_297 : vector<16xi32>
      %shift_right_arithmetic3A_299 = arith.constant 2 : i32
      %shift_right_arithmetic3A_300 = vector.broadcast %shift_right_arithmetic3A_299 : i32 to vector<16xi32>
      %shift_right_arithmetic3A_301 = arith.shrsi %gather3A_291, %shift_right_arithmetic3A_300 : vector<16xi32>
      tpu.vector_store_idx %arg6[%iota3A, %shift_right_arithmetic3A_301], %shift_left3A_298 {add = true} : memref<16x256xi32, #tpu.memory_space<vmem>>[vector<16xi32>, vector<16xi32>], vector<16xi32>,
      %mul3A_302 = arith.constant 5 : i32
      %mul3A_303 = arith.muli %scan3A_247, %mul3A_302 : i32
      %add3A_304 = arith.constant 3 : i32
      %add3A_305 = arith.addi %mul3A_303, %add3A_304 : i32
      %add3A_306 = arith.constant 800 : i32
      %add3A_307 = arith.addi %add3A_306, %add3A_305 : i32
      %add3A_308 = vector.broadcast %add3A_307 : i32 to vector<16xi32>
      %add3A_309 = arith.addi %mul3A_36, %add3A_308 : vector<16xi32>
      %gather3A_310 = tpu.vector_load_idx %arg4[%add3A_309] : memref<6400xi32, #tpu.memory_space<vmem>>[vector<16xi32>], vector<16xi32>,
      %and3A_311 = arith.constant 3 : i32
      %and3A_312 = vector.broadcast %and3A_311 : i32 to vector<16xi32>
      %and3A_313 = arith.andi %gather3A_310, %and3A_312 : vector<16xi32>
      %mul3A_314 = arith.constant 8 : i32
      %mul3A_315 = vector.broadcast %mul3A_314 : i32 to vector<16xi32>
      %mul3A_316 = arith.muli %and3A_313, %mul3A_315 : vector<16xi32>
      %shift_left3A_317 = arith.shli %broadcast_in_dim3A_38, %mul3A_316 : vector<16xi32>
      %shift_right_arithmetic3A_318 = arith.constant 2 : i32
      %shift_right_arithmetic3A_319 = vector.broadcast %shift_right_arithmetic3A_318 : i32 to vector<16xi32>
      %shift_right_arithmetic3A_320 = arith.shrsi %gather3A_310, %shift_right_arithmetic3A_319 : vector<16xi32>
      tpu.vector_store_idx %arg6[%iota3A, %shift_right_arithmetic3A_320], %shift_left3A_317 {add = true} : memref<16x256xi32, #tpu.memory_space<vmem>>[vector<16xi32>, vector<16xi32>], vector<16xi32>,
      %mul3A_321 = arith.constant 5 : i32
      %mul3A_322 = arith.muli %scan3A_247, %mul3A_321 : i32
      %add3A_323 = arith.constant 4 : i32
      %add3A_324 = arith.addi %mul3A_322, %add3A_323 : i32
      %add3A_325 = arith.constant 800 : i32
      %add3A_326 = arith.addi %add3A_325, %add3A_324 : i32
      %add3A_327 = vector.broadcast %add3A_326 : i32 to vector<16xi32>
      %add3A_328 = arith.addi %mul3A_36, %add3A_327 : vector<16xi32>
      %gather3A_329 = tpu.vector_load_idx %arg4[%add3A_328] : memref<6400xi32, #tpu.memory_space<vmem>>[vector<16xi32>], vector<16xi32>,
      %and3A_330 = arith.constant 3 : i32
      %and3A_331 = vector.broadcast %and3A_330 : i32 to vector<16xi32>
      %and3A_332 = arith.andi %gather3A_329, %and3A_331 : vector<16xi32>
      %mul3A_333 = arith.constant 8 : i32
      %mul3A_334 = vector.broadcast %mul3A_333 : i32 to vector<16xi32>
      %mul3A_335 = arith.muli %and3A_332, %mul3A_334 : vector<16xi32>
      %shift_left3A_336 = arith.shli %broadcast_in_dim3A_38, %mul3A_335 : vector<16xi32>
      %shift_right_arithmetic3A_337 = arith.constant 2 : i32
      %shift_right_arithmetic3A_338 = vector.broadcast %shift_right_arithmetic3A_337 : i32 to vector<16xi32>
      %shift_right_arithmetic3A_339 = arith.shrsi %gather3A_329, %shift_right_arithmetic3A_338 : vector<16xi32>
      tpu.vector_store_idx %arg6[%iota3A, %shift_right_arithmetic3A_339], %shift_left3A_336 {add = true} : memref<16x256xi32, #tpu.memory_space<vmem>>[vector<16xi32>, vector<16xi32>], vector<16xi32>,
      %scan3A_340 = arith.constant 0 : i32
      scf.yield %scan3A_340 : i32
    }
    %scan3A_45 = arith.constant 10 : i32
    %mul3A_46 = arith.constant 128 : i32
    %mul3A_47 = arith.muli %add3A, %mul3A_46 : i32
    %add3A_48 = arith.constant 16 : i32
    %add3A_49 = arith.addi %mul3A_47, %add3A_48 : i32
    %dma_start3A_50 = arith.constant 0 : i32
    %dma_start3A_51 = tpu.memref_slice %arg3[%add3A_49, %dma_start3A_50] : memref<4096x256xi32, #tpu.memory_space<hbm>> -> memref<16x256xi32, #tpu.memory_space<hbm>>
    %dma_start3A_52 = arith.constant 0 : i32
    %dma_start3A_53 = tpu.memref_slice %arg3[%add3A_49, %dma_start3A_52] : memref<4096x256xi32, #tpu.memory_space<hbm>> -> memref<16x256xi32, #tpu.memory_space<hbm>>
    tpu.enqueue_dma source(%arg6 : memref<16x256xi32, #tpu.memory_space<vmem>>) target(%dma_start3A_53 : memref<16x256xi32, #tpu.memory_space<hbm>>) target_semaphore(%arg8 : memref<!tpu.dma_semaphore, #tpu.memory_space<semaphore_mem>>)
    %dma_wait3A = arith.constant 0 : i32
    %dma_wait3A_54 = tpu.memref_slice %arg3[%add3A_23, %dma_wait3A] : memref<4096x256xi32, #tpu.memory_space<hbm>> -> memref<16x256xi32, #tpu.memory_space<hbm>>
    %dma_wait3A_55 = arith.constant 0 : i32
    %dma_wait3A_56 = tpu.memref_slice %arg3[%add3A_23, %dma_wait3A_55] : memref<4096x256xi32, #tpu.memory_space<hbm>> -> memref<16x256xi32, #tpu.memory_space<hbm>>
    tpu.wait_dma2 semaphore(%arg7 : memref<!tpu.dma_semaphore, #tpu.memory_space<semaphore_mem>>) src(%arg5 : memref<16x256xi32, #tpu.memory_space<vmem>>) dst(%dma_wait3A_56 : memref<16x256xi32, #tpu.memory_space<hbm>>)
    %scan3A_57 = arith.constant 0 : i32
    %scan3A_58 = arith.constant 0 : i32
    %scan3A_59 = arith.constant 16 : i32
    %scan3A_60 = arith.addi %scan3A_58, %scan3A_59 : i32
    %scan3A_61 = arith.constant 1 : i32
    %scan3A_62 = scf.for %scan3A_247 = %scan3A_58 to %scan3A_60 step %scan3A_61 iter_args(%scan3A_248 = %scan3A_57) -> (i32)  : i32 {
      %mul3A_249 = arith.constant 16 : i32
      %mul3A_250 = arith.muli %scan3A_247, %mul3A_249 : i32
      %swap3A = arith.constant 0 : i32
      %swap3A_251 = arith.index_cast %swap3A : i32 to index
      %swap3A_252 = arith.index_cast %mul3A_250 : i32 to index
      %swap3A_253 = tpu.vector_load %arg5[%swap3A_251, %swap3A_252] {strides = array<i32>} : memref<16x256xi32, #tpu.memory_space<vmem>>, vector<16xi32>,
      tpu.vector_store %arg5[%swap3A_251, %swap3A_252], %broadcast_in_dim3A_1 {strides = array<i32>} : memref<16x256xi32, #tpu.memory_space<vmem>>, vector<16xi32>,
      %mul3A_254 = arith.constant 16 : i32
      %mul3A_255 = arith.muli %scan3A_247, %mul3A_254 : i32
      %swap3A_256 = arith.constant 1 : i32
      %swap3A_257 = arith.index_cast %swap3A_256 : i32 to index
      %swap3A_258 = arith.index_cast %mul3A_255 : i32 to index
      %swap3A_259 = tpu.vector_load %arg5[%swap3A_257, %swap3A_258] {strides = array<i32>} : memref<16x256xi32, #tpu.memory_space<vmem>>, vector<16xi32>,
      tpu.vector_store %arg5[%swap3A_257, %swap3A_258], %broadcast_in_dim3A_1 {strides = array<i32>} : memref<16x256xi32, #tpu.memory_space<vmem>>, vector<16xi32>,
      %mul3A_260 = arith.constant 16 : i32
      %mul3A_261 = arith.muli %scan3A_247, %mul3A_260 : i32
      %swap3A_262 = arith.constant 2 : i32
      %swap3A_263 = arith.index_cast %swap3A_262 : i32 to index
      %swap3A_264 = arith.index_cast %mul3A_261 : i32 to index
      %swap3A_265 = tpu.vector_load %arg5[%swap3A_263, %swap3A_264] {strides = array<i32>} : memref<16x256xi32, #tpu.memory_space<vmem>>, vector<16xi32>,
      tpu.vector_store %arg5[%swap3A_263, %swap3A_264], %broadcast_in_dim3A_1 {strides = array<i32>} : memref<16x256xi32, #tpu.memory_space<vmem>>, vector<16xi32>,
      %mul3A_266 = arith.constant 16 : i32
      %mul3A_267 = arith.muli %scan3A_247, %mul3A_266 : i32
      %swap3A_268 = arith.constant 3 : i32
      %swap3A_269 = arith.index_cast %swap3A_268 : i32 to index
      %swap3A_270 = arith.index_cast %mul3A_267 : i32 to index
      %swap3A_271 = tpu.vector_load %arg5[%swap3A_269, %swap3A_270] {strides = array<i32>} : memref<16x256xi32, #tpu.memory_space<vmem>>, vector<16xi32>,
      tpu.vector_store %arg5[%swap3A_269, %swap3A_270], %broadcast_in_dim3A_1 {strides = array<i32>} : memref<16x256xi32, #tpu.memory_space<vmem>>, vector<16xi32>,
      %mul3A_272 = arith.constant 16 : i32
      %mul3A_273 = arith.muli %scan3A_247, %mul3A_272 : i32
      %swap3A_274 = arith.constant 4 : i32
      %swap3A_275 = arith.index_cast %swap3A_274 : i32 to index
      %swap3A_276 = arith.index_cast %mul3A_273 : i32 to index
      %swap3A_277 = tpu.vector_load %arg5[%swap3A_275, %swap3A_276] {strides = array<i32>} : memref<16x256xi32, #tpu.memory_space<vmem>>, vector<16xi32>,
      tpu.vector_store %arg5[%swap3A_275, %swap3A_276], %broadcast_in_dim3A_1 {strides = array<i32>} : memref<16x256xi32, #tpu.memory_space<vmem>>, vector<16xi32>,
      %mul3A_278 = arith.constant 16 : i32
      %mul3A_279 = arith.muli %scan3A_247, %mul3A_278 : i32
      %swap3A_280 = arith.constant 5 : i32
      %swap3A_281 = arith.index_cast %swap3A_280 : i32 to index
      %swap3A_282 = arith.index_cast %mul3A_279 : i32 to index
      %swap3A_283 = tpu.vector_load %arg5[%swap3A_281, %swap3A_282] {strides = array<i32>} : memref<16x256xi32, #tpu.memory_space<vmem>>, vector<16xi32>,
      tpu.vector_store %arg5[%swap3A_281, %swap3A_282], %broadcast_in_dim3A_1 {strides = array<i32>} : memref<16x256xi32, #tpu.memory_space<vmem>>, vector<16xi32>,
      %mul3A_284 = arith.constant 16 : i32
      %mul3A_285 = arith.muli %scan3A_247, %mul3A_284 : i32
      %swap3A_286 = arith.constant 6 : i32
      %swap3A_287 = arith.index_cast %swap3A_286 : i32 to index
      %swap3A_288 = arith.index_cast %mul3A_285 : i32 to index
      %swap3A_289 = tpu.vector_load %arg5[%swap3A_287, %swap3A_288] {strides = array<i32>} : memref<16x256xi32, #tpu.memory_space<vmem>>, vector<16xi32>,
      tpu.vector_store %arg5[%swap3A_287, %swap3A_288], %broadcast_in_dim3A_1 {strides = array<i32>} : memref<16x256xi32, #tpu.memory_space<vmem>>, vector<16xi32>,
      %mul3A_290 = arith.constant 16 : i32
      %mul3A_291 = arith.muli %scan3A_247, %mul3A_290 : i32
      %swap3A_292 = arith.constant 7 : i32
      %swap3A_293 = arith.index_cast %swap3A_292 : i32 to index
      %swap3A_294 = arith.index_cast %mul3A_291 : i32 to index
      %swap3A_295 = tpu.vector_load %arg5[%swap3A_293, %swap3A_294] {strides = array<i32>} : memref<16x256xi32, #tpu.memory_space<vmem>>, vector<16xi32>,
      tpu.vector_store %arg5[%swap3A_293, %swap3A_294], %broadcast_in_dim3A_1 {strides = array<i32>} : memref<16x256xi32, #tpu.memory_space<vmem>>, vector<16xi32>,
      %mul3A_296 = arith.constant 16 : i32
      %mul3A_297 = arith.muli %scan3A_247, %mul3A_296 : i32
      %swap3A_298 = arith.constant 8 : i32
      %swap3A_299 = arith.index_cast %swap3A_298 : i32 to index
      %swap3A_300 = arith.index_cast %mul3A_297 : i32 to index
      %swap3A_301 = tpu.vector_load %arg5[%swap3A_299, %swap3A_300] {strides = array<i32>} : memref<16x256xi32, #tpu.memory_space<vmem>>, vector<16xi32>,
      tpu.vector_store %arg5[%swap3A_299, %swap3A_300], %broadcast_in_dim3A_1 {strides = array<i32>} : memref<16x256xi32, #tpu.memory_space<vmem>>, vector<16xi32>,
      %mul3A_302 = arith.constant 16 : i32
      %mul3A_303 = arith.muli %scan3A_247, %mul3A_302 : i32
      %swap3A_304 = arith.constant 9 : i32
      %swap3A_305 = arith.index_cast %swap3A_304 : i32 to index
      %swap3A_306 = arith.index_cast %mul3A_303 : i32 to index
      %swap3A_307 = tpu.vector_load %arg5[%swap3A_305, %swap3A_306] {strides = array<i32>} : memref<16x256xi32, #tpu.memory_space<vmem>>, vector<16xi32>,
      tpu.vector_store %arg5[%swap3A_305, %swap3A_306], %broadcast_in_dim3A_1 {strides = array<i32>} : memref<16x256xi32, #tpu.memory_space<vmem>>, vector<16xi32>,
      %mul3A_308 = arith.constant 16 : i32
      %mul3A_309 = arith.muli %scan3A_247, %mul3A_308 : i32
      %swap3A_310 = arith.constant 10 : i32
      %swap3A_311 = arith.index_cast %swap3A_310 : i32 to index
      %swap3A_312 = arith.index_cast %mul3A_309 : i32 to index
      %swap3A_313 = tpu.vector_load %arg5[%swap3A_311, %swap3A_312] {strides = array<i32>} : memref<16x256xi32, #tpu.memory_space<vmem>>, vector<16xi32>,
      tpu.vector_store %arg5[%swap3A_311, %swap3A_312], %broadcast_in_dim3A_1 {strides = array<i32>} : memref<16x256xi32, #tpu.memory_space<vmem>>, vector<16xi32>,
      %mul3A_314 = arith.constant 16 : i32
      %mul3A_315 = arith.muli %scan3A_247, %mul3A_314 : i32
      %swap3A_316 = arith.constant 11 : i32
      %swap3A_317 = arith.index_cast %swap3A_316 : i32 to index
      %swap3A_318 = arith.index_cast %mul3A_315 : i32 to index
      %swap3A_319 = tpu.vector_load %arg5[%swap3A_317, %swap3A_318] {strides = array<i32>} : memref<16x256xi32, #tpu.memory_space<vmem>>, vector<16xi32>,
      tpu.vector_store %arg5[%swap3A_317, %swap3A_318], %broadcast_in_dim3A_1 {strides = array<i32>} : memref<16x256xi32, #tpu.memory_space<vmem>>, vector<16xi32>,
      %mul3A_320 = arith.constant 16 : i32
      %mul3A_321 = arith.muli %scan3A_247, %mul3A_320 : i32
      %swap3A_322 = arith.constant 12 : i32
      %swap3A_323 = arith.index_cast %swap3A_322 : i32 to index
      %swap3A_324 = arith.index_cast %mul3A_321 : i32 to index
      %swap3A_325 = tpu.vector_load %arg5[%swap3A_323, %swap3A_324] {strides = array<i32>} : memref<16x256xi32, #tpu.memory_space<vmem>>, vector<16xi32>,
      tpu.vector_store %arg5[%swap3A_323, %swap3A_324], %broadcast_in_dim3A_1 {strides = array<i32>} : memref<16x256xi32, #tpu.memory_space<vmem>>, vector<16xi32>,
      %mul3A_326 = arith.constant 16 : i32
      %mul3A_327 = arith.muli %scan3A_247, %mul3A_326 : i32
      %swap3A_328 = arith.constant 13 : i32
      %swap3A_329 = arith.index_cast %swap3A_328 : i32 to index
      %swap3A_330 = arith.index_cast %mul3A_327 : i32 to index
      %swap3A_331 = tpu.vector_load %arg5[%swap3A_329, %swap3A_330] {strides = array<i32>} : memref<16x256xi32, #tpu.memory_space<vmem>>, vector<16xi32>,
      tpu.vector_store %arg5[%swap3A_329, %swap3A_330], %broadcast_in_dim3A_1 {strides = array<i32>} : memref<16x256xi32, #tpu.memory_space<vmem>>, vector<16xi32>,
      %mul3A_332 = arith.constant 16 : i32
      %mul3A_333 = arith.muli %scan3A_247, %mul3A_332 : i32
      %swap3A_334 = arith.constant 14 : i32
      %swap3A_335 = arith.index_cast %swap3A_334 : i32 to index
      %swap3A_336 = arith.index_cast %mul3A_333 : i32 to index
      %swap3A_337 = tpu.vector_load %arg5[%swap3A_335, %swap3A_336] {strides = array<i32>} : memref<16x256xi32, #tpu.memory_space<vmem>>, vector<16xi32>,
      tpu.vector_store %arg5[%swap3A_335, %swap3A_336], %broadcast_in_dim3A_1 {strides = array<i32>} : memref<16x256xi32, #tpu.memory_space<vmem>>, vector<16xi32>,
      %mul3A_338 = arith.constant 16 : i32
      %mul3A_339 = arith.muli %scan3A_247, %mul3A_338 : i32
      %swap3A_340 = arith.constant 15 : i32
      %swap3A_341 = arith.index_cast %swap3A_340 : i32 to index
      %swap3A_342 = arith.index_cast %mul3A_339 : i32 to index
      %swap3A_343 = tpu.vector_load %arg5[%swap3A_341, %swap3A_342] {strides = array<i32>} : memref<16x256xi32, #tpu.memory_space<vmem>>, vector<16xi32>,
      tpu.vector_store %arg5[%swap3A_341, %swap3A_342], %broadcast_in_dim3A_1 {strides = array<i32>} : memref<16x256xi32, #tpu.memory_space<vmem>>, vector<16xi32>,
      %scan3A_344 = arith.constant 0 : i32
      scf.yield %scan3A_344 : i32
    }
    %scan3A_63 = arith.constant 16 : i32
    %mul3A_64 = arith.constant 50 : i32
    %mul3A_65 = vector.broadcast %mul3A_64 : i32 to vector<16xi32>
    %mul3A_66 = arith.muli %iota3A, %mul3A_65 : vector<16xi32>
    %broadcast_in_dim3A_67 = arith.constant 1 : i32
    %broadcast_in_dim3A_68 = vector.broadcast %broadcast_in_dim3A_67 : i32 to vector<16xi32>
    %scan3A_69 = arith.constant 0 : i32
    %scan3A_70 = arith.constant 0 : i32
    %scan3A_71 = arith.constant 10 : i32
    %scan3A_72 = arith.addi %scan3A_70, %scan3A_71 : i32
    %scan3A_73 = arith.constant 1 : i32
    %scan3A_74 = scf.for %scan3A_247 = %scan3A_70 to %scan3A_72 step %scan3A_73 iter_args(%scan3A_248 = %scan3A_69) -> (i32)  : i32 {
      %mul3A_249 = arith.constant 5 : i32
      %mul3A_250 = arith.muli %scan3A_247, %mul3A_249 : i32
      %add3A_251 = arith.constant 0 : i32
      %add3A_252 = arith.addi %mul3A_250, %add3A_251 : i32
      %add3A_253 = arith.constant 1600 : i32
      %add3A_254 = arith.addi %add3A_253, %add3A_252 : i32
      %add3A_255 = vector.broadcast %add3A_254 : i32 to vector<16xi32>
      %add3A_256 = arith.addi %mul3A_66, %add3A_255 : vector<16xi32>
      %gather3A = tpu.vector_load_idx %arg4[%add3A_256] : memref<6400xi32, #tpu.memory_space<vmem>>[vector<16xi32>], vector<16xi32>,
      %and3A = arith.constant 3 : i32
      %and3A_257 = vector.broadcast %and3A : i32 to vector<16xi32>
      %and3A_258 = arith.andi %gather3A, %and3A_257 : vector<16xi32>
      %mul3A_259 = arith.constant 8 : i32
      %mul3A_260 = vector.broadcast %mul3A_259 : i32 to vector<16xi32>
      %mul3A_261 = arith.muli %and3A_258, %mul3A_260 : vector<16xi32>
      %shift_left3A = arith.shli %broadcast_in_dim3A_68, %mul3A_261 : vector<16xi32>
      %shift_right_arithmetic3A = arith.constant 2 : i32
      %shift_right_arithmetic3A_262 = vector.broadcast %shift_right_arithmetic3A : i32 to vector<16xi32>
      %shift_right_arithmetic3A_263 = arith.shrsi %gather3A, %shift_right_arithmetic3A_262 : vector<16xi32>
      tpu.vector_store_idx %arg5[%iota3A, %shift_right_arithmetic3A_263], %shift_left3A {add = true} : memref<16x256xi32, #tpu.memory_space<vmem>>[vector<16xi32>, vector<16xi32>], vector<16xi32>,
      %mul3A_264 = arith.constant 5 : i32
      %mul3A_265 = arith.muli %scan3A_247, %mul3A_264 : i32
      %add3A_266 = arith.constant 1 : i32
      %add3A_267 = arith.addi %mul3A_265, %add3A_266 : i32
      %add3A_268 = arith.constant 1600 : i32
      %add3A_269 = arith.addi %add3A_268, %add3A_267 : i32
      %add3A_270 = vector.broadcast %add3A_269 : i32 to vector<16xi32>
      %add3A_271 = arith.addi %mul3A_66, %add3A_270 : vector<16xi32>
      %gather3A_272 = tpu.vector_load_idx %arg4[%add3A_271] : memref<6400xi32, #tpu.memory_space<vmem>>[vector<16xi32>], vector<16xi32>,
      %and3A_273 = arith.constant 3 : i32
      %and3A_274 = vector.broadcast %and3A_273 : i32 to vector<16xi32>
      %and3A_275 = arith.andi %gather3A_272, %and3A_274 : vector<16xi32>
      %mul3A_276 = arith.constant 8 : i32
      %mul3A_277 = vector.broadcast %mul3A_276 : i32 to vector<16xi32>
      %mul3A_278 = arith.muli %and3A_275, %mul3A_277 : vector<16xi32>
      %shift_left3A_279 = arith.shli %broadcast_in_dim3A_68, %mul3A_278 : vector<16xi32>
      %shift_right_arithmetic3A_280 = arith.constant 2 : i32
      %shift_right_arithmetic3A_281 = vector.broadcast %shift_right_arithmetic3A_280 : i32 to vector<16xi32>
      %shift_right_arithmetic3A_282 = arith.shrsi %gather3A_272, %shift_right_arithmetic3A_281 : vector<16xi32>
      tpu.vector_store_idx %arg5[%iota3A, %shift_right_arithmetic3A_282], %shift_left3A_279 {add = true} : memref<16x256xi32, #tpu.memory_space<vmem>>[vector<16xi32>, vector<16xi32>], vector<16xi32>,
      %mul3A_283 = arith.constant 5 : i32
      %mul3A_284 = arith.muli %scan3A_247, %mul3A_283 : i32
      %add3A_285 = arith.constant 2 : i32
      %add3A_286 = arith.addi %mul3A_284, %add3A_285 : i32
      %add3A_287 = arith.constant 1600 : i32
      %add3A_288 = arith.addi %add3A_287, %add3A_286 : i32
      %add3A_289 = vector.broadcast %add3A_288 : i32 to vector<16xi32>
      %add3A_290 = arith.addi %mul3A_66, %add3A_289 : vector<16xi32>
      %gather3A_291 = tpu.vector_load_idx %arg4[%add3A_290] : memref<6400xi32, #tpu.memory_space<vmem>>[vector<16xi32>], vector<16xi32>,
      %and3A_292 = arith.constant 3 : i32
      %and3A_293 = vector.broadcast %and3A_292 : i32 to vector<16xi32>
      %and3A_294 = arith.andi %gather3A_291, %and3A_293 : vector<16xi32>
      %mul3A_295 = arith.constant 8 : i32
      %mul3A_296 = vector.broadcast %mul3A_295 : i32 to vector<16xi32>
      %mul3A_297 = arith.muli %and3A_294, %mul3A_296 : vector<16xi32>
      %shift_left3A_298 = arith.shli %broadcast_in_dim3A_68, %mul3A_297 : vector<16xi32>
      %shift_right_arithmetic3A_299 = arith.constant 2 : i32
      %shift_right_arithmetic3A_300 = vector.broadcast %shift_right_arithmetic3A_299 : i32 to vector<16xi32>
      %shift_right_arithmetic3A_301 = arith.shrsi %gather3A_291, %shift_right_arithmetic3A_300 : vector<16xi32>
      tpu.vector_store_idx %arg5[%iota3A, %shift_right_arithmetic3A_301], %shift_left3A_298 {add = true} : memref<16x256xi32, #tpu.memory_space<vmem>>[vector<16xi32>, vector<16xi32>], vector<16xi32>,
      %mul3A_302 = arith.constant 5 : i32
      %mul3A_303 = arith.muli %scan3A_247, %mul3A_302 : i32
      %add3A_304 = arith.constant 3 : i32
      %add3A_305 = arith.addi %mul3A_303, %add3A_304 : i32
      %add3A_306 = arith.constant 1600 : i32
      %add3A_307 = arith.addi %add3A_306, %add3A_305 : i32
      %add3A_308 = vector.broadcast %add3A_307 : i32 to vector<16xi32>
      %add3A_309 = arith.addi %mul3A_66, %add3A_308 : vector<16xi32>
      %gather3A_310 = tpu.vector_load_idx %arg4[%add3A_309] : memref<6400xi32, #tpu.memory_space<vmem>>[vector<16xi32>], vector<16xi32>,
      %and3A_311 = arith.constant 3 : i32
      %and3A_312 = vector.broadcast %and3A_311 : i32 to vector<16xi32>
      %and3A_313 = arith.andi %gather3A_310, %and3A_312 : vector<16xi32>
      %mul3A_314 = arith.constant 8 : i32
      %mul3A_315 = vector.broadcast %mul3A_314 : i32 to vector<16xi32>
      %mul3A_316 = arith.muli %and3A_313, %mul3A_315 : vector<16xi32>
      %shift_left3A_317 = arith.shli %broadcast_in_dim3A_68, %mul3A_316 : vector<16xi32>
      %shift_right_arithmetic3A_318 = arith.constant 2 : i32
      %shift_right_arithmetic3A_319 = vector.broadcast %shift_right_arithmetic3A_318 : i32 to vector<16xi32>
      %shift_right_arithmetic3A_320 = arith.shrsi %gather3A_310, %shift_right_arithmetic3A_319 : vector<16xi32>
      tpu.vector_store_idx %arg5[%iota3A, %shift_right_arithmetic3A_320], %shift_left3A_317 {add = true} : memref<16x256xi32, #tpu.memory_space<vmem>>[vector<16xi32>, vector<16xi32>], vector<16xi32>,
      %mul3A_321 = arith.constant 5 : i32
      %mul3A_322 = arith.muli %scan3A_247, %mul3A_321 : i32
      %add3A_323 = arith.constant 4 : i32
      %add3A_324 = arith.addi %mul3A_322, %add3A_323 : i32
      %add3A_325 = arith.constant 1600 : i32
      %add3A_326 = arith.addi %add3A_325, %add3A_324 : i32
      %add3A_327 = vector.broadcast %add3A_326 : i32 to vector<16xi32>
      %add3A_328 = arith.addi %mul3A_66, %add3A_327 : vector<16xi32>
      %gather3A_329 = tpu.vector_load_idx %arg4[%add3A_328] : memref<6400xi32, #tpu.memory_space<vmem>>[vector<16xi32>], vector<16xi32>,
      %and3A_330 = arith.constant 3 : i32
      %and3A_331 = vector.broadcast %and3A_330 : i32 to vector<16xi32>
      %and3A_332 = arith.andi %gather3A_329, %and3A_331 : vector<16xi32>
      %mul3A_333 = arith.constant 8 : i32
      %mul3A_334 = vector.broadcast %mul3A_333 : i32 to vector<16xi32>
      %mul3A_335 = arith.muli %and3A_332, %mul3A_334 : vector<16xi32>
      %shift_left3A_336 = arith.shli %broadcast_in_dim3A_68, %mul3A_335 : vector<16xi32>
      %shift_right_arithmetic3A_337 = arith.constant 2 : i32
      %shift_right_arithmetic3A_338 = vector.broadcast %shift_right_arithmetic3A_337 : i32 to vector<16xi32>
      %shift_right_arithmetic3A_339 = arith.shrsi %gather3A_329, %shift_right_arithmetic3A_338 : vector<16xi32>
      tpu.vector_store_idx %arg5[%iota3A, %shift_right_arithmetic3A_339], %shift_left3A_336 {add = true} : memref<16x256xi32, #tpu.memory_space<vmem>>[vector<16xi32>, vector<16xi32>], vector<16xi32>,
      %scan3A_340 = arith.constant 0 : i32
      scf.yield %scan3A_340 : i32
    }
    %scan3A_75 = arith.constant 10 : i32
    %mul3A_76 = arith.constant 128 : i32
    %mul3A_77 = arith.muli %add3A, %mul3A_76 : i32
    %add3A_78 = arith.constant 32 : i32
    %add3A_79 = arith.addi %mul3A_77, %add3A_78 : i32
    %dma_start3A_80 = arith.constant 0 : i32
    %dma_start3A_81 = tpu.memref_slice %arg3[%add3A_79, %dma_start3A_80] : memref<4096x256xi32, #tpu.memory_space<hbm>> -> memref<16x256xi32, #tpu.memory_space<hbm>>
    %dma_start3A_82 = arith.constant 0 : i32
    %dma_start3A_83 = tpu.memref_slice %arg3[%add3A_79, %dma_start3A_82] : memref<4096x256xi32, #tpu.memory_space<hbm>> -> memref<16x256xi32, #tpu.memory_space<hbm>>
    tpu.enqueue_dma source(%arg5 : memref<16x256xi32, #tpu.memory_space<vmem>>) target(%dma_start3A_83 : memref<16x256xi32, #tpu.memory_space<hbm>>) target_semaphore(%arg7 : memref<!tpu.dma_semaphore, #tpu.memory_space<semaphore_mem>>)
    %dma_wait3A_84 = arith.constant 0 : i32
    %dma_wait3A_85 = tpu.memref_slice %arg3[%add3A_49, %dma_wait3A_84] : memref<4096x256xi32, #tpu.memory_space<hbm>> -> memref<16x256xi32, #tpu.memory_space<hbm>>
    %dma_wait3A_86 = arith.constant 0 : i32
    %dma_wait3A_87 = tpu.memref_slice %arg3[%add3A_49, %dma_wait3A_86] : memref<4096x256xi32, #tpu.memory_space<hbm>> -> memref<16x256xi32, #tpu.memory_space<hbm>>
    tpu.wait_dma2 semaphore(%arg8 : memref<!tpu.dma_semaphore, #tpu.memory_space<semaphore_mem>>) src(%arg6 : memref<16x256xi32, #tpu.memory_space<vmem>>) dst(%dma_wait3A_87 : memref<16x256xi32, #tpu.memory_space<hbm>>)
    %scan3A_88 = arith.constant 0 : i32
    %scan3A_89 = arith.constant 0 : i32
    %scan3A_90 = arith.constant 16 : i32
    %scan3A_91 = arith.addi %scan3A_89, %scan3A_90 : i32
    %scan3A_92 = arith.constant 1 : i32
    %scan3A_93 = scf.for %scan3A_247 = %scan3A_89 to %scan3A_91 step %scan3A_92 iter_args(%scan3A_248 = %scan3A_88) -> (i32)  : i32 {
      %mul3A_249 = arith.constant 16 : i32
      %mul3A_250 = arith.muli %scan3A_247, %mul3A_249 : i32
      %swap3A = arith.constant 0 : i32
      %swap3A_251 = arith.index_cast %swap3A : i32 to index
      %swap3A_252 = arith.index_cast %mul3A_250 : i32 to index
      %swap3A_253 = tpu.vector_load %arg6[%swap3A_251, %swap3A_252] {strides = array<i32>} : memref<16x256xi32, #tpu.memory_space<vmem>>, vector<16xi32>,
      tpu.vector_store %arg6[%swap3A_251, %swap3A_252], %broadcast_in_dim3A_1 {strides = array<i32>} : memref<16x256xi32, #tpu.memory_space<vmem>>, vector<16xi32>,
      %mul3A_254 = arith.constant 16 : i32
      %mul3A_255 = arith.muli %scan3A_247, %mul3A_254 : i32
      %swap3A_256 = arith.constant 1 : i32
      %swap3A_257 = arith.index_cast %swap3A_256 : i32 to index
      %swap3A_258 = arith.index_cast %mul3A_255 : i32 to index
      %swap3A_259 = tpu.vector_load %arg6[%swap3A_257, %swap3A_258] {strides = array<i32>} : memref<16x256xi32, #tpu.memory_space<vmem>>, vector<16xi32>,
      tpu.vector_store %arg6[%swap3A_257, %swap3A_258], %broadcast_in_dim3A_1 {strides = array<i32>} : memref<16x256xi32, #tpu.memory_space<vmem>>, vector<16xi32>,
      %mul3A_260 = arith.constant 16 : i32
      %mul3A_261 = arith.muli %scan3A_247, %mul3A_260 : i32
      %swap3A_262 = arith.constant 2 : i32
      %swap3A_263 = arith.index_cast %swap3A_262 : i32 to index
      %swap3A_264 = arith.index_cast %mul3A_261 : i32 to index
      %swap3A_265 = tpu.vector_load %arg6[%swap3A_263, %swap3A_264] {strides = array<i32>} : memref<16x256xi32, #tpu.memory_space<vmem>>, vector<16xi32>,
      tpu.vector_store %arg6[%swap3A_263, %swap3A_264], %broadcast_in_dim3A_1 {strides = array<i32>} : memref<16x256xi32, #tpu.memory_space<vmem>>, vector<16xi32>,
      %mul3A_266 = arith.constant 16 : i32
      %mul3A_267 = arith.muli %scan3A_247, %mul3A_266 : i32
      %swap3A_268 = arith.constant 3 : i32
      %swap3A_269 = arith.index_cast %swap3A_268 : i32 to index
      %swap3A_270 = arith.index_cast %mul3A_267 : i32 to index
      %swap3A_271 = tpu.vector_load %arg6[%swap3A_269, %swap3A_270] {strides = array<i32>} : memref<16x256xi32, #tpu.memory_space<vmem>>, vector<16xi32>,
      tpu.vector_store %arg6[%swap3A_269, %swap3A_270], %broadcast_in_dim3A_1 {strides = array<i32>} : memref<16x256xi32, #tpu.memory_space<vmem>>, vector<16xi32>,
      %mul3A_272 = arith.constant 16 : i32
      %mul3A_273 = arith.muli %scan3A_247, %mul3A_272 : i32
      %swap3A_274 = arith.constant 4 : i32
      %swap3A_275 = arith.index_cast %swap3A_274 : i32 to index
      %swap3A_276 = arith.index_cast %mul3A_273 : i32 to index
      %swap3A_277 = tpu.vector_load %arg6[%swap3A_275, %swap3A_276] {strides = array<i32>} : memref<16x256xi32, #tpu.memory_space<vmem>>, vector<16xi32>,
      tpu.vector_store %arg6[%swap3A_275, %swap3A_276], %broadcast_in_dim3A_1 {strides = array<i32>} : memref<16x256xi32, #tpu.memory_space<vmem>>, vector<16xi32>,
      %mul3A_278 = arith.constant 16 : i32
      %mul3A_279 = arith.muli %scan3A_247, %mul3A_278 : i32
      %swap3A_280 = arith.constant 5 : i32
      %swap3A_281 = arith.index_cast %swap3A_280 : i32 to index
      %swap3A_282 = arith.index_cast %mul3A_279 : i32 to index
      %swap3A_283 = tpu.vector_load %arg6[%swap3A_281, %swap3A_282] {strides = array<i32>} : memref<16x256xi32, #tpu.memory_space<vmem>>, vector<16xi32>,
      tpu.vector_store %arg6[%swap3A_281, %swap3A_282], %broadcast_in_dim3A_1 {strides = array<i32>} : memref<16x256xi32, #tpu.memory_space<vmem>>, vector<16xi32>,
      %mul3A_284 = arith.constant 16 : i32
      %mul3A_285 = arith.muli %scan3A_247, %mul3A_284 : i32
      %swap3A_286 = arith.constant 6 : i32
      %swap3A_287 = arith.index_cast %swap3A_286 : i32 to index
      %swap3A_288 = arith.index_cast %mul3A_285 : i32 to index
      %swap3A_289 = tpu.vector_load %arg6[%swap3A_287, %swap3A_288] {strides = array<i32>} : memref<16x256xi32, #tpu.memory_space<vmem>>, vector<16xi32>,
      tpu.vector_store %arg6[%swap3A_287, %swap3A_288], %broadcast_in_dim3A_1 {strides = array<i32>} : memref<16x256xi32, #tpu.memory_space<vmem>>, vector<16xi32>,
      %mul3A_290 = arith.constant 16 : i32
      %mul3A_291 = arith.muli %scan3A_247, %mul3A_290 : i32
      %swap3A_292 = arith.constant 7 : i32
      %swap3A_293 = arith.index_cast %swap3A_292 : i32 to index
      %swap3A_294 = arith.index_cast %mul3A_291 : i32 to index
      %swap3A_295 = tpu.vector_load %arg6[%swap3A_293, %swap3A_294] {strides = array<i32>} : memref<16x256xi32, #tpu.memory_space<vmem>>, vector<16xi32>,
      tpu.vector_store %arg6[%swap3A_293, %swap3A_294], %broadcast_in_dim3A_1 {strides = array<i32>} : memref<16x256xi32, #tpu.memory_space<vmem>>, vector<16xi32>,
      %mul3A_296 = arith.constant 16 : i32
      %mul3A_297 = arith.muli %scan3A_247, %mul3A_296 : i32
      %swap3A_298 = arith.constant 8 : i32
      %swap3A_299 = arith.index_cast %swap3A_298 : i32 to index
      %swap3A_300 = arith.index_cast %mul3A_297 : i32 to index
      %swap3A_301 = tpu.vector_load %arg6[%swap3A_299, %swap3A_300] {strides = array<i32>} : memref<16x256xi32, #tpu.memory_space<vmem>>, vector<16xi32>,
      tpu.vector_store %arg6[%swap3A_299, %swap3A_300], %broadcast_in_dim3A_1 {strides = array<i32>} : memref<16x256xi32, #tpu.memory_space<vmem>>, vector<16xi32>,
      %mul3A_302 = arith.constant 16 : i32
      %mul3A_303 = arith.muli %scan3A_247, %mul3A_302 : i32
      %swap3A_304 = arith.constant 9 : i32
      %swap3A_305 = arith.index_cast %swap3A_304 : i32 to index
      %swap3A_306 = arith.index_cast %mul3A_303 : i32 to index
      %swap3A_307 = tpu.vector_load %arg6[%swap3A_305, %swap3A_306] {strides = array<i32>} : memref<16x256xi32, #tpu.memory_space<vmem>>, vector<16xi32>,
      tpu.vector_store %arg6[%swap3A_305, %swap3A_306], %broadcast_in_dim3A_1 {strides = array<i32>} : memref<16x256xi32, #tpu.memory_space<vmem>>, vector<16xi32>,
      %mul3A_308 = arith.constant 16 : i32
      %mul3A_309 = arith.muli %scan3A_247, %mul3A_308 : i32
      %swap3A_310 = arith.constant 10 : i32
      %swap3A_311 = arith.index_cast %swap3A_310 : i32 to index
      %swap3A_312 = arith.index_cast %mul3A_309 : i32 to index
      %swap3A_313 = tpu.vector_load %arg6[%swap3A_311, %swap3A_312] {strides = array<i32>} : memref<16x256xi32, #tpu.memory_space<vmem>>, vector<16xi32>,
      tpu.vector_store %arg6[%swap3A_311, %swap3A_312], %broadcast_in_dim3A_1 {strides = array<i32>} : memref<16x256xi32, #tpu.memory_space<vmem>>, vector<16xi32>,
      %mul3A_314 = arith.constant 16 : i32
      %mul3A_315 = arith.muli %scan3A_247, %mul3A_314 : i32
      %swap3A_316 = arith.constant 11 : i32
      %swap3A_317 = arith.index_cast %swap3A_316 : i32 to index
      %swap3A_318 = arith.index_cast %mul3A_315 : i32 to index
      %swap3A_319 = tpu.vector_load %arg6[%swap3A_317, %swap3A_318] {strides = array<i32>} : memref<16x256xi32, #tpu.memory_space<vmem>>, vector<16xi32>,
      tpu.vector_store %arg6[%swap3A_317, %swap3A_318], %broadcast_in_dim3A_1 {strides = array<i32>} : memref<16x256xi32, #tpu.memory_space<vmem>>, vector<16xi32>,
      %mul3A_320 = arith.constant 16 : i32
      %mul3A_321 = arith.muli %scan3A_247, %mul3A_320 : i32
      %swap3A_322 = arith.constant 12 : i32
      %swap3A_323 = arith.index_cast %swap3A_322 : i32 to index
      %swap3A_324 = arith.index_cast %mul3A_321 : i32 to index
      %swap3A_325 = tpu.vector_load %arg6[%swap3A_323, %swap3A_324] {strides = array<i32>} : memref<16x256xi32, #tpu.memory_space<vmem>>, vector<16xi32>,
      tpu.vector_store %arg6[%swap3A_323, %swap3A_324], %broadcast_in_dim3A_1 {strides = array<i32>} : memref<16x256xi32, #tpu.memory_space<vmem>>, vector<16xi32>,
      %mul3A_326 = arith.constant 16 : i32
      %mul3A_327 = arith.muli %scan3A_247, %mul3A_326 : i32
      %swap3A_328 = arith.constant 13 : i32
      %swap3A_329 = arith.index_cast %swap3A_328 : i32 to index
      %swap3A_330 = arith.index_cast %mul3A_327 : i32 to index
      %swap3A_331 = tpu.vector_load %arg6[%swap3A_329, %swap3A_330] {strides = array<i32>} : memref<16x256xi32, #tpu.memory_space<vmem>>, vector<16xi32>,
      tpu.vector_store %arg6[%swap3A_329, %swap3A_330], %broadcast_in_dim3A_1 {strides = array<i32>} : memref<16x256xi32, #tpu.memory_space<vmem>>, vector<16xi32>,
      %mul3A_332 = arith.constant 16 : i32
      %mul3A_333 = arith.muli %scan3A_247, %mul3A_332 : i32
      %swap3A_334 = arith.constant 14 : i32
      %swap3A_335 = arith.index_cast %swap3A_334 : i32 to index
      %swap3A_336 = arith.index_cast %mul3A_333 : i32 to index
      %swap3A_337 = tpu.vector_load %arg6[%swap3A_335, %swap3A_336] {strides = array<i32>} : memref<16x256xi32, #tpu.memory_space<vmem>>, vector<16xi32>,
      tpu.vector_store %arg6[%swap3A_335, %swap3A_336], %broadcast_in_dim3A_1 {strides = array<i32>} : memref<16x256xi32, #tpu.memory_space<vmem>>, vector<16xi32>,
      %mul3A_338 = arith.constant 16 : i32
      %mul3A_339 = arith.muli %scan3A_247, %mul3A_338 : i32
      %swap3A_340 = arith.constant 15 : i32
      %swap3A_341 = arith.index_cast %swap3A_340 : i32 to index
      %swap3A_342 = arith.index_cast %mul3A_339 : i32 to index
      %swap3A_343 = tpu.vector_load %arg6[%swap3A_341, %swap3A_342] {strides = array<i32>} : memref<16x256xi32, #tpu.memory_space<vmem>>, vector<16xi32>,
      tpu.vector_store %arg6[%swap3A_341, %swap3A_342], %broadcast_in_dim3A_1 {strides = array<i32>} : memref<16x256xi32, #tpu.memory_space<vmem>>, vector<16xi32>,
      %scan3A_344 = arith.constant 0 : i32
      scf.yield %scan3A_344 : i32
    }
    %scan3A_94 = arith.constant 16 : i32
    %mul3A_95 = arith.constant 50 : i32
    %mul3A_96 = vector.broadcast %mul3A_95 : i32 to vector<16xi32>
    %mul3A_97 = arith.muli %iota3A, %mul3A_96 : vector<16xi32>
    %broadcast_in_dim3A_98 = arith.constant 1 : i32
    %broadcast_in_dim3A_99 = vector.broadcast %broadcast_in_dim3A_98 : i32 to vector<16xi32>
    %scan3A_100 = arith.constant 0 : i32
    %scan3A_101 = arith.constant 0 : i32
    %scan3A_102 = arith.constant 10 : i32
    %scan3A_103 = arith.addi %scan3A_101, %scan3A_102 : i32
    %scan3A_104 = arith.constant 1 : i32
    %scan3A_105 = scf.for %scan3A_247 = %scan3A_101 to %scan3A_103 step %scan3A_104 iter_args(%scan3A_248 = %scan3A_100) -> (i32)  : i32 {
      %mul3A_249 = arith.constant 5 : i32
      %mul3A_250 = arith.muli %scan3A_247, %mul3A_249 : i32
      %add3A_251 = arith.constant 0 : i32
      %add3A_252 = arith.addi %mul3A_250, %add3A_251 : i32
      %add3A_253 = arith.constant 2400 : i32
      %add3A_254 = arith.addi %add3A_253, %add3A_252 : i32
      %add3A_255 = vector.broadcast %add3A_254 : i32 to vector<16xi32>
      %add3A_256 = arith.addi %mul3A_97, %add3A_255 : vector<16xi32>
      %gather3A = tpu.vector_load_idx %arg4[%add3A_256] : memref<6400xi32, #tpu.memory_space<vmem>>[vector<16xi32>], vector<16xi32>,
      %and3A = arith.constant 3 : i32
      %and3A_257 = vector.broadcast %and3A : i32 to vector<16xi32>
      %and3A_258 = arith.andi %gather3A, %and3A_257 : vector<16xi32>
      %mul3A_259 = arith.constant 8 : i32
      %mul3A_260 = vector.broadcast %mul3A_259 : i32 to vector<16xi32>
      %mul3A_261 = arith.muli %and3A_258, %mul3A_260 : vector<16xi32>
      %shift_left3A = arith.shli %broadcast_in_dim3A_99, %mul3A_261 : vector<16xi32>
      %shift_right_arithmetic3A = arith.constant 2 : i32
      %shift_right_arithmetic3A_262 = vector.broadcast %shift_right_arithmetic3A : i32 to vector<16xi32>
      %shift_right_arithmetic3A_263 = arith.shrsi %gather3A, %shift_right_arithmetic3A_262 : vector<16xi32>
      tpu.vector_store_idx %arg6[%iota3A, %shift_right_arithmetic3A_263], %shift_left3A {add = true} : memref<16x256xi32, #tpu.memory_space<vmem>>[vector<16xi32>, vector<16xi32>], vector<16xi32>,
      %mul3A_264 = arith.constant 5 : i32
      %mul3A_265 = arith.muli %scan3A_247, %mul3A_264 : i32
      %add3A_266 = arith.constant 1 : i32
      %add3A_267 = arith.addi %mul3A_265, %add3A_266 : i32
      %add3A_268 = arith.constant 2400 : i32
      %add3A_269 = arith.addi %add3A_268, %add3A_267 : i32
      %add3A_270 = vector.broadcast %add3A_269 : i32 to vector<16xi32>
      %add3A_271 = arith.addi %mul3A_97, %add3A_270 : vector<16xi32>
      %gather3A_272 = tpu.vector_load_idx %arg4[%add3A_271] : memref<6400xi32, #tpu.memory_space<vmem>>[vector<16xi32>], vector<16xi32>,
      %and3A_273 = arith.constant 3 : i32
      %and3A_274 = vector.broadcast %and3A_273 : i32 to vector<16xi32>
      %and3A_275 = arith.andi %gather3A_272, %and3A_274 : vector<16xi32>
      %mul3A_276 = arith.constant 8 : i32
      %mul3A_277 = vector.broadcast %mul3A_276 : i32 to vector<16xi32>
      %mul3A_278 = arith.muli %and3A_275, %mul3A_277 : vector<16xi32>
      %shift_left3A_279 = arith.shli %broadcast_in_dim3A_99, %mul3A_278 : vector<16xi32>
      %shift_right_arithmetic3A_280 = arith.constant 2 : i32
      %shift_right_arithmetic3A_281 = vector.broadcast %shift_right_arithmetic3A_280 : i32 to vector<16xi32>
      %shift_right_arithmetic3A_282 = arith.shrsi %gather3A_272, %shift_right_arithmetic3A_281 : vector<16xi32>
      tpu.vector_store_idx %arg6[%iota3A, %shift_right_arithmetic3A_282], %shift_left3A_279 {add = true} : memref<16x256xi32, #tpu.memory_space<vmem>>[vector<16xi32>, vector<16xi32>], vector<16xi32>,
      %mul3A_283 = arith.constant 5 : i32
      %mul3A_284 = arith.muli %scan3A_247, %mul3A_283 : i32
      %add3A_285 = arith.constant 2 : i32
      %add3A_286 = arith.addi %mul3A_284, %add3A_285 : i32
      %add3A_287 = arith.constant 2400 : i32
      %add3A_288 = arith.addi %add3A_287, %add3A_286 : i32
      %add3A_289 = vector.broadcast %add3A_288 : i32 to vector<16xi32>
      %add3A_290 = arith.addi %mul3A_97, %add3A_289 : vector<16xi32>
      %gather3A_291 = tpu.vector_load_idx %arg4[%add3A_290] : memref<6400xi32, #tpu.memory_space<vmem>>[vector<16xi32>], vector<16xi32>,
      %and3A_292 = arith.constant 3 : i32
      %and3A_293 = vector.broadcast %and3A_292 : i32 to vector<16xi32>
      %and3A_294 = arith.andi %gather3A_291, %and3A_293 : vector<16xi32>
      %mul3A_295 = arith.constant 8 : i32
      %mul3A_296 = vector.broadcast %mul3A_295 : i32 to vector<16xi32>
      %mul3A_297 = arith.muli %and3A_294, %mul3A_296 : vector<16xi32>
      %shift_left3A_298 = arith.shli %broadcast_in_dim3A_99, %mul3A_297 : vector<16xi32>
      %shift_right_arithmetic3A_299 = arith.constant 2 : i32
      %shift_right_arithmetic3A_300 = vector.broadcast %shift_right_arithmetic3A_299 : i32 to vector<16xi32>
      %shift_right_arithmetic3A_301 = arith.shrsi %gather3A_291, %shift_right_arithmetic3A_300 : vector<16xi32>
      tpu.vector_store_idx %arg6[%iota3A, %shift_right_arithmetic3A_301], %shift_left3A_298 {add = true} : memref<16x256xi32, #tpu.memory_space<vmem>>[vector<16xi32>, vector<16xi32>], vector<16xi32>,
      %mul3A_302 = arith.constant 5 : i32
      %mul3A_303 = arith.muli %scan3A_247, %mul3A_302 : i32
      %add3A_304 = arith.constant 3 : i32
      %add3A_305 = arith.addi %mul3A_303, %add3A_304 : i32
      %add3A_306 = arith.constant 2400 : i32
      %add3A_307 = arith.addi %add3A_306, %add3A_305 : i32
      %add3A_308 = vector.broadcast %add3A_307 : i32 to vector<16xi32>
      %add3A_309 = arith.addi %mul3A_97, %add3A_308 : vector<16xi32>
      %gather3A_310 = tpu.vector_load_idx %arg4[%add3A_309] : memref<6400xi32, #tpu.memory_space<vmem>>[vector<16xi32>], vector<16xi32>,
      %and3A_311 = arith.constant 3 : i32
      %and3A_312 = vector.broadcast %and3A_311 : i32 to vector<16xi32>
      %and3A_313 = arith.andi %gather3A_310, %and3A_312 : vector<16xi32>
      %mul3A_314 = arith.constant 8 : i32
      %mul3A_315 = vector.broadcast %mul3A_314 : i32 to vector<16xi32>
      %mul3A_316 = arith.muli %and3A_313, %mul3A_315 : vector<16xi32>
      %shift_left3A_317 = arith.shli %broadcast_in_dim3A_99, %mul3A_316 : vector<16xi32>
      %shift_right_arithmetic3A_318 = arith.constant 2 : i32
      %shift_right_arithmetic3A_319 = vector.broadcast %shift_right_arithmetic3A_318 : i32 to vector<16xi32>
      %shift_right_arithmetic3A_320 = arith.shrsi %gather3A_310, %shift_right_arithmetic3A_319 : vector<16xi32>
      tpu.vector_store_idx %arg6[%iota3A, %shift_right_arithmetic3A_320], %shift_left3A_317 {add = true} : memref<16x256xi32, #tpu.memory_space<vmem>>[vector<16xi32>, vector<16xi32>], vector<16xi32>,
      %mul3A_321 = arith.constant 5 : i32
      %mul3A_322 = arith.muli %scan3A_247, %mul3A_321 : i32
      %add3A_323 = arith.constant 4 : i32
      %add3A_324 = arith.addi %mul3A_322, %add3A_323 : i32
      %add3A_325 = arith.constant 2400 : i32
      %add3A_326 = arith.addi %add3A_325, %add3A_324 : i32
      %add3A_327 = vector.broadcast %add3A_326 : i32 to vector<16xi32>
      %add3A_328 = arith.addi %mul3A_97, %add3A_327 : vector<16xi32>
      %gather3A_329 = tpu.vector_load_idx %arg4[%add3A_328] : memref<6400xi32, #tpu.memory_space<vmem>>[vector<16xi32>], vector<16xi32>,
      %and3A_330 = arith.constant 3 : i32
      %and3A_331 = vector.broadcast %and3A_330 : i32 to vector<16xi32>
      %and3A_332 = arith.andi %gather3A_329, %and3A_331 : vector<16xi32>
      %mul3A_333 = arith.constant 8 : i32
      %mul3A_334 = vector.broadcast %mul3A_333 : i32 to vector<16xi32>
      %mul3A_335 = arith.muli %and3A_332, %mul3A_334 : vector<16xi32>
      %shift_left3A_336 = arith.shli %broadcast_in_dim3A_99, %mul3A_335 : vector<16xi32>
      %shift_right_arithmetic3A_337 = arith.constant 2 : i32
      %shift_right_arithmetic3A_338 = vector.broadcast %shift_right_arithmetic3A_337 : i32 to vector<16xi32>
      %shift_right_arithmetic3A_339 = arith.shrsi %gather3A_329, %shift_right_arithmetic3A_338 : vector<16xi32>
      tpu.vector_store_idx %arg6[%iota3A, %shift_right_arithmetic3A_339], %shift_left3A_336 {add = true} : memref<16x256xi32, #tpu.memory_space<vmem>>[vector<16xi32>, vector<16xi32>], vector<16xi32>,
      %scan3A_340 = arith.constant 0 : i32
      scf.yield %scan3A_340 : i32
    }
    %scan3A_106 = arith.constant 10 : i32
    %mul3A_107 = arith.constant 128 : i32
    %mul3A_108 = arith.muli %add3A, %mul3A_107 : i32
    %add3A_109 = arith.constant 48 : i32
    %add3A_110 = arith.addi %mul3A_108, %add3A_109 : i32
    %dma_start3A_111 = arith.constant 0 : i32
    %dma_start3A_112 = tpu.memref_slice %arg3[%add3A_110, %dma_start3A_111] : memref<4096x256xi32, #tpu.memory_space<hbm>> -> memref<16x256xi32, #tpu.memory_space<hbm>>
    %dma_start3A_113 = arith.constant 0 : i32
    %dma_start3A_114 = tpu.memref_slice %arg3[%add3A_110, %dma_start3A_113] : memref<4096x256xi32, #tpu.memory_space<hbm>> -> memref<16x256xi32, #tpu.memory_space<hbm>>
    tpu.enqueue_dma source(%arg6 : memref<16x256xi32, #tpu.memory_space<vmem>>) target(%dma_start3A_114 : memref<16x256xi32, #tpu.memory_space<hbm>>) target_semaphore(%arg8 : memref<!tpu.dma_semaphore, #tpu.memory_space<semaphore_mem>>)
    %dma_wait3A_115 = arith.constant 0 : i32
    %dma_wait3A_116 = tpu.memref_slice %arg3[%add3A_79, %dma_wait3A_115] : memref<4096x256xi32, #tpu.memory_space<hbm>> -> memref<16x256xi32, #tpu.memory_space<hbm>>
    %dma_wait3A_117 = arith.constant 0 : i32
    %dma_wait3A_118 = tpu.memref_slice %arg3[%add3A_79, %dma_wait3A_117] : memref<4096x256xi32, #tpu.memory_space<hbm>> -> memref<16x256xi32, #tpu.memory_space<hbm>>
    tpu.wait_dma2 semaphore(%arg7 : memref<!tpu.dma_semaphore, #tpu.memory_space<semaphore_mem>>) src(%arg5 : memref<16x256xi32, #tpu.memory_space<vmem>>) dst(%dma_wait3A_118 : memref<16x256xi32, #tpu.memory_space<hbm>>)
    %scan3A_119 = arith.constant 0 : i32
    %scan3A_120 = arith.constant 0 : i32
    %scan3A_121 = arith.constant 16 : i32
    %scan3A_122 = arith.addi %scan3A_120, %scan3A_121 : i32
    %scan3A_123 = arith.constant 1 : i32
    %scan3A_124 = scf.for %scan3A_247 = %scan3A_120 to %scan3A_122 step %scan3A_123 iter_args(%scan3A_248 = %scan3A_119) -> (i32)  : i32 {
      %mul3A_249 = arith.constant 16 : i32
      %mul3A_250 = arith.muli %scan3A_247, %mul3A_249 : i32
      %swap3A = arith.constant 0 : i32
      %swap3A_251 = arith.index_cast %swap3A : i32 to index
      %swap3A_252 = arith.index_cast %mul3A_250 : i32 to index
      %swap3A_253 = tpu.vector_load %arg5[%swap3A_251, %swap3A_252] {strides = array<i32>} : memref<16x256xi32, #tpu.memory_space<vmem>>, vector<16xi32>,
      tpu.vector_store %arg5[%swap3A_251, %swap3A_252], %broadcast_in_dim3A_1 {strides = array<i32>} : memref<16x256xi32, #tpu.memory_space<vmem>>, vector<16xi32>,
      %mul3A_254 = arith.constant 16 : i32
      %mul3A_255 = arith.muli %scan3A_247, %mul3A_254 : i32
      %swap3A_256 = arith.constant 1 : i32
      %swap3A_257 = arith.index_cast %swap3A_256 : i32 to index
      %swap3A_258 = arith.index_cast %mul3A_255 : i32 to index
      %swap3A_259 = tpu.vector_load %arg5[%swap3A_257, %swap3A_258] {strides = array<i32>} : memref<16x256xi32, #tpu.memory_space<vmem>>, vector<16xi32>,
      tpu.vector_store %arg5[%swap3A_257, %swap3A_258], %broadcast_in_dim3A_1 {strides = array<i32>} : memref<16x256xi32, #tpu.memory_space<vmem>>, vector<16xi32>,
      %mul3A_260 = arith.constant 16 : i32
      %mul3A_261 = arith.muli %scan3A_247, %mul3A_260 : i32
      %swap3A_262 = arith.constant 2 : i32
      %swap3A_263 = arith.index_cast %swap3A_262 : i32 to index
      %swap3A_264 = arith.index_cast %mul3A_261 : i32 to index
      %swap3A_265 = tpu.vector_load %arg5[%swap3A_263, %swap3A_264] {strides = array<i32>} : memref<16x256xi32, #tpu.memory_space<vmem>>, vector<16xi32>,
      tpu.vector_store %arg5[%swap3A_263, %swap3A_264], %broadcast_in_dim3A_1 {strides = array<i32>} : memref<16x256xi32, #tpu.memory_space<vmem>>, vector<16xi32>,
      %mul3A_266 = arith.constant 16 : i32
      %mul3A_267 = arith.muli %scan3A_247, %mul3A_266 : i32
      %swap3A_268 = arith.constant 3 : i32
      %swap3A_269 = arith.index_cast %swap3A_268 : i32 to index
      %swap3A_270 = arith.index_cast %mul3A_267 : i32 to index
      %swap3A_271 = tpu.vector_load %arg5[%swap3A_269, %swap3A_270] {strides = array<i32>} : memref<16x256xi32, #tpu.memory_space<vmem>>, vector<16xi32>,
      tpu.vector_store %arg5[%swap3A_269, %swap3A_270], %broadcast_in_dim3A_1 {strides = array<i32>} : memref<16x256xi32, #tpu.memory_space<vmem>>, vector<16xi32>,
      %mul3A_272 = arith.constant 16 : i32
      %mul3A_273 = arith.muli %scan3A_247, %mul3A_272 : i32
      %swap3A_274 = arith.constant 4 : i32
      %swap3A_275 = arith.index_cast %swap3A_274 : i32 to index
      %swap3A_276 = arith.index_cast %mul3A_273 : i32 to index
      %swap3A_277 = tpu.vector_load %arg5[%swap3A_275, %swap3A_276] {strides = array<i32>} : memref<16x256xi32, #tpu.memory_space<vmem>>, vector<16xi32>,
      tpu.vector_store %arg5[%swap3A_275, %swap3A_276], %broadcast_in_dim3A_1 {strides = array<i32>} : memref<16x256xi32, #tpu.memory_space<vmem>>, vector<16xi32>,
      %mul3A_278 = arith.constant 16 : i32
      %mul3A_279 = arith.muli %scan3A_247, %mul3A_278 : i32
      %swap3A_280 = arith.constant 5 : i32
      %swap3A_281 = arith.index_cast %swap3A_280 : i32 to index
      %swap3A_282 = arith.index_cast %mul3A_279 : i32 to index
      %swap3A_283 = tpu.vector_load %arg5[%swap3A_281, %swap3A_282] {strides = array<i32>} : memref<16x256xi32, #tpu.memory_space<vmem>>, vector<16xi32>,
      tpu.vector_store %arg5[%swap3A_281, %swap3A_282], %broadcast_in_dim3A_1 {strides = array<i32>} : memref<16x256xi32, #tpu.memory_space<vmem>>, vector<16xi32>,
      %mul3A_284 = arith.constant 16 : i32
      %mul3A_285 = arith.muli %scan3A_247, %mul3A_284 : i32
      %swap3A_286 = arith.constant 6 : i32
      %swap3A_287 = arith.index_cast %swap3A_286 : i32 to index
      %swap3A_288 = arith.index_cast %mul3A_285 : i32 to index
      %swap3A_289 = tpu.vector_load %arg5[%swap3A_287, %swap3A_288] {strides = array<i32>} : memref<16x256xi32, #tpu.memory_space<vmem>>, vector<16xi32>,
      tpu.vector_store %arg5[%swap3A_287, %swap3A_288], %broadcast_in_dim3A_1 {strides = array<i32>} : memref<16x256xi32, #tpu.memory_space<vmem>>, vector<16xi32>,
      %mul3A_290 = arith.constant 16 : i32
      %mul3A_291 = arith.muli %scan3A_247, %mul3A_290 : i32
      %swap3A_292 = arith.constant 7 : i32
      %swap3A_293 = arith.index_cast %swap3A_292 : i32 to index
      %swap3A_294 = arith.index_cast %mul3A_291 : i32 to index
      %swap3A_295 = tpu.vector_load %arg5[%swap3A_293, %swap3A_294] {strides = array<i32>} : memref<16x256xi32, #tpu.memory_space<vmem>>, vector<16xi32>,
      tpu.vector_store %arg5[%swap3A_293, %swap3A_294], %broadcast_in_dim3A_1 {strides = array<i32>} : memref<16x256xi32, #tpu.memory_space<vmem>>, vector<16xi32>,
      %mul3A_296 = arith.constant 16 : i32
      %mul3A_297 = arith.muli %scan3A_247, %mul3A_296 : i32
      %swap3A_298 = arith.constant 8 : i32
      %swap3A_299 = arith.index_cast %swap3A_298 : i32 to index
      %swap3A_300 = arith.index_cast %mul3A_297 : i32 to index
      %swap3A_301 = tpu.vector_load %arg5[%swap3A_299, %swap3A_300] {strides = array<i32>} : memref<16x256xi32, #tpu.memory_space<vmem>>, vector<16xi32>,
      tpu.vector_store %arg5[%swap3A_299, %swap3A_300], %broadcast_in_dim3A_1 {strides = array<i32>} : memref<16x256xi32, #tpu.memory_space<vmem>>, vector<16xi32>,
      %mul3A_302 = arith.constant 16 : i32
      %mul3A_303 = arith.muli %scan3A_247, %mul3A_302 : i32
      %swap3A_304 = arith.constant 9 : i32
      %swap3A_305 = arith.index_cast %swap3A_304 : i32 to index
      %swap3A_306 = arith.index_cast %mul3A_303 : i32 to index
      %swap3A_307 = tpu.vector_load %arg5[%swap3A_305, %swap3A_306] {strides = array<i32>} : memref<16x256xi32, #tpu.memory_space<vmem>>, vector<16xi32>,
      tpu.vector_store %arg5[%swap3A_305, %swap3A_306], %broadcast_in_dim3A_1 {strides = array<i32>} : memref<16x256xi32, #tpu.memory_space<vmem>>, vector<16xi32>,
      %mul3A_308 = arith.constant 16 : i32
      %mul3A_309 = arith.muli %scan3A_247, %mul3A_308 : i32
      %swap3A_310 = arith.constant 10 : i32
      %swap3A_311 = arith.index_cast %swap3A_310 : i32 to index
      %swap3A_312 = arith.index_cast %mul3A_309 : i32 to index
      %swap3A_313 = tpu.vector_load %arg5[%swap3A_311, %swap3A_312] {strides = array<i32>} : memref<16x256xi32, #tpu.memory_space<vmem>>, vector<16xi32>,
      tpu.vector_store %arg5[%swap3A_311, %swap3A_312], %broadcast_in_dim3A_1 {strides = array<i32>} : memref<16x256xi32, #tpu.memory_space<vmem>>, vector<16xi32>,
      %mul3A_314 = arith.constant 16 : i32
      %mul3A_315 = arith.muli %scan3A_247, %mul3A_314 : i32
      %swap3A_316 = arith.constant 11 : i32
      %swap3A_317 = arith.index_cast %swap3A_316 : i32 to index
      %swap3A_318 = arith.index_cast %mul3A_315 : i32 to index
      %swap3A_319 = tpu.vector_load %arg5[%swap3A_317, %swap3A_318] {strides = array<i32>} : memref<16x256xi32, #tpu.memory_space<vmem>>, vector<16xi32>,
      tpu.vector_store %arg5[%swap3A_317, %swap3A_318], %broadcast_in_dim3A_1 {strides = array<i32>} : memref<16x256xi32, #tpu.memory_space<vmem>>, vector<16xi32>,
      %mul3A_320 = arith.constant 16 : i32
      %mul3A_321 = arith.muli %scan3A_247, %mul3A_320 : i32
      %swap3A_322 = arith.constant 12 : i32
      %swap3A_323 = arith.index_cast %swap3A_322 : i32 to index
      %swap3A_324 = arith.index_cast %mul3A_321 : i32 to index
      %swap3A_325 = tpu.vector_load %arg5[%swap3A_323, %swap3A_324] {strides = array<i32>} : memref<16x256xi32, #tpu.memory_space<vmem>>, vector<16xi32>,
      tpu.vector_store %arg5[%swap3A_323, %swap3A_324], %broadcast_in_dim3A_1 {strides = array<i32>} : memref<16x256xi32, #tpu.memory_space<vmem>>, vector<16xi32>,
      %mul3A_326 = arith.constant 16 : i32
      %mul3A_327 = arith.muli %scan3A_247, %mul3A_326 : i32
      %swap3A_328 = arith.constant 13 : i32
      %swap3A_329 = arith.index_cast %swap3A_328 : i32 to index
      %swap3A_330 = arith.index_cast %mul3A_327 : i32 to index
      %swap3A_331 = tpu.vector_load %arg5[%swap3A_329, %swap3A_330] {strides = array<i32>} : memref<16x256xi32, #tpu.memory_space<vmem>>, vector<16xi32>,
      tpu.vector_store %arg5[%swap3A_329, %swap3A_330], %broadcast_in_dim3A_1 {strides = array<i32>} : memref<16x256xi32, #tpu.memory_space<vmem>>, vector<16xi32>,
      %mul3A_332 = arith.constant 16 : i32
      %mul3A_333 = arith.muli %scan3A_247, %mul3A_332 : i32
      %swap3A_334 = arith.constant 14 : i32
      %swap3A_335 = arith.index_cast %swap3A_334 : i32 to index
      %swap3A_336 = arith.index_cast %mul3A_333 : i32 to index
      %swap3A_337 = tpu.vector_load %arg5[%swap3A_335, %swap3A_336] {strides = array<i32>} : memref<16x256xi32, #tpu.memory_space<vmem>>, vector<16xi32>,
      tpu.vector_store %arg5[%swap3A_335, %swap3A_336], %broadcast_in_dim3A_1 {strides = array<i32>} : memref<16x256xi32, #tpu.memory_space<vmem>>, vector<16xi32>,
      %mul3A_338 = arith.constant 16 : i32
      %mul3A_339 = arith.muli %scan3A_247, %mul3A_338 : i32
      %swap3A_340 = arith.constant 15 : i32
      %swap3A_341 = arith.index_cast %swap3A_340 : i32 to index
      %swap3A_342 = arith.index_cast %mul3A_339 : i32 to index
      %swap3A_343 = tpu.vector_load %arg5[%swap3A_341, %swap3A_342] {strides = array<i32>} : memref<16x256xi32, #tpu.memory_space<vmem>>, vector<16xi32>,
      tpu.vector_store %arg5[%swap3A_341, %swap3A_342], %broadcast_in_dim3A_1 {strides = array<i32>} : memref<16x256xi32, #tpu.memory_space<vmem>>, vector<16xi32>,
      %scan3A_344 = arith.constant 0 : i32
      scf.yield %scan3A_344 : i32
    }
    %scan3A_125 = arith.constant 16 : i32
    %mul3A_126 = arith.constant 50 : i32
    %mul3A_127 = vector.broadcast %mul3A_126 : i32 to vector<16xi32>
    %mul3A_128 = arith.muli %iota3A, %mul3A_127 : vector<16xi32>
    %broadcast_in_dim3A_129 = arith.constant 1 : i32
    %broadcast_in_dim3A_130 = vector.broadcast %broadcast_in_dim3A_129 : i32 to vector<16xi32>
    %scan3A_131 = arith.constant 0 : i32
    %scan3A_132 = arith.constant 0 : i32
    %scan3A_133 = arith.constant 10 : i32
    %scan3A_134 = arith.addi %scan3A_132, %scan3A_133 : i32
    %scan3A_135 = arith.constant 1 : i32
    %scan3A_136 = scf.for %scan3A_247 = %scan3A_132 to %scan3A_134 step %scan3A_135 iter_args(%scan3A_248 = %scan3A_131) -> (i32)  : i32 {
      %mul3A_249 = arith.constant 5 : i32
      %mul3A_250 = arith.muli %scan3A_247, %mul3A_249 : i32
      %add3A_251 = arith.constant 0 : i32
      %add3A_252 = arith.addi %mul3A_250, %add3A_251 : i32
      %add3A_253 = arith.constant 3200 : i32
      %add3A_254 = arith.addi %add3A_253, %add3A_252 : i32
      %add3A_255 = vector.broadcast %add3A_254 : i32 to vector<16xi32>
      %add3A_256 = arith.addi %mul3A_128, %add3A_255 : vector<16xi32>
      %gather3A = tpu.vector_load_idx %arg4[%add3A_256] : memref<6400xi32, #tpu.memory_space<vmem>>[vector<16xi32>], vector<16xi32>,
      %and3A = arith.constant 3 : i32
      %and3A_257 = vector.broadcast %and3A : i32 to vector<16xi32>
      %and3A_258 = arith.andi %gather3A, %and3A_257 : vector<16xi32>
      %mul3A_259 = arith.constant 8 : i32
      %mul3A_260 = vector.broadcast %mul3A_259 : i32 to vector<16xi32>
      %mul3A_261 = arith.muli %and3A_258, %mul3A_260 : vector<16xi32>
      %shift_left3A = arith.shli %broadcast_in_dim3A_130, %mul3A_261 : vector<16xi32>
      %shift_right_arithmetic3A = arith.constant 2 : i32
      %shift_right_arithmetic3A_262 = vector.broadcast %shift_right_arithmetic3A : i32 to vector<16xi32>
      %shift_right_arithmetic3A_263 = arith.shrsi %gather3A, %shift_right_arithmetic3A_262 : vector<16xi32>
      tpu.vector_store_idx %arg5[%iota3A, %shift_right_arithmetic3A_263], %shift_left3A {add = true} : memref<16x256xi32, #tpu.memory_space<vmem>>[vector<16xi32>, vector<16xi32>], vector<16xi32>,
      %mul3A_264 = arith.constant 5 : i32
      %mul3A_265 = arith.muli %scan3A_247, %mul3A_264 : i32
      %add3A_266 = arith.constant 1 : i32
      %add3A_267 = arith.addi %mul3A_265, %add3A_266 : i32
      %add3A_268 = arith.constant 3200 : i32
      %add3A_269 = arith.addi %add3A_268, %add3A_267 : i32
      %add3A_270 = vector.broadcast %add3A_269 : i32 to vector<16xi32>
      %add3A_271 = arith.addi %mul3A_128, %add3A_270 : vector<16xi32>
      %gather3A_272 = tpu.vector_load_idx %arg4[%add3A_271] : memref<6400xi32, #tpu.memory_space<vmem>>[vector<16xi32>], vector<16xi32>,
      %and3A_273 = arith.constant 3 : i32
      %and3A_274 = vector.broadcast %and3A_273 : i32 to vector<16xi32>
      %and3A_275 = arith.andi %gather3A_272, %and3A_274 : vector<16xi32>
      %mul3A_276 = arith.constant 8 : i32
      %mul3A_277 = vector.broadcast %mul3A_276 : i32 to vector<16xi32>
      %mul3A_278 = arith.muli %and3A_275, %mul3A_277 : vector<16xi32>
      %shift_left3A_279 = arith.shli %broadcast_in_dim3A_130, %mul3A_278 : vector<16xi32>
      %shift_right_arithmetic3A_280 = arith.constant 2 : i32
      %shift_right_arithmetic3A_281 = vector.broadcast %shift_right_arithmetic3A_280 : i32 to vector<16xi32>
      %shift_right_arithmetic3A_282 = arith.shrsi %gather3A_272, %shift_right_arithmetic3A_281 : vector<16xi32>
      tpu.vector_store_idx %arg5[%iota3A, %shift_right_arithmetic3A_282], %shift_left3A_279 {add = true} : memref<16x256xi32, #tpu.memory_space<vmem>>[vector<16xi32>, vector<16xi32>], vector<16xi32>,
      %mul3A_283 = arith.constant 5 : i32
      %mul3A_284 = arith.muli %scan3A_247, %mul3A_283 : i32
      %add3A_285 = arith.constant 2 : i32
      %add3A_286 = arith.addi %mul3A_284, %add3A_285 : i32
      %add3A_287 = arith.constant 3200 : i32
      %add3A_288 = arith.addi %add3A_287, %add3A_286 : i32
      %add3A_289 = vector.broadcast %add3A_288 : i32 to vector<16xi32>
      %add3A_290 = arith.addi %mul3A_128, %add3A_289 : vector<16xi32>
      %gather3A_291 = tpu.vector_load_idx %arg4[%add3A_290] : memref<6400xi32, #tpu.memory_space<vmem>>[vector<16xi32>], vector<16xi32>,
      %and3A_292 = arith.constant 3 : i32
      %and3A_293 = vector.broadcast %and3A_292 : i32 to vector<16xi32>
      %and3A_294 = arith.andi %gather3A_291, %and3A_293 : vector<16xi32>
      %mul3A_295 = arith.constant 8 : i32
      %mul3A_296 = vector.broadcast %mul3A_295 : i32 to vector<16xi32>
      %mul3A_297 = arith.muli %and3A_294, %mul3A_296 : vector<16xi32>
      %shift_left3A_298 = arith.shli %broadcast_in_dim3A_130, %mul3A_297 : vector<16xi32>
      %shift_right_arithmetic3A_299 = arith.constant 2 : i32
      %shift_right_arithmetic3A_300 = vector.broadcast %shift_right_arithmetic3A_299 : i32 to vector<16xi32>
      %shift_right_arithmetic3A_301 = arith.shrsi %gather3A_291, %shift_right_arithmetic3A_300 : vector<16xi32>
      tpu.vector_store_idx %arg5[%iota3A, %shift_right_arithmetic3A_301], %shift_left3A_298 {add = true} : memref<16x256xi32, #tpu.memory_space<vmem>>[vector<16xi32>, vector<16xi32>], vector<16xi32>,
      %mul3A_302 = arith.constant 5 : i32
      %mul3A_303 = arith.muli %scan3A_247, %mul3A_302 : i32
      %add3A_304 = arith.constant 3 : i32
      %add3A_305 = arith.addi %mul3A_303, %add3A_304 : i32
      %add3A_306 = arith.constant 3200 : i32
      %add3A_307 = arith.addi %add3A_306, %add3A_305 : i32
      %add3A_308 = vector.broadcast %add3A_307 : i32 to vector<16xi32>
      %add3A_309 = arith.addi %mul3A_128, %add3A_308 : vector<16xi32>
      %gather3A_310 = tpu.vector_load_idx %arg4[%add3A_309] : memref<6400xi32, #tpu.memory_space<vmem>>[vector<16xi32>], vector<16xi32>,
      %and3A_311 = arith.constant 3 : i32
      %and3A_312 = vector.broadcast %and3A_311 : i32 to vector<16xi32>
      %and3A_313 = arith.andi %gather3A_310, %and3A_312 : vector<16xi32>
      %mul3A_314 = arith.constant 8 : i32
      %mul3A_315 = vector.broadcast %mul3A_314 : i32 to vector<16xi32>
      %mul3A_316 = arith.muli %and3A_313, %mul3A_315 : vector<16xi32>
      %shift_left3A_317 = arith.shli %broadcast_in_dim3A_130, %mul3A_316 : vector<16xi32>
      %shift_right_arithmetic3A_318 = arith.constant 2 : i32
      %shift_right_arithmetic3A_319 = vector.broadcast %shift_right_arithmetic3A_318 : i32 to vector<16xi32>
      %shift_right_arithmetic3A_320 = arith.shrsi %gather3A_310, %shift_right_arithmetic3A_319 : vector<16xi32>
      tpu.vector_store_idx %arg5[%iota3A, %shift_right_arithmetic3A_320], %shift_left3A_317 {add = true} : memref<16x256xi32, #tpu.memory_space<vmem>>[vector<16xi32>, vector<16xi32>], vector<16xi32>,
      %mul3A_321 = arith.constant 5 : i32
      %mul3A_322 = arith.muli %scan3A_247, %mul3A_321 : i32
      %add3A_323 = arith.constant 4 : i32
      %add3A_324 = arith.addi %mul3A_322, %add3A_323 : i32
      %add3A_325 = arith.constant 3200 : i32
      %add3A_326 = arith.addi %add3A_325, %add3A_324 : i32
      %add3A_327 = vector.broadcast %add3A_326 : i32 to vector<16xi32>
      %add3A_328 = arith.addi %mul3A_128, %add3A_327 : vector<16xi32>
      %gather3A_329 = tpu.vector_load_idx %arg4[%add3A_328] : memref<6400xi32, #tpu.memory_space<vmem>>[vector<16xi32>], vector<16xi32>,
      %and3A_330 = arith.constant 3 : i32
      %and3A_331 = vector.broadcast %and3A_330 : i32 to vector<16xi32>
      %and3A_332 = arith.andi %gather3A_329, %and3A_331 : vector<16xi32>
      %mul3A_333 = arith.constant 8 : i32
      %mul3A_334 = vector.broadcast %mul3A_333 : i32 to vector<16xi32>
      %mul3A_335 = arith.muli %and3A_332, %mul3A_334 : vector<16xi32>
      %shift_left3A_336 = arith.shli %broadcast_in_dim3A_130, %mul3A_335 : vector<16xi32>
      %shift_right_arithmetic3A_337 = arith.constant 2 : i32
      %shift_right_arithmetic3A_338 = vector.broadcast %shift_right_arithmetic3A_337 : i32 to vector<16xi32>
      %shift_right_arithmetic3A_339 = arith.shrsi %gather3A_329, %shift_right_arithmetic3A_338 : vector<16xi32>
      tpu.vector_store_idx %arg5[%iota3A, %shift_right_arithmetic3A_339], %shift_left3A_336 {add = true} : memref<16x256xi32, #tpu.memory_space<vmem>>[vector<16xi32>, vector<16xi32>], vector<16xi32>,
      %scan3A_340 = arith.constant 0 : i32
      scf.yield %scan3A_340 : i32
    }
    %scan3A_137 = arith.constant 10 : i32
    %mul3A_138 = arith.constant 128 : i32
    %mul3A_139 = arith.muli %add3A, %mul3A_138 : i32
    %add3A_140 = arith.constant 64 : i32
    %add3A_141 = arith.addi %mul3A_139, %add3A_140 : i32
    %dma_start3A_142 = arith.constant 0 : i32
    %dma_start3A_143 = tpu.memref_slice %arg3[%add3A_141, %dma_start3A_142] : memref<4096x256xi32, #tpu.memory_space<hbm>> -> memref<16x256xi32, #tpu.memory_space<hbm>>
    %dma_start3A_144 = arith.constant 0 : i32
    %dma_start3A_145 = tpu.memref_slice %arg3[%add3A_141, %dma_start3A_144] : memref<4096x256xi32, #tpu.memory_space<hbm>> -> memref<16x256xi32, #tpu.memory_space<hbm>>
    tpu.enqueue_dma source(%arg5 : memref<16x256xi32, #tpu.memory_space<vmem>>) target(%dma_start3A_145 : memref<16x256xi32, #tpu.memory_space<hbm>>) target_semaphore(%arg7 : memref<!tpu.dma_semaphore, #tpu.memory_space<semaphore_mem>>)
    %dma_wait3A_146 = arith.constant 0 : i32
    %dma_wait3A_147 = tpu.memref_slice %arg3[%add3A_110, %dma_wait3A_146] : memref<4096x256xi32, #tpu.memory_space<hbm>> -> memref<16x256xi32, #tpu.memory_space<hbm>>
    %dma_wait3A_148 = arith.constant 0 : i32
    %dma_wait3A_149 = tpu.memref_slice %arg3[%add3A_110, %dma_wait3A_148] : memref<4096x256xi32, #tpu.memory_space<hbm>> -> memref<16x256xi32, #tpu.memory_space<hbm>>
    tpu.wait_dma2 semaphore(%arg8 : memref<!tpu.dma_semaphore, #tpu.memory_space<semaphore_mem>>) src(%arg6 : memref<16x256xi32, #tpu.memory_space<vmem>>) dst(%dma_wait3A_149 : memref<16x256xi32, #tpu.memory_space<hbm>>)
    %scan3A_150 = arith.constant 0 : i32
    %scan3A_151 = arith.constant 0 : i32
    %scan3A_152 = arith.constant 16 : i32
    %scan3A_153 = arith.addi %scan3A_151, %scan3A_152 : i32
    %scan3A_154 = arith.constant 1 : i32
    %scan3A_155 = scf.for %scan3A_247 = %scan3A_151 to %scan3A_153 step %scan3A_154 iter_args(%scan3A_248 = %scan3A_150) -> (i32)  : i32 {
      %mul3A_249 = arith.constant 16 : i32
      %mul3A_250 = arith.muli %scan3A_247, %mul3A_249 : i32
      %swap3A = arith.constant 0 : i32
      %swap3A_251 = arith.index_cast %swap3A : i32 to index
      %swap3A_252 = arith.index_cast %mul3A_250 : i32 to index
      %swap3A_253 = tpu.vector_load %arg6[%swap3A_251, %swap3A_252] {strides = array<i32>} : memref<16x256xi32, #tpu.memory_space<vmem>>, vector<16xi32>,
      tpu.vector_store %arg6[%swap3A_251, %swap3A_252], %broadcast_in_dim3A_1 {strides = array<i32>} : memref<16x256xi32, #tpu.memory_space<vmem>>, vector<16xi32>,
      %mul3A_254 = arith.constant 16 : i32
      %mul3A_255 = arith.muli %scan3A_247, %mul3A_254 : i32
      %swap3A_256 = arith.constant 1 : i32
      %swap3A_257 = arith.index_cast %swap3A_256 : i32 to index
      %swap3A_258 = arith.index_cast %mul3A_255 : i32 to index
      %swap3A_259 = tpu.vector_load %arg6[%swap3A_257, %swap3A_258] {strides = array<i32>} : memref<16x256xi32, #tpu.memory_space<vmem>>, vector<16xi32>,
      tpu.vector_store %arg6[%swap3A_257, %swap3A_258], %broadcast_in_dim3A_1 {strides = array<i32>} : memref<16x256xi32, #tpu.memory_space<vmem>>, vector<16xi32>,
      %mul3A_260 = arith.constant 16 : i32
      %mul3A_261 = arith.muli %scan3A_247, %mul3A_260 : i32
      %swap3A_262 = arith.constant 2 : i32
      %swap3A_263 = arith.index_cast %swap3A_262 : i32 to index
      %swap3A_264 = arith.index_cast %mul3A_261 : i32 to index
      %swap3A_265 = tpu.vector_load %arg6[%swap3A_263, %swap3A_264] {strides = array<i32>} : memref<16x256xi32, #tpu.memory_space<vmem>>, vector<16xi32>,
      tpu.vector_store %arg6[%swap3A_263, %swap3A_264], %broadcast_in_dim3A_1 {strides = array<i32>} : memref<16x256xi32, #tpu.memory_space<vmem>>, vector<16xi32>,
      %mul3A_266 = arith.constant 16 : i32
      %mul3A_267 = arith.muli %scan3A_247, %mul3A_266 : i32
      %swap3A_268 = arith.constant 3 : i32
      %swap3A_269 = arith.index_cast %swap3A_268 : i32 to index
      %swap3A_270 = arith.index_cast %mul3A_267 : i32 to index
      %swap3A_271 = tpu.vector_load %arg6[%swap3A_269, %swap3A_270] {strides = array<i32>} : memref<16x256xi32, #tpu.memory_space<vmem>>, vector<16xi32>,
      tpu.vector_store %arg6[%swap3A_269, %swap3A_270], %broadcast_in_dim3A_1 {strides = array<i32>} : memref<16x256xi32, #tpu.memory_space<vmem>>, vector<16xi32>,
      %mul3A_272 = arith.constant 16 : i32
      %mul3A_273 = arith.muli %scan3A_247, %mul3A_272 : i32
      %swap3A_274 = arith.constant 4 : i32
      %swap3A_275 = arith.index_cast %swap3A_274 : i32 to index
      %swap3A_276 = arith.index_cast %mul3A_273 : i32 to index
      %swap3A_277 = tpu.vector_load %arg6[%swap3A_275, %swap3A_276] {strides = array<i32>} : memref<16x256xi32, #tpu.memory_space<vmem>>, vector<16xi32>,
      tpu.vector_store %arg6[%swap3A_275, %swap3A_276], %broadcast_in_dim3A_1 {strides = array<i32>} : memref<16x256xi32, #tpu.memory_space<vmem>>, vector<16xi32>,
      %mul3A_278 = arith.constant 16 : i32
      %mul3A_279 = arith.muli %scan3A_247, %mul3A_278 : i32
      %swap3A_280 = arith.constant 5 : i32
      %swap3A_281 = arith.index_cast %swap3A_280 : i32 to index
      %swap3A_282 = arith.index_cast %mul3A_279 : i32 to index
      %swap3A_283 = tpu.vector_load %arg6[%swap3A_281, %swap3A_282] {strides = array<i32>} : memref<16x256xi32, #tpu.memory_space<vmem>>, vector<16xi32>,
      tpu.vector_store %arg6[%swap3A_281, %swap3A_282], %broadcast_in_dim3A_1 {strides = array<i32>} : memref<16x256xi32, #tpu.memory_space<vmem>>, vector<16xi32>,
      %mul3A_284 = arith.constant 16 : i32
      %mul3A_285 = arith.muli %scan3A_247, %mul3A_284 : i32
      %swap3A_286 = arith.constant 6 : i32
      %swap3A_287 = arith.index_cast %swap3A_286 : i32 to index
      %swap3A_288 = arith.index_cast %mul3A_285 : i32 to index
      %swap3A_289 = tpu.vector_load %arg6[%swap3A_287, %swap3A_288] {strides = array<i32>} : memref<16x256xi32, #tpu.memory_space<vmem>>, vector<16xi32>,
      tpu.vector_store %arg6[%swap3A_287, %swap3A_288], %broadcast_in_dim3A_1 {strides = array<i32>} : memref<16x256xi32, #tpu.memory_space<vmem>>, vector<16xi32>,
      %mul3A_290 = arith.constant 16 : i32
      %mul3A_291 = arith.muli %scan3A_247, %mul3A_290 : i32
      %swap3A_292 = arith.constant 7 : i32
      %swap3A_293 = arith.index_cast %swap3A_292 : i32 to index
      %swap3A_294 = arith.index_cast %mul3A_291 : i32 to index
      %swap3A_295 = tpu.vector_load %arg6[%swap3A_293, %swap3A_294] {strides = array<i32>} : memref<16x256xi32, #tpu.memory_space<vmem>>, vector<16xi32>,
      tpu.vector_store %arg6[%swap3A_293, %swap3A_294], %broadcast_in_dim3A_1 {strides = array<i32>} : memref<16x256xi32, #tpu.memory_space<vmem>>, vector<16xi32>,
      %mul3A_296 = arith.constant 16 : i32
      %mul3A_297 = arith.muli %scan3A_247, %mul3A_296 : i32
      %swap3A_298 = arith.constant 8 : i32
      %swap3A_299 = arith.index_cast %swap3A_298 : i32 to index
      %swap3A_300 = arith.index_cast %mul3A_297 : i32 to index
      %swap3A_301 = tpu.vector_load %arg6[%swap3A_299, %swap3A_300] {strides = array<i32>} : memref<16x256xi32, #tpu.memory_space<vmem>>, vector<16xi32>,
      tpu.vector_store %arg6[%swap3A_299, %swap3A_300], %broadcast_in_dim3A_1 {strides = array<i32>} : memref<16x256xi32, #tpu.memory_space<vmem>>, vector<16xi32>,
      %mul3A_302 = arith.constant 16 : i32
      %mul3A_303 = arith.muli %scan3A_247, %mul3A_302 : i32
      %swap3A_304 = arith.constant 9 : i32
      %swap3A_305 = arith.index_cast %swap3A_304 : i32 to index
      %swap3A_306 = arith.index_cast %mul3A_303 : i32 to index
      %swap3A_307 = tpu.vector_load %arg6[%swap3A_305, %swap3A_306] {strides = array<i32>} : memref<16x256xi32, #tpu.memory_space<vmem>>, vector<16xi32>,
      tpu.vector_store %arg6[%swap3A_305, %swap3A_306], %broadcast_in_dim3A_1 {strides = array<i32>} : memref<16x256xi32, #tpu.memory_space<vmem>>, vector<16xi32>,
      %mul3A_308 = arith.constant 16 : i32
      %mul3A_309 = arith.muli %scan3A_247, %mul3A_308 : i32
      %swap3A_310 = arith.constant 10 : i32
      %swap3A_311 = arith.index_cast %swap3A_310 : i32 to index
      %swap3A_312 = arith.index_cast %mul3A_309 : i32 to index
      %swap3A_313 = tpu.vector_load %arg6[%swap3A_311, %swap3A_312] {strides = array<i32>} : memref<16x256xi32, #tpu.memory_space<vmem>>, vector<16xi32>,
      tpu.vector_store %arg6[%swap3A_311, %swap3A_312], %broadcast_in_dim3A_1 {strides = array<i32>} : memref<16x256xi32, #tpu.memory_space<vmem>>, vector<16xi32>,
      %mul3A_314 = arith.constant 16 : i32
      %mul3A_315 = arith.muli %scan3A_247, %mul3A_314 : i32
      %swap3A_316 = arith.constant 11 : i32
      %swap3A_317 = arith.index_cast %swap3A_316 : i32 to index
      %swap3A_318 = arith.index_cast %mul3A_315 : i32 to index
      %swap3A_319 = tpu.vector_load %arg6[%swap3A_317, %swap3A_318] {strides = array<i32>} : memref<16x256xi32, #tpu.memory_space<vmem>>, vector<16xi32>,
      tpu.vector_store %arg6[%swap3A_317, %swap3A_318], %broadcast_in_dim3A_1 {strides = array<i32>} : memref<16x256xi32, #tpu.memory_space<vmem>>, vector<16xi32>,
      %mul3A_320 = arith.constant 16 : i32
      %mul3A_321 = arith.muli %scan3A_247, %mul3A_320 : i32
      %swap3A_322 = arith.constant 12 : i32
      %swap3A_323 = arith.index_cast %swap3A_322 : i32 to index
      %swap3A_324 = arith.index_cast %mul3A_321 : i32 to index
      %swap3A_325 = tpu.vector_load %arg6[%swap3A_323, %swap3A_324] {strides = array<i32>} : memref<16x256xi32, #tpu.memory_space<vmem>>, vector<16xi32>,
      tpu.vector_store %arg6[%swap3A_323, %swap3A_324], %broadcast_in_dim3A_1 {strides = array<i32>} : memref<16x256xi32, #tpu.memory_space<vmem>>, vector<16xi32>,
      %mul3A_326 = arith.constant 16 : i32
      %mul3A_327 = arith.muli %scan3A_247, %mul3A_326 : i32
      %swap3A_328 = arith.constant 13 : i32
      %swap3A_329 = arith.index_cast %swap3A_328 : i32 to index
      %swap3A_330 = arith.index_cast %mul3A_327 : i32 to index
      %swap3A_331 = tpu.vector_load %arg6[%swap3A_329, %swap3A_330] {strides = array<i32>} : memref<16x256xi32, #tpu.memory_space<vmem>>, vector<16xi32>,
      tpu.vector_store %arg6[%swap3A_329, %swap3A_330], %broadcast_in_dim3A_1 {strides = array<i32>} : memref<16x256xi32, #tpu.memory_space<vmem>>, vector<16xi32>,
      %mul3A_332 = arith.constant 16 : i32
      %mul3A_333 = arith.muli %scan3A_247, %mul3A_332 : i32
      %swap3A_334 = arith.constant 14 : i32
      %swap3A_335 = arith.index_cast %swap3A_334 : i32 to index
      %swap3A_336 = arith.index_cast %mul3A_333 : i32 to index
      %swap3A_337 = tpu.vector_load %arg6[%swap3A_335, %swap3A_336] {strides = array<i32>} : memref<16x256xi32, #tpu.memory_space<vmem>>, vector<16xi32>,
      tpu.vector_store %arg6[%swap3A_335, %swap3A_336], %broadcast_in_dim3A_1 {strides = array<i32>} : memref<16x256xi32, #tpu.memory_space<vmem>>, vector<16xi32>,
      %mul3A_338 = arith.constant 16 : i32
      %mul3A_339 = arith.muli %scan3A_247, %mul3A_338 : i32
      %swap3A_340 = arith.constant 15 : i32
      %swap3A_341 = arith.index_cast %swap3A_340 : i32 to index
      %swap3A_342 = arith.index_cast %mul3A_339 : i32 to index
      %swap3A_343 = tpu.vector_load %arg6[%swap3A_341, %swap3A_342] {strides = array<i32>} : memref<16x256xi32, #tpu.memory_space<vmem>>, vector<16xi32>,
      tpu.vector_store %arg6[%swap3A_341, %swap3A_342], %broadcast_in_dim3A_1 {strides = array<i32>} : memref<16x256xi32, #tpu.memory_space<vmem>>, vector<16xi32>,
      %scan3A_344 = arith.constant 0 : i32
      scf.yield %scan3A_344 : i32
    }
    %scan3A_156 = arith.constant 16 : i32
    %mul3A_157 = arith.constant 50 : i32
    %mul3A_158 = vector.broadcast %mul3A_157 : i32 to vector<16xi32>
    %mul3A_159 = arith.muli %iota3A, %mul3A_158 : vector<16xi32>
    %broadcast_in_dim3A_160 = arith.constant 1 : i32
    %broadcast_in_dim3A_161 = vector.broadcast %broadcast_in_dim3A_160 : i32 to vector<16xi32>
    %scan3A_162 = arith.constant 0 : i32
    %scan3A_163 = arith.constant 0 : i32
    %scan3A_164 = arith.constant 10 : i32
    %scan3A_165 = arith.addi %scan3A_163, %scan3A_164 : i32
    %scan3A_166 = arith.constant 1 : i32
    %scan3A_167 = scf.for %scan3A_247 = %scan3A_163 to %scan3A_165 step %scan3A_166 iter_args(%scan3A_248 = %scan3A_162) -> (i32)  : i32 {
      %mul3A_249 = arith.constant 5 : i32
      %mul3A_250 = arith.muli %scan3A_247, %mul3A_249 : i32
      %add3A_251 = arith.constant 0 : i32
      %add3A_252 = arith.addi %mul3A_250, %add3A_251 : i32
      %add3A_253 = arith.constant 4000 : i32
      %add3A_254 = arith.addi %add3A_253, %add3A_252 : i32
      %add3A_255 = vector.broadcast %add3A_254 : i32 to vector<16xi32>
      %add3A_256 = arith.addi %mul3A_159, %add3A_255 : vector<16xi32>
      %gather3A = tpu.vector_load_idx %arg4[%add3A_256] : memref<6400xi32, #tpu.memory_space<vmem>>[vector<16xi32>], vector<16xi32>,
      %and3A = arith.constant 3 : i32
      %and3A_257 = vector.broadcast %and3A : i32 to vector<16xi32>
      %and3A_258 = arith.andi %gather3A, %and3A_257 : vector<16xi32>
      %mul3A_259 = arith.constant 8 : i32
      %mul3A_260 = vector.broadcast %mul3A_259 : i32 to vector<16xi32>
      %mul3A_261 = arith.muli %and3A_258, %mul3A_260 : vector<16xi32>
      %shift_left3A = arith.shli %broadcast_in_dim3A_161, %mul3A_261 : vector<16xi32>
      %shift_right_arithmetic3A = arith.constant 2 : i32
      %shift_right_arithmetic3A_262 = vector.broadcast %shift_right_arithmetic3A : i32 to vector<16xi32>
      %shift_right_arithmetic3A_263 = arith.shrsi %gather3A, %shift_right_arithmetic3A_262 : vector<16xi32>
      tpu.vector_store_idx %arg6[%iota3A, %shift_right_arithmetic3A_263], %shift_left3A {add = true} : memref<16x256xi32, #tpu.memory_space<vmem>>[vector<16xi32>, vector<16xi32>], vector<16xi32>,
      %mul3A_264 = arith.constant 5 : i32
      %mul3A_265 = arith.muli %scan3A_247, %mul3A_264 : i32
      %add3A_266 = arith.constant 1 : i32
      %add3A_267 = arith.addi %mul3A_265, %add3A_266 : i32
      %add3A_268 = arith.constant 4000 : i32
      %add3A_269 = arith.addi %add3A_268, %add3A_267 : i32
      %add3A_270 = vector.broadcast %add3A_269 : i32 to vector<16xi32>
      %add3A_271 = arith.addi %mul3A_159, %add3A_270 : vector<16xi32>
      %gather3A_272 = tpu.vector_load_idx %arg4[%add3A_271] : memref<6400xi32, #tpu.memory_space<vmem>>[vector<16xi32>], vector<16xi32>,
      %and3A_273 = arith.constant 3 : i32
      %and3A_274 = vector.broadcast %and3A_273 : i32 to vector<16xi32>
      %and3A_275 = arith.andi %gather3A_272, %and3A_274 : vector<16xi32>
      %mul3A_276 = arith.constant 8 : i32
      %mul3A_277 = vector.broadcast %mul3A_276 : i32 to vector<16xi32>
      %mul3A_278 = arith.muli %and3A_275, %mul3A_277 : vector<16xi32>
      %shift_left3A_279 = arith.shli %broadcast_in_dim3A_161, %mul3A_278 : vector<16xi32>
      %shift_right_arithmetic3A_280 = arith.constant 2 : i32
      %shift_right_arithmetic3A_281 = vector.broadcast %shift_right_arithmetic3A_280 : i32 to vector<16xi32>
      %shift_right_arithmetic3A_282 = arith.shrsi %gather3A_272, %shift_right_arithmetic3A_281 : vector<16xi32>
      tpu.vector_store_idx %arg6[%iota3A, %shift_right_arithmetic3A_282], %shift_left3A_279 {add = true} : memref<16x256xi32, #tpu.memory_space<vmem>>[vector<16xi32>, vector<16xi32>], vector<16xi32>,
      %mul3A_283 = arith.constant 5 : i32
      %mul3A_284 = arith.muli %scan3A_247, %mul3A_283 : i32
      %add3A_285 = arith.constant 2 : i32
      %add3A_286 = arith.addi %mul3A_284, %add3A_285 : i32
      %add3A_287 = arith.constant 4000 : i32
      %add3A_288 = arith.addi %add3A_287, %add3A_286 : i32
      %add3A_289 = vector.broadcast %add3A_288 : i32 to vector<16xi32>
      %add3A_290 = arith.addi %mul3A_159, %add3A_289 : vector<16xi32>
      %gather3A_291 = tpu.vector_load_idx %arg4[%add3A_290] : memref<6400xi32, #tpu.memory_space<vmem>>[vector<16xi32>], vector<16xi32>,
      %and3A_292 = arith.constant 3 : i32
      %and3A_293 = vector.broadcast %and3A_292 : i32 to vector<16xi32>
      %and3A_294 = arith.andi %gather3A_291, %and3A_293 : vector<16xi32>
      %mul3A_295 = arith.constant 8 : i32
      %mul3A_296 = vector.broadcast %mul3A_295 : i32 to vector<16xi32>
      %mul3A_297 = arith.muli %and3A_294, %mul3A_296 : vector<16xi32>
      %shift_left3A_298 = arith.shli %broadcast_in_dim3A_161, %mul3A_297 : vector<16xi32>
      %shift_right_arithmetic3A_299 = arith.constant 2 : i32
      %shift_right_arithmetic3A_300 = vector.broadcast %shift_right_arithmetic3A_299 : i32 to vector<16xi32>
      %shift_right_arithmetic3A_301 = arith.shrsi %gather3A_291, %shift_right_arithmetic3A_300 : vector<16xi32>
      tpu.vector_store_idx %arg6[%iota3A, %shift_right_arithmetic3A_301], %shift_left3A_298 {add = true} : memref<16x256xi32, #tpu.memory_space<vmem>>[vector<16xi32>, vector<16xi32>], vector<16xi32>,
      %mul3A_302 = arith.constant 5 : i32
      %mul3A_303 = arith.muli %scan3A_247, %mul3A_302 : i32
      %add3A_304 = arith.constant 3 : i32
      %add3A_305 = arith.addi %mul3A_303, %add3A_304 : i32
      %add3A_306 = arith.constant 4000 : i32
      %add3A_307 = arith.addi %add3A_306, %add3A_305 : i32
      %add3A_308 = vector.broadcast %add3A_307 : i32 to vector<16xi32>
      %add3A_309 = arith.addi %mul3A_159, %add3A_308 : vector<16xi32>
      %gather3A_310 = tpu.vector_load_idx %arg4[%add3A_309] : memref<6400xi32, #tpu.memory_space<vmem>>[vector<16xi32>], vector<16xi32>,
      %and3A_311 = arith.constant 3 : i32
      %and3A_312 = vector.broadcast %and3A_311 : i32 to vector<16xi32>
      %and3A_313 = arith.andi %gather3A_310, %and3A_312 : vector<16xi32>
      %mul3A_314 = arith.constant 8 : i32
      %mul3A_315 = vector.broadcast %mul3A_314 : i32 to vector<16xi32>
      %mul3A_316 = arith.muli %and3A_313, %mul3A_315 : vector<16xi32>
      %shift_left3A_317 = arith.shli %broadcast_in_dim3A_161, %mul3A_316 : vector<16xi32>
      %shift_right_arithmetic3A_318 = arith.constant 2 : i32
      %shift_right_arithmetic3A_319 = vector.broadcast %shift_right_arithmetic3A_318 : i32 to vector<16xi32>
      %shift_right_arithmetic3A_320 = arith.shrsi %gather3A_310, %shift_right_arithmetic3A_319 : vector<16xi32>
      tpu.vector_store_idx %arg6[%iota3A, %shift_right_arithmetic3A_320], %shift_left3A_317 {add = true} : memref<16x256xi32, #tpu.memory_space<vmem>>[vector<16xi32>, vector<16xi32>], vector<16xi32>,
      %mul3A_321 = arith.constant 5 : i32
      %mul3A_322 = arith.muli %scan3A_247, %mul3A_321 : i32
      %add3A_323 = arith.constant 4 : i32
      %add3A_324 = arith.addi %mul3A_322, %add3A_323 : i32
      %add3A_325 = arith.constant 4000 : i32
      %add3A_326 = arith.addi %add3A_325, %add3A_324 : i32
      %add3A_327 = vector.broadcast %add3A_326 : i32 to vector<16xi32>
      %add3A_328 = arith.addi %mul3A_159, %add3A_327 : vector<16xi32>
      %gather3A_329 = tpu.vector_load_idx %arg4[%add3A_328] : memref<6400xi32, #tpu.memory_space<vmem>>[vector<16xi32>], vector<16xi32>,
      %and3A_330 = arith.constant 3 : i32
      %and3A_331 = vector.broadcast %and3A_330 : i32 to vector<16xi32>
      %and3A_332 = arith.andi %gather3A_329, %and3A_331 : vector<16xi32>
      %mul3A_333 = arith.constant 8 : i32
      %mul3A_334 = vector.broadcast %mul3A_333 : i32 to vector<16xi32>
      %mul3A_335 = arith.muli %and3A_332, %mul3A_334 : vector<16xi32>
      %shift_left3A_336 = arith.shli %broadcast_in_dim3A_161, %mul3A_335 : vector<16xi32>
      %shift_right_arithmetic3A_337 = arith.constant 2 : i32
      %shift_right_arithmetic3A_338 = vector.broadcast %shift_right_arithmetic3A_337 : i32 to vector<16xi32>
      %shift_right_arithmetic3A_339 = arith.shrsi %gather3A_329, %shift_right_arithmetic3A_338 : vector<16xi32>
      tpu.vector_store_idx %arg6[%iota3A, %shift_right_arithmetic3A_339], %shift_left3A_336 {add = true} : memref<16x256xi32, #tpu.memory_space<vmem>>[vector<16xi32>, vector<16xi32>], vector<16xi32>,
      %scan3A_340 = arith.constant 0 : i32
      scf.yield %scan3A_340 : i32
    }
    %scan3A_168 = arith.constant 10 : i32
    %mul3A_169 = arith.constant 128 : i32
    %mul3A_170 = arith.muli %add3A, %mul3A_169 : i32
    %add3A_171 = arith.constant 80 : i32
    %add3A_172 = arith.addi %mul3A_170, %add3A_171 : i32
    %dma_start3A_173 = arith.constant 0 : i32
    %dma_start3A_174 = tpu.memref_slice %arg3[%add3A_172, %dma_start3A_173] : memref<4096x256xi32, #tpu.memory_space<hbm>> -> memref<16x256xi32, #tpu.memory_space<hbm>>
    %dma_start3A_175 = arith.constant 0 : i32
    %dma_start3A_176 = tpu.memref_slice %arg3[%add3A_172, %dma_start3A_175] : memref<4096x256xi32, #tpu.memory_space<hbm>> -> memref<16x256xi32, #tpu.memory_space<hbm>>
    tpu.enqueue_dma source(%arg6 : memref<16x256xi32, #tpu.memory_space<vmem>>) target(%dma_start3A_176 : memref<16x256xi32, #tpu.memory_space<hbm>>) target_semaphore(%arg8 : memref<!tpu.dma_semaphore, #tpu.memory_space<semaphore_mem>>)
    %dma_wait3A_177 = arith.constant 0 : i32
    %dma_wait3A_178 = tpu.memref_slice %arg3[%add3A_141, %dma_wait3A_177] : memref<4096x256xi32, #tpu.memory_space<hbm>> -> memref<16x256xi32, #tpu.memory_space<hbm>>
    %dma_wait3A_179 = arith.constant 0 : i32
    %dma_wait3A_180 = tpu.memref_slice %arg3[%add3A_141, %dma_wait3A_179] : memref<4096x256xi32, #tpu.memory_space<hbm>> -> memref<16x256xi32, #tpu.memory_space<hbm>>
    tpu.wait_dma2 semaphore(%arg7 : memref<!tpu.dma_semaphore, #tpu.memory_space<semaphore_mem>>) src(%arg5 : memref<16x256xi32, #tpu.memory_space<vmem>>) dst(%dma_wait3A_180 : memref<16x256xi32, #tpu.memory_space<hbm>>)
    %scan3A_181 = arith.constant 0 : i32
    %scan3A_182 = arith.constant 0 : i32
    %scan3A_183 = arith.constant 16 : i32
    %scan3A_184 = arith.addi %scan3A_182, %scan3A_183 : i32
    %scan3A_185 = arith.constant 1 : i32
    %scan3A_186 = scf.for %scan3A_247 = %scan3A_182 to %scan3A_184 step %scan3A_185 iter_args(%scan3A_248 = %scan3A_181) -> (i32)  : i32 {
      %mul3A_249 = arith.constant 16 : i32
      %mul3A_250 = arith.muli %scan3A_247, %mul3A_249 : i32
      %swap3A = arith.constant 0 : i32
      %swap3A_251 = arith.index_cast %swap3A : i32 to index
      %swap3A_252 = arith.index_cast %mul3A_250 : i32 to index
      %swap3A_253 = tpu.vector_load %arg5[%swap3A_251, %swap3A_252] {strides = array<i32>} : memref<16x256xi32, #tpu.memory_space<vmem>>, vector<16xi32>,
      tpu.vector_store %arg5[%swap3A_251, %swap3A_252], %broadcast_in_dim3A_1 {strides = array<i32>} : memref<16x256xi32, #tpu.memory_space<vmem>>, vector<16xi32>,
      %mul3A_254 = arith.constant 16 : i32
      %mul3A_255 = arith.muli %scan3A_247, %mul3A_254 : i32
      %swap3A_256 = arith.constant 1 : i32
      %swap3A_257 = arith.index_cast %swap3A_256 : i32 to index
      %swap3A_258 = arith.index_cast %mul3A_255 : i32 to index
      %swap3A_259 = tpu.vector_load %arg5[%swap3A_257, %swap3A_258] {strides = array<i32>} : memref<16x256xi32, #tpu.memory_space<vmem>>, vector<16xi32>,
      tpu.vector_store %arg5[%swap3A_257, %swap3A_258], %broadcast_in_dim3A_1 {strides = array<i32>} : memref<16x256xi32, #tpu.memory_space<vmem>>, vector<16xi32>,
      %mul3A_260 = arith.constant 16 : i32
      %mul3A_261 = arith.muli %scan3A_247, %mul3A_260 : i32
      %swap3A_262 = arith.constant 2 : i32
      %swap3A_263 = arith.index_cast %swap3A_262 : i32 to index
      %swap3A_264 = arith.index_cast %mul3A_261 : i32 to index
      %swap3A_265 = tpu.vector_load %arg5[%swap3A_263, %swap3A_264] {strides = array<i32>} : memref<16x256xi32, #tpu.memory_space<vmem>>, vector<16xi32>,
      tpu.vector_store %arg5[%swap3A_263, %swap3A_264], %broadcast_in_dim3A_1 {strides = array<i32>} : memref<16x256xi32, #tpu.memory_space<vmem>>, vector<16xi32>,
      %mul3A_266 = arith.constant 16 : i32
      %mul3A_267 = arith.muli %scan3A_247, %mul3A_266 : i32
      %swap3A_268 = arith.constant 3 : i32
      %swap3A_269 = arith.index_cast %swap3A_268 : i32 to index
      %swap3A_270 = arith.index_cast %mul3A_267 : i32 to index
      %swap3A_271 = tpu.vector_load %arg5[%swap3A_269, %swap3A_270] {strides = array<i32>} : memref<16x256xi32, #tpu.memory_space<vmem>>, vector<16xi32>,
      tpu.vector_store %arg5[%swap3A_269, %swap3A_270], %broadcast_in_dim3A_1 {strides = array<i32>} : memref<16x256xi32, #tpu.memory_space<vmem>>, vector<16xi32>,
      %mul3A_272 = arith.constant 16 : i32
      %mul3A_273 = arith.muli %scan3A_247, %mul3A_272 : i32
      %swap3A_274 = arith.constant 4 : i32
      %swap3A_275 = arith.index_cast %swap3A_274 : i32 to index
      %swap3A_276 = arith.index_cast %mul3A_273 : i32 to index
      %swap3A_277 = tpu.vector_load %arg5[%swap3A_275, %swap3A_276] {strides = array<i32>} : memref<16x256xi32, #tpu.memory_space<vmem>>, vector<16xi32>,
      tpu.vector_store %arg5[%swap3A_275, %swap3A_276], %broadcast_in_dim3A_1 {strides = array<i32>} : memref<16x256xi32, #tpu.memory_space<vmem>>, vector<16xi32>,
      %mul3A_278 = arith.constant 16 : i32
      %mul3A_279 = arith.muli %scan3A_247, %mul3A_278 : i32
      %swap3A_280 = arith.constant 5 : i32
      %swap3A_281 = arith.index_cast %swap3A_280 : i32 to index
      %swap3A_282 = arith.index_cast %mul3A_279 : i32 to index
      %swap3A_283 = tpu.vector_load %arg5[%swap3A_281, %swap3A_282] {strides = array<i32>} : memref<16x256xi32, #tpu.memory_space<vmem>>, vector<16xi32>,
      tpu.vector_store %arg5[%swap3A_281, %swap3A_282], %broadcast_in_dim3A_1 {strides = array<i32>} : memref<16x256xi32, #tpu.memory_space<vmem>>, vector<16xi32>,
      %mul3A_284 = arith.constant 16 : i32
      %mul3A_285 = arith.muli %scan3A_247, %mul3A_284 : i32
      %swap3A_286 = arith.constant 6 : i32
      %swap3A_287 = arith.index_cast %swap3A_286 : i32 to index
      %swap3A_288 = arith.index_cast %mul3A_285 : i32 to index
      %swap3A_289 = tpu.vector_load %arg5[%swap3A_287, %swap3A_288] {strides = array<i32>} : memref<16x256xi32, #tpu.memory_space<vmem>>, vector<16xi32>,
      tpu.vector_store %arg5[%swap3A_287, %swap3A_288], %broadcast_in_dim3A_1 {strides = array<i32>} : memref<16x256xi32, #tpu.memory_space<vmem>>, vector<16xi32>,
      %mul3A_290 = arith.constant 16 : i32
      %mul3A_291 = arith.muli %scan3A_247, %mul3A_290 : i32
      %swap3A_292 = arith.constant 7 : i32
      %swap3A_293 = arith.index_cast %swap3A_292 : i32 to index
      %swap3A_294 = arith.index_cast %mul3A_291 : i32 to index
      %swap3A_295 = tpu.vector_load %arg5[%swap3A_293, %swap3A_294] {strides = array<i32>} : memref<16x256xi32, #tpu.memory_space<vmem>>, vector<16xi32>,
      tpu.vector_store %arg5[%swap3A_293, %swap3A_294], %broadcast_in_dim3A_1 {strides = array<i32>} : memref<16x256xi32, #tpu.memory_space<vmem>>, vector<16xi32>,
      %mul3A_296 = arith.constant 16 : i32
      %mul3A_297 = arith.muli %scan3A_247, %mul3A_296 : i32
      %swap3A_298 = arith.constant 8 : i32
      %swap3A_299 = arith.index_cast %swap3A_298 : i32 to index
      %swap3A_300 = arith.index_cast %mul3A_297 : i32 to index
      %swap3A_301 = tpu.vector_load %arg5[%swap3A_299, %swap3A_300] {strides = array<i32>} : memref<16x256xi32, #tpu.memory_space<vmem>>, vector<16xi32>,
      tpu.vector_store %arg5[%swap3A_299, %swap3A_300], %broadcast_in_dim3A_1 {strides = array<i32>} : memref<16x256xi32, #tpu.memory_space<vmem>>, vector<16xi32>,
      %mul3A_302 = arith.constant 16 : i32
      %mul3A_303 = arith.muli %scan3A_247, %mul3A_302 : i32
      %swap3A_304 = arith.constant 9 : i32
      %swap3A_305 = arith.index_cast %swap3A_304 : i32 to index
      %swap3A_306 = arith.index_cast %mul3A_303 : i32 to index
      %swap3A_307 = tpu.vector_load %arg5[%swap3A_305, %swap3A_306] {strides = array<i32>} : memref<16x256xi32, #tpu.memory_space<vmem>>, vector<16xi32>,
      tpu.vector_store %arg5[%swap3A_305, %swap3A_306], %broadcast_in_dim3A_1 {strides = array<i32>} : memref<16x256xi32, #tpu.memory_space<vmem>>, vector<16xi32>,
      %mul3A_308 = arith.constant 16 : i32
      %mul3A_309 = arith.muli %scan3A_247, %mul3A_308 : i32
      %swap3A_310 = arith.constant 10 : i32
      %swap3A_311 = arith.index_cast %swap3A_310 : i32 to index
      %swap3A_312 = arith.index_cast %mul3A_309 : i32 to index
      %swap3A_313 = tpu.vector_load %arg5[%swap3A_311, %swap3A_312] {strides = array<i32>} : memref<16x256xi32, #tpu.memory_space<vmem>>, vector<16xi32>,
      tpu.vector_store %arg5[%swap3A_311, %swap3A_312], %broadcast_in_dim3A_1 {strides = array<i32>} : memref<16x256xi32, #tpu.memory_space<vmem>>, vector<16xi32>,
      %mul3A_314 = arith.constant 16 : i32
      %mul3A_315 = arith.muli %scan3A_247, %mul3A_314 : i32
      %swap3A_316 = arith.constant 11 : i32
      %swap3A_317 = arith.index_cast %swap3A_316 : i32 to index
      %swap3A_318 = arith.index_cast %mul3A_315 : i32 to index
      %swap3A_319 = tpu.vector_load %arg5[%swap3A_317, %swap3A_318] {strides = array<i32>} : memref<16x256xi32, #tpu.memory_space<vmem>>, vector<16xi32>,
      tpu.vector_store %arg5[%swap3A_317, %swap3A_318], %broadcast_in_dim3A_1 {strides = array<i32>} : memref<16x256xi32, #tpu.memory_space<vmem>>, vector<16xi32>,
      %mul3A_320 = arith.constant 16 : i32
      %mul3A_321 = arith.muli %scan3A_247, %mul3A_320 : i32
      %swap3A_322 = arith.constant 12 : i32
      %swap3A_323 = arith.index_cast %swap3A_322 : i32 to index
      %swap3A_324 = arith.index_cast %mul3A_321 : i32 to index
      %swap3A_325 = tpu.vector_load %arg5[%swap3A_323, %swap3A_324] {strides = array<i32>} : memref<16x256xi32, #tpu.memory_space<vmem>>, vector<16xi32>,
      tpu.vector_store %arg5[%swap3A_323, %swap3A_324], %broadcast_in_dim3A_1 {strides = array<i32>} : memref<16x256xi32, #tpu.memory_space<vmem>>, vector<16xi32>,
      %mul3A_326 = arith.constant 16 : i32
      %mul3A_327 = arith.muli %scan3A_247, %mul3A_326 : i32
      %swap3A_328 = arith.constant 13 : i32
      %swap3A_329 = arith.index_cast %swap3A_328 : i32 to index
      %swap3A_330 = arith.index_cast %mul3A_327 : i32 to index
      %swap3A_331 = tpu.vector_load %arg5[%swap3A_329, %swap3A_330] {strides = array<i32>} : memref<16x256xi32, #tpu.memory_space<vmem>>, vector<16xi32>,
      tpu.vector_store %arg5[%swap3A_329, %swap3A_330], %broadcast_in_dim3A_1 {strides = array<i32>} : memref<16x256xi32, #tpu.memory_space<vmem>>, vector<16xi32>,
      %mul3A_332 = arith.constant 16 : i32
      %mul3A_333 = arith.muli %scan3A_247, %mul3A_332 : i32
      %swap3A_334 = arith.constant 14 : i32
      %swap3A_335 = arith.index_cast %swap3A_334 : i32 to index
      %swap3A_336 = arith.index_cast %mul3A_333 : i32 to index
      %swap3A_337 = tpu.vector_load %arg5[%swap3A_335, %swap3A_336] {strides = array<i32>} : memref<16x256xi32, #tpu.memory_space<vmem>>, vector<16xi32>,
      tpu.vector_store %arg5[%swap3A_335, %swap3A_336], %broadcast_in_dim3A_1 {strides = array<i32>} : memref<16x256xi32, #tpu.memory_space<vmem>>, vector<16xi32>,
      %mul3A_338 = arith.constant 16 : i32
      %mul3A_339 = arith.muli %scan3A_247, %mul3A_338 : i32
      %swap3A_340 = arith.constant 15 : i32
      %swap3A_341 = arith.index_cast %swap3A_340 : i32 to index
      %swap3A_342 = arith.index_cast %mul3A_339 : i32 to index
      %swap3A_343 = tpu.vector_load %arg5[%swap3A_341, %swap3A_342] {strides = array<i32>} : memref<16x256xi32, #tpu.memory_space<vmem>>, vector<16xi32>,
      tpu.vector_store %arg5[%swap3A_341, %swap3A_342], %broadcast_in_dim3A_1 {strides = array<i32>} : memref<16x256xi32, #tpu.memory_space<vmem>>, vector<16xi32>,
      %scan3A_344 = arith.constant 0 : i32
      scf.yield %scan3A_344 : i32
    }
    %scan3A_187 = arith.constant 16 : i32
    %mul3A_188 = arith.constant 50 : i32
    %mul3A_189 = vector.broadcast %mul3A_188 : i32 to vector<16xi32>
    %mul3A_190 = arith.muli %iota3A, %mul3A_189 : vector<16xi32>
    %broadcast_in_dim3A_191 = arith.constant 1 : i32
    %broadcast_in_dim3A_192 = vector.broadcast %broadcast_in_dim3A_191 : i32 to vector<16xi32>
    %scan3A_193 = arith.constant 0 : i32
    %scan3A_194 = arith.constant 0 : i32
    %scan3A_195 = arith.constant 10 : i32
    %scan3A_196 = arith.addi %scan3A_194, %scan3A_195 : i32
    %scan3A_197 = arith.constant 1 : i32
    %scan3A_198 = scf.for %scan3A_247 = %scan3A_194 to %scan3A_196 step %scan3A_197 iter_args(%scan3A_248 = %scan3A_193) -> (i32)  : i32 {
      %mul3A_249 = arith.constant 5 : i32
      %mul3A_250 = arith.muli %scan3A_247, %mul3A_249 : i32
      %add3A_251 = arith.constant 0 : i32
      %add3A_252 = arith.addi %mul3A_250, %add3A_251 : i32
      %add3A_253 = arith.constant 4800 : i32
      %add3A_254 = arith.addi %add3A_253, %add3A_252 : i32
      %add3A_255 = vector.broadcast %add3A_254 : i32 to vector<16xi32>
      %add3A_256 = arith.addi %mul3A_190, %add3A_255 : vector<16xi32>
      %gather3A = tpu.vector_load_idx %arg4[%add3A_256] : memref<6400xi32, #tpu.memory_space<vmem>>[vector<16xi32>], vector<16xi32>,
      %and3A = arith.constant 3 : i32
      %and3A_257 = vector.broadcast %and3A : i32 to vector<16xi32>
      %and3A_258 = arith.andi %gather3A, %and3A_257 : vector<16xi32>
      %mul3A_259 = arith.constant 8 : i32
      %mul3A_260 = vector.broadcast %mul3A_259 : i32 to vector<16xi32>
      %mul3A_261 = arith.muli %and3A_258, %mul3A_260 : vector<16xi32>
      %shift_left3A = arith.shli %broadcast_in_dim3A_192, %mul3A_261 : vector<16xi32>
      %shift_right_arithmetic3A = arith.constant 2 : i32
      %shift_right_arithmetic3A_262 = vector.broadcast %shift_right_arithmetic3A : i32 to vector<16xi32>
      %shift_right_arithmetic3A_263 = arith.shrsi %gather3A, %shift_right_arithmetic3A_262 : vector<16xi32>
      tpu.vector_store_idx %arg5[%iota3A, %shift_right_arithmetic3A_263], %shift_left3A {add = true} : memref<16x256xi32, #tpu.memory_space<vmem>>[vector<16xi32>, vector<16xi32>], vector<16xi32>,
      %mul3A_264 = arith.constant 5 : i32
      %mul3A_265 = arith.muli %scan3A_247, %mul3A_264 : i32
      %add3A_266 = arith.constant 1 : i32
      %add3A_267 = arith.addi %mul3A_265, %add3A_266 : i32
      %add3A_268 = arith.constant 4800 : i32
      %add3A_269 = arith.addi %add3A_268, %add3A_267 : i32
      %add3A_270 = vector.broadcast %add3A_269 : i32 to vector<16xi32>
      %add3A_271 = arith.addi %mul3A_190, %add3A_270 : vector<16xi32>
      %gather3A_272 = tpu.vector_load_idx %arg4[%add3A_271] : memref<6400xi32, #tpu.memory_space<vmem>>[vector<16xi32>], vector<16xi32>,
      %and3A_273 = arith.constant 3 : i32
      %and3A_274 = vector.broadcast %and3A_273 : i32 to vector<16xi32>
      %and3A_275 = arith.andi %gather3A_272, %and3A_274 : vector<16xi32>
      %mul3A_276 = arith.constant 8 : i32
      %mul3A_277 = vector.broadcast %mul3A_276 : i32 to vector<16xi32>
      %mul3A_278 = arith.muli %and3A_275, %mul3A_277 : vector<16xi32>
      %shift_left3A_279 = arith.shli %broadcast_in_dim3A_192, %mul3A_278 : vector<16xi32>
      %shift_right_arithmetic3A_280 = arith.constant 2 : i32
      %shift_right_arithmetic3A_281 = vector.broadcast %shift_right_arithmetic3A_280 : i32 to vector<16xi32>
      %shift_right_arithmetic3A_282 = arith.shrsi %gather3A_272, %shift_right_arithmetic3A_281 : vector<16xi32>
      tpu.vector_store_idx %arg5[%iota3A, %shift_right_arithmetic3A_282], %shift_left3A_279 {add = true} : memref<16x256xi32, #tpu.memory_space<vmem>>[vector<16xi32>, vector<16xi32>], vector<16xi32>,
      %mul3A_283 = arith.constant 5 : i32
      %mul3A_284 = arith.muli %scan3A_247, %mul3A_283 : i32
      %add3A_285 = arith.constant 2 : i32
      %add3A_286 = arith.addi %mul3A_284, %add3A_285 : i32
      %add3A_287 = arith.constant 4800 : i32
      %add3A_288 = arith.addi %add3A_287, %add3A_286 : i32
      %add3A_289 = vector.broadcast %add3A_288 : i32 to vector<16xi32>
      %add3A_290 = arith.addi %mul3A_190, %add3A_289 : vector<16xi32>
      %gather3A_291 = tpu.vector_load_idx %arg4[%add3A_290] : memref<6400xi32, #tpu.memory_space<vmem>>[vector<16xi32>], vector<16xi32>,
      %and3A_292 = arith.constant 3 : i32
      %and3A_293 = vector.broadcast %and3A_292 : i32 to vector<16xi32>
      %and3A_294 = arith.andi %gather3A_291, %and3A_293 : vector<16xi32>
      %mul3A_295 = arith.constant 8 : i32
      %mul3A_296 = vector.broadcast %mul3A_295 : i32 to vector<16xi32>
      %mul3A_297 = arith.muli %and3A_294, %mul3A_296 : vector<16xi32>
      %shift_left3A_298 = arith.shli %broadcast_in_dim3A_192, %mul3A_297 : vector<16xi32>
      %shift_right_arithmetic3A_299 = arith.constant 2 : i32
      %shift_right_arithmetic3A_300 = vector.broadcast %shift_right_arithmetic3A_299 : i32 to vector<16xi32>
      %shift_right_arithmetic3A_301 = arith.shrsi %gather3A_291, %shift_right_arithmetic3A_300 : vector<16xi32>
      tpu.vector_store_idx %arg5[%iota3A, %shift_right_arithmetic3A_301], %shift_left3A_298 {add = true} : memref<16x256xi32, #tpu.memory_space<vmem>>[vector<16xi32>, vector<16xi32>], vector<16xi32>,
      %mul3A_302 = arith.constant 5 : i32
      %mul3A_303 = arith.muli %scan3A_247, %mul3A_302 : i32
      %add3A_304 = arith.constant 3 : i32
      %add3A_305 = arith.addi %mul3A_303, %add3A_304 : i32
      %add3A_306 = arith.constant 4800 : i32
      %add3A_307 = arith.addi %add3A_306, %add3A_305 : i32
      %add3A_308 = vector.broadcast %add3A_307 : i32 to vector<16xi32>
      %add3A_309 = arith.addi %mul3A_190, %add3A_308 : vector<16xi32>
      %gather3A_310 = tpu.vector_load_idx %arg4[%add3A_309] : memref<6400xi32, #tpu.memory_space<vmem>>[vector<16xi32>], vector<16xi32>,
      %and3A_311 = arith.constant 3 : i32
      %and3A_312 = vector.broadcast %and3A_311 : i32 to vector<16xi32>
      %and3A_313 = arith.andi %gather3A_310, %and3A_312 : vector<16xi32>
      %mul3A_314 = arith.constant 8 : i32
      %mul3A_315 = vector.broadcast %mul3A_314 : i32 to vector<16xi32>
      %mul3A_316 = arith.muli %and3A_313, %mul3A_315 : vector<16xi32>
      %shift_left3A_317 = arith.shli %broadcast_in_dim3A_192, %mul3A_316 : vector<16xi32>
      %shift_right_arithmetic3A_318 = arith.constant 2 : i32
      %shift_right_arithmetic3A_319 = vector.broadcast %shift_right_arithmetic3A_318 : i32 to vector<16xi32>
      %shift_right_arithmetic3A_320 = arith.shrsi %gather3A_310, %shift_right_arithmetic3A_319 : vector<16xi32>
      tpu.vector_store_idx %arg5[%iota3A, %shift_right_arithmetic3A_320], %shift_left3A_317 {add = true} : memref<16x256xi32, #tpu.memory_space<vmem>>[vector<16xi32>, vector<16xi32>], vector<16xi32>,
      %mul3A_321 = arith.constant 5 : i32
      %mul3A_322 = arith.muli %scan3A_247, %mul3A_321 : i32
      %add3A_323 = arith.constant 4 : i32
      %add3A_324 = arith.addi %mul3A_322, %add3A_323 : i32
      %add3A_325 = arith.constant 4800 : i32
      %add3A_326 = arith.addi %add3A_325, %add3A_324 : i32
      %add3A_327 = vector.broadcast %add3A_326 : i32 to vector<16xi32>
      %add3A_328 = arith.addi %mul3A_190, %add3A_327 : vector<16xi32>
      %gather3A_329 = tpu.vector_load_idx %arg4[%add3A_328] : memref<6400xi32, #tpu.memory_space<vmem>>[vector<16xi32>], vector<16xi32>,
      %and3A_330 = arith.constant 3 : i32
      %and3A_331 = vector.broadcast %and3A_330 : i32 to vector<16xi32>
      %and3A_332 = arith.andi %gather3A_329, %and3A_331 : vector<16xi32>
      %mul3A_333 = arith.constant 8 : i32
      %mul3A_334 = vector.broadcast %mul3A_333 : i32 to vector<16xi32>
      %mul3A_335 = arith.muli %and3A_332, %mul3A_334 : vector<16xi32>
      %shift_left3A_336 = arith.shli %broadcast_in_dim3A_192, %mul3A_335 : vector<16xi32>
      %shift_right_arithmetic3A_337 = arith.constant 2 : i32
      %shift_right_arithmetic3A_338 = vector.broadcast %shift_right_arithmetic3A_337 : i32 to vector<16xi32>
      %shift_right_arithmetic3A_339 = arith.shrsi %gather3A_329, %shift_right_arithmetic3A_338 : vector<16xi32>
      tpu.vector_store_idx %arg5[%iota3A, %shift_right_arithmetic3A_339], %shift_left3A_336 {add = true} : memref<16x256xi32, #tpu.memory_space<vmem>>[vector<16xi32>, vector<16xi32>], vector<16xi32>,
      %scan3A_340 = arith.constant 0 : i32
      scf.yield %scan3A_340 : i32
    }
    %scan3A_199 = arith.constant 10 : i32
    %mul3A_200 = arith.constant 128 : i32
    %mul3A_201 = arith.muli %add3A, %mul3A_200 : i32
    %add3A_202 = arith.constant 96 : i32
    %add3A_203 = arith.addi %mul3A_201, %add3A_202 : i32
    %dma_start3A_204 = arith.constant 0 : i32
    %dma_start3A_205 = tpu.memref_slice %arg3[%add3A_203, %dma_start3A_204] : memref<4096x256xi32, #tpu.memory_space<hbm>> -> memref<16x256xi32, #tpu.memory_space<hbm>>
    %dma_start3A_206 = arith.constant 0 : i32
    %dma_start3A_207 = tpu.memref_slice %arg3[%add3A_203, %dma_start3A_206] : memref<4096x256xi32, #tpu.memory_space<hbm>> -> memref<16x256xi32, #tpu.memory_space<hbm>>
    tpu.enqueue_dma source(%arg5 : memref<16x256xi32, #tpu.memory_space<vmem>>) target(%dma_start3A_207 : memref<16x256xi32, #tpu.memory_space<hbm>>) target_semaphore(%arg7 : memref<!tpu.dma_semaphore, #tpu.memory_space<semaphore_mem>>)
    %dma_wait3A_208 = arith.constant 0 : i32
    %dma_wait3A_209 = tpu.memref_slice %arg3[%add3A_172, %dma_wait3A_208] : memref<4096x256xi32, #tpu.memory_space<hbm>> -> memref<16x256xi32, #tpu.memory_space<hbm>>
    %dma_wait3A_210 = arith.constant 0 : i32
    %dma_wait3A_211 = tpu.memref_slice %arg3[%add3A_172, %dma_wait3A_210] : memref<4096x256xi32, #tpu.memory_space<hbm>> -> memref<16x256xi32, #tpu.memory_space<hbm>>
    tpu.wait_dma2 semaphore(%arg8 : memref<!tpu.dma_semaphore, #tpu.memory_space<semaphore_mem>>) src(%arg6 : memref<16x256xi32, #tpu.memory_space<vmem>>) dst(%dma_wait3A_211 : memref<16x256xi32, #tpu.memory_space<hbm>>)
    %scan3A_212 = arith.constant 0 : i32
    %scan3A_213 = arith.constant 0 : i32
    %scan3A_214 = arith.constant 16 : i32
    %scan3A_215 = arith.addi %scan3A_213, %scan3A_214 : i32
    %scan3A_216 = arith.constant 1 : i32
    %scan3A_217 = scf.for %scan3A_247 = %scan3A_213 to %scan3A_215 step %scan3A_216 iter_args(%scan3A_248 = %scan3A_212) -> (i32)  : i32 {
      %mul3A_249 = arith.constant 16 : i32
      %mul3A_250 = arith.muli %scan3A_247, %mul3A_249 : i32
      %swap3A = arith.constant 0 : i32
      %swap3A_251 = arith.index_cast %swap3A : i32 to index
      %swap3A_252 = arith.index_cast %mul3A_250 : i32 to index
      %swap3A_253 = tpu.vector_load %arg6[%swap3A_251, %swap3A_252] {strides = array<i32>} : memref<16x256xi32, #tpu.memory_space<vmem>>, vector<16xi32>,
      tpu.vector_store %arg6[%swap3A_251, %swap3A_252], %broadcast_in_dim3A_1 {strides = array<i32>} : memref<16x256xi32, #tpu.memory_space<vmem>>, vector<16xi32>,
      %mul3A_254 = arith.constant 16 : i32
      %mul3A_255 = arith.muli %scan3A_247, %mul3A_254 : i32
      %swap3A_256 = arith.constant 1 : i32
      %swap3A_257 = arith.index_cast %swap3A_256 : i32 to index
      %swap3A_258 = arith.index_cast %mul3A_255 : i32 to index
      %swap3A_259 = tpu.vector_load %arg6[%swap3A_257, %swap3A_258] {strides = array<i32>} : memref<16x256xi32, #tpu.memory_space<vmem>>, vector<16xi32>,
      tpu.vector_store %arg6[%swap3A_257, %swap3A_258], %broadcast_in_dim3A_1 {strides = array<i32>} : memref<16x256xi32, #tpu.memory_space<vmem>>, vector<16xi32>,
      %mul3A_260 = arith.constant 16 : i32
      %mul3A_261 = arith.muli %scan3A_247, %mul3A_260 : i32
      %swap3A_262 = arith.constant 2 : i32
      %swap3A_263 = arith.index_cast %swap3A_262 : i32 to index
      %swap3A_264 = arith.index_cast %mul3A_261 : i32 to index
      %swap3A_265 = tpu.vector_load %arg6[%swap3A_263, %swap3A_264] {strides = array<i32>} : memref<16x256xi32, #tpu.memory_space<vmem>>, vector<16xi32>,
      tpu.vector_store %arg6[%swap3A_263, %swap3A_264], %broadcast_in_dim3A_1 {strides = array<i32>} : memref<16x256xi32, #tpu.memory_space<vmem>>, vector<16xi32>,
      %mul3A_266 = arith.constant 16 : i32
      %mul3A_267 = arith.muli %scan3A_247, %mul3A_266 : i32
      %swap3A_268 = arith.constant 3 : i32
      %swap3A_269 = arith.index_cast %swap3A_268 : i32 to index
      %swap3A_270 = arith.index_cast %mul3A_267 : i32 to index
      %swap3A_271 = tpu.vector_load %arg6[%swap3A_269, %swap3A_270] {strides = array<i32>} : memref<16x256xi32, #tpu.memory_space<vmem>>, vector<16xi32>,
      tpu.vector_store %arg6[%swap3A_269, %swap3A_270], %broadcast_in_dim3A_1 {strides = array<i32>} : memref<16x256xi32, #tpu.memory_space<vmem>>, vector<16xi32>,
      %mul3A_272 = arith.constant 16 : i32
      %mul3A_273 = arith.muli %scan3A_247, %mul3A_272 : i32
      %swap3A_274 = arith.constant 4 : i32
      %swap3A_275 = arith.index_cast %swap3A_274 : i32 to index
      %swap3A_276 = arith.index_cast %mul3A_273 : i32 to index
      %swap3A_277 = tpu.vector_load %arg6[%swap3A_275, %swap3A_276] {strides = array<i32>} : memref<16x256xi32, #tpu.memory_space<vmem>>, vector<16xi32>,
      tpu.vector_store %arg6[%swap3A_275, %swap3A_276], %broadcast_in_dim3A_1 {strides = array<i32>} : memref<16x256xi32, #tpu.memory_space<vmem>>, vector<16xi32>,
      %mul3A_278 = arith.constant 16 : i32
      %mul3A_279 = arith.muli %scan3A_247, %mul3A_278 : i32
      %swap3A_280 = arith.constant 5 : i32
      %swap3A_281 = arith.index_cast %swap3A_280 : i32 to index
      %swap3A_282 = arith.index_cast %mul3A_279 : i32 to index
      %swap3A_283 = tpu.vector_load %arg6[%swap3A_281, %swap3A_282] {strides = array<i32>} : memref<16x256xi32, #tpu.memory_space<vmem>>, vector<16xi32>,
      tpu.vector_store %arg6[%swap3A_281, %swap3A_282], %broadcast_in_dim3A_1 {strides = array<i32>} : memref<16x256xi32, #tpu.memory_space<vmem>>, vector<16xi32>,
      %mul3A_284 = arith.constant 16 : i32
      %mul3A_285 = arith.muli %scan3A_247, %mul3A_284 : i32
      %swap3A_286 = arith.constant 6 : i32
      %swap3A_287 = arith.index_cast %swap3A_286 : i32 to index
      %swap3A_288 = arith.index_cast %mul3A_285 : i32 to index
      %swap3A_289 = tpu.vector_load %arg6[%swap3A_287, %swap3A_288] {strides = array<i32>} : memref<16x256xi32, #tpu.memory_space<vmem>>, vector<16xi32>,
      tpu.vector_store %arg6[%swap3A_287, %swap3A_288], %broadcast_in_dim3A_1 {strides = array<i32>} : memref<16x256xi32, #tpu.memory_space<vmem>>, vector<16xi32>,
      %mul3A_290 = arith.constant 16 : i32
      %mul3A_291 = arith.muli %scan3A_247, %mul3A_290 : i32
      %swap3A_292 = arith.constant 7 : i32
      %swap3A_293 = arith.index_cast %swap3A_292 : i32 to index
      %swap3A_294 = arith.index_cast %mul3A_291 : i32 to index
      %swap3A_295 = tpu.vector_load %arg6[%swap3A_293, %swap3A_294] {strides = array<i32>} : memref<16x256xi32, #tpu.memory_space<vmem>>, vector<16xi32>,
      tpu.vector_store %arg6[%swap3A_293, %swap3A_294], %broadcast_in_dim3A_1 {strides = array<i32>} : memref<16x256xi32, #tpu.memory_space<vmem>>, vector<16xi32>,
      %mul3A_296 = arith.constant 16 : i32
      %mul3A_297 = arith.muli %scan3A_247, %mul3A_296 : i32
      %swap3A_298 = arith.constant 8 : i32
      %swap3A_299 = arith.index_cast %swap3A_298 : i32 to index
      %swap3A_300 = arith.index_cast %mul3A_297 : i32 to index
      %swap3A_301 = tpu.vector_load %arg6[%swap3A_299, %swap3A_300] {strides = array<i32>} : memref<16x256xi32, #tpu.memory_space<vmem>>, vector<16xi32>,
      tpu.vector_store %arg6[%swap3A_299, %swap3A_300], %broadcast_in_dim3A_1 {strides = array<i32>} : memref<16x256xi32, #tpu.memory_space<vmem>>, vector<16xi32>,
      %mul3A_302 = arith.constant 16 : i32
      %mul3A_303 = arith.muli %scan3A_247, %mul3A_302 : i32
      %swap3A_304 = arith.constant 9 : i32
      %swap3A_305 = arith.index_cast %swap3A_304 : i32 to index
      %swap3A_306 = arith.index_cast %mul3A_303 : i32 to index
      %swap3A_307 = tpu.vector_load %arg6[%swap3A_305, %swap3A_306] {strides = array<i32>} : memref<16x256xi32, #tpu.memory_space<vmem>>, vector<16xi32>,
      tpu.vector_store %arg6[%swap3A_305, %swap3A_306], %broadcast_in_dim3A_1 {strides = array<i32>} : memref<16x256xi32, #tpu.memory_space<vmem>>, vector<16xi32>,
      %mul3A_308 = arith.constant 16 : i32
      %mul3A_309 = arith.muli %scan3A_247, %mul3A_308 : i32
      %swap3A_310 = arith.constant 10 : i32
      %swap3A_311 = arith.index_cast %swap3A_310 : i32 to index
      %swap3A_312 = arith.index_cast %mul3A_309 : i32 to index
      %swap3A_313 = tpu.vector_load %arg6[%swap3A_311, %swap3A_312] {strides = array<i32>} : memref<16x256xi32, #tpu.memory_space<vmem>>, vector<16xi32>,
      tpu.vector_store %arg6[%swap3A_311, %swap3A_312], %broadcast_in_dim3A_1 {strides = array<i32>} : memref<16x256xi32, #tpu.memory_space<vmem>>, vector<16xi32>,
      %mul3A_314 = arith.constant 16 : i32
      %mul3A_315 = arith.muli %scan3A_247, %mul3A_314 : i32
      %swap3A_316 = arith.constant 11 : i32
      %swap3A_317 = arith.index_cast %swap3A_316 : i32 to index
      %swap3A_318 = arith.index_cast %mul3A_315 : i32 to index
      %swap3A_319 = tpu.vector_load %arg6[%swap3A_317, %swap3A_318] {strides = array<i32>} : memref<16x256xi32, #tpu.memory_space<vmem>>, vector<16xi32>,
      tpu.vector_store %arg6[%swap3A_317, %swap3A_318], %broadcast_in_dim3A_1 {strides = array<i32>} : memref<16x256xi32, #tpu.memory_space<vmem>>, vector<16xi32>,
      %mul3A_320 = arith.constant 16 : i32
      %mul3A_321 = arith.muli %scan3A_247, %mul3A_320 : i32
      %swap3A_322 = arith.constant 12 : i32
      %swap3A_323 = arith.index_cast %swap3A_322 : i32 to index
      %swap3A_324 = arith.index_cast %mul3A_321 : i32 to index
      %swap3A_325 = tpu.vector_load %arg6[%swap3A_323, %swap3A_324] {strides = array<i32>} : memref<16x256xi32, #tpu.memory_space<vmem>>, vector<16xi32>,
      tpu.vector_store %arg6[%swap3A_323, %swap3A_324], %broadcast_in_dim3A_1 {strides = array<i32>} : memref<16x256xi32, #tpu.memory_space<vmem>>, vector<16xi32>,
      %mul3A_326 = arith.constant 16 : i32
      %mul3A_327 = arith.muli %scan3A_247, %mul3A_326 : i32
      %swap3A_328 = arith.constant 13 : i32
      %swap3A_329 = arith.index_cast %swap3A_328 : i32 to index
      %swap3A_330 = arith.index_cast %mul3A_327 : i32 to index
      %swap3A_331 = tpu.vector_load %arg6[%swap3A_329, %swap3A_330] {strides = array<i32>} : memref<16x256xi32, #tpu.memory_space<vmem>>, vector<16xi32>,
      tpu.vector_store %arg6[%swap3A_329, %swap3A_330], %broadcast_in_dim3A_1 {strides = array<i32>} : memref<16x256xi32, #tpu.memory_space<vmem>>, vector<16xi32>,
      %mul3A_332 = arith.constant 16 : i32
      %mul3A_333 = arith.muli %scan3A_247, %mul3A_332 : i32
      %swap3A_334 = arith.constant 14 : i32
      %swap3A_335 = arith.index_cast %swap3A_334 : i32 to index
      %swap3A_336 = arith.index_cast %mul3A_333 : i32 to index
      %swap3A_337 = tpu.vector_load %arg6[%swap3A_335, %swap3A_336] {strides = array<i32>} : memref<16x256xi32, #tpu.memory_space<vmem>>, vector<16xi32>,
      tpu.vector_store %arg6[%swap3A_335, %swap3A_336], %broadcast_in_dim3A_1 {strides = array<i32>} : memref<16x256xi32, #tpu.memory_space<vmem>>, vector<16xi32>,
      %mul3A_338 = arith.constant 16 : i32
      %mul3A_339 = arith.muli %scan3A_247, %mul3A_338 : i32
      %swap3A_340 = arith.constant 15 : i32
      %swap3A_341 = arith.index_cast %swap3A_340 : i32 to index
      %swap3A_342 = arith.index_cast %mul3A_339 : i32 to index
      %swap3A_343 = tpu.vector_load %arg6[%swap3A_341, %swap3A_342] {strides = array<i32>} : memref<16x256xi32, #tpu.memory_space<vmem>>, vector<16xi32>,
      tpu.vector_store %arg6[%swap3A_341, %swap3A_342], %broadcast_in_dim3A_1 {strides = array<i32>} : memref<16x256xi32, #tpu.memory_space<vmem>>, vector<16xi32>,
      %scan3A_344 = arith.constant 0 : i32
      scf.yield %scan3A_344 : i32
    }
    %scan3A_218 = arith.constant 16 : i32
    %mul3A_219 = arith.constant 50 : i32
    %mul3A_220 = vector.broadcast %mul3A_219 : i32 to vector<16xi32>
    %mul3A_221 = arith.muli %iota3A, %mul3A_220 : vector<16xi32>
    %broadcast_in_dim3A_222 = arith.constant 1 : i32
    %broadcast_in_dim3A_223 = vector.broadcast %broadcast_in_dim3A_222 : i32 to vector<16xi32>
    %scan3A_224 = arith.constant 0 : i32
    %scan3A_225 = arith.constant 0 : i32
    %scan3A_226 = arith.constant 10 : i32
    %scan3A_227 = arith.addi %scan3A_225, %scan3A_226 : i32
    %scan3A_228 = arith.constant 1 : i32
    %scan3A_229 = scf.for %scan3A_247 = %scan3A_225 to %scan3A_227 step %scan3A_228 iter_args(%scan3A_248 = %scan3A_224) -> (i32)  : i32 {
      %mul3A_249 = arith.constant 5 : i32
      %mul3A_250 = arith.muli %scan3A_247, %mul3A_249 : i32
      %add3A_251 = arith.constant 0 : i32
      %add3A_252 = arith.addi %mul3A_250, %add3A_251 : i32
      %add3A_253 = arith.constant 5600 : i32
      %add3A_254 = arith.addi %add3A_253, %add3A_252 : i32
      %add3A_255 = vector.broadcast %add3A_254 : i32 to vector<16xi32>
      %add3A_256 = arith.addi %mul3A_221, %add3A_255 : vector<16xi32>
      %gather3A = tpu.vector_load_idx %arg4[%add3A_256] : memref<6400xi32, #tpu.memory_space<vmem>>[vector<16xi32>], vector<16xi32>,
      %and3A = arith.constant 3 : i32
      %and3A_257 = vector.broadcast %and3A : i32 to vector<16xi32>
      %and3A_258 = arith.andi %gather3A, %and3A_257 : vector<16xi32>
      %mul3A_259 = arith.constant 8 : i32
      %mul3A_260 = vector.broadcast %mul3A_259 : i32 to vector<16xi32>
      %mul3A_261 = arith.muli %and3A_258, %mul3A_260 : vector<16xi32>
      %shift_left3A = arith.shli %broadcast_in_dim3A_223, %mul3A_261 : vector<16xi32>
      %shift_right_arithmetic3A = arith.constant 2 : i32
      %shift_right_arithmetic3A_262 = vector.broadcast %shift_right_arithmetic3A : i32 to vector<16xi32>
      %shift_right_arithmetic3A_263 = arith.shrsi %gather3A, %shift_right_arithmetic3A_262 : vector<16xi32>
      tpu.vector_store_idx %arg6[%iota3A, %shift_right_arithmetic3A_263], %shift_left3A {add = true} : memref<16x256xi32, #tpu.memory_space<vmem>>[vector<16xi32>, vector<16xi32>], vector<16xi32>,
      %mul3A_264 = arith.constant 5 : i32
      %mul3A_265 = arith.muli %scan3A_247, %mul3A_264 : i32
      %add3A_266 = arith.constant 1 : i32
      %add3A_267 = arith.addi %mul3A_265, %add3A_266 : i32
      %add3A_268 = arith.constant 5600 : i32
      %add3A_269 = arith.addi %add3A_268, %add3A_267 : i32
      %add3A_270 = vector.broadcast %add3A_269 : i32 to vector<16xi32>
      %add3A_271 = arith.addi %mul3A_221, %add3A_270 : vector<16xi32>
      %gather3A_272 = tpu.vector_load_idx %arg4[%add3A_271] : memref<6400xi32, #tpu.memory_space<vmem>>[vector<16xi32>], vector<16xi32>,
      %and3A_273 = arith.constant 3 : i32
      %and3A_274 = vector.broadcast %and3A_273 : i32 to vector<16xi32>
      %and3A_275 = arith.andi %gather3A_272, %and3A_274 : vector<16xi32>
      %mul3A_276 = arith.constant 8 : i32
      %mul3A_277 = vector.broadcast %mul3A_276 : i32 to vector<16xi32>
      %mul3A_278 = arith.muli %and3A_275, %mul3A_277 : vector<16xi32>
      %shift_left3A_279 = arith.shli %broadcast_in_dim3A_223, %mul3A_278 : vector<16xi32>
      %shift_right_arithmetic3A_280 = arith.constant 2 : i32
      %shift_right_arithmetic3A_281 = vector.broadcast %shift_right_arithmetic3A_280 : i32 to vector<16xi32>
      %shift_right_arithmetic3A_282 = arith.shrsi %gather3A_272, %shift_right_arithmetic3A_281 : vector<16xi32>
      tpu.vector_store_idx %arg6[%iota3A, %shift_right_arithmetic3A_282], %shift_left3A_279 {add = true} : memref<16x256xi32, #tpu.memory_space<vmem>>[vector<16xi32>, vector<16xi32>], vector<16xi32>,
      %mul3A_283 = arith.constant 5 : i32
      %mul3A_284 = arith.muli %scan3A_247, %mul3A_283 : i32
      %add3A_285 = arith.constant 2 : i32
      %add3A_286 = arith.addi %mul3A_284, %add3A_285 : i32
      %add3A_287 = arith.constant 5600 : i32
      %add3A_288 = arith.addi %add3A_287, %add3A_286 : i32
      %add3A_289 = vector.broadcast %add3A_288 : i32 to vector<16xi32>
      %add3A_290 = arith.addi %mul3A_221, %add3A_289 : vector<16xi32>
      %gather3A_291 = tpu.vector_load_idx %arg4[%add3A_290] : memref<6400xi32, #tpu.memory_space<vmem>>[vector<16xi32>], vector<16xi32>,
      %and3A_292 = arith.constant 3 : i32
      %and3A_293 = vector.broadcast %and3A_292 : i32 to vector<16xi32>
      %and3A_294 = arith.andi %gather3A_291, %and3A_293 : vector<16xi32>
      %mul3A_295 = arith.constant 8 : i32
      %mul3A_296 = vector.broadcast %mul3A_295 : i32 to vector<16xi32>
      %mul3A_297 = arith.muli %and3A_294, %mul3A_296 : vector<16xi32>
      %shift_left3A_298 = arith.shli %broadcast_in_dim3A_223, %mul3A_297 : vector<16xi32>
      %shift_right_arithmetic3A_299 = arith.constant 2 : i32
      %shift_right_arithmetic3A_300 = vector.broadcast %shift_right_arithmetic3A_299 : i32 to vector<16xi32>
      %shift_right_arithmetic3A_301 = arith.shrsi %gather3A_291, %shift_right_arithmetic3A_300 : vector<16xi32>
      tpu.vector_store_idx %arg6[%iota3A, %shift_right_arithmetic3A_301], %shift_left3A_298 {add = true} : memref<16x256xi32, #tpu.memory_space<vmem>>[vector<16xi32>, vector<16xi32>], vector<16xi32>,
      %mul3A_302 = arith.constant 5 : i32
      %mul3A_303 = arith.muli %scan3A_247, %mul3A_302 : i32
      %add3A_304 = arith.constant 3 : i32
      %add3A_305 = arith.addi %mul3A_303, %add3A_304 : i32
      %add3A_306 = arith.constant 5600 : i32
      %add3A_307 = arith.addi %add3A_306, %add3A_305 : i32
      %add3A_308 = vector.broadcast %add3A_307 : i32 to vector<16xi32>
      %add3A_309 = arith.addi %mul3A_221, %add3A_308 : vector<16xi32>
      %gather3A_310 = tpu.vector_load_idx %arg4[%add3A_309] : memref<6400xi32, #tpu.memory_space<vmem>>[vector<16xi32>], vector<16xi32>,
      %and3A_311 = arith.constant 3 : i32
      %and3A_312 = vector.broadcast %and3A_311 : i32 to vector<16xi32>
      %and3A_313 = arith.andi %gather3A_310, %and3A_312 : vector<16xi32>
      %mul3A_314 = arith.constant 8 : i32
      %mul3A_315 = vector.broadcast %mul3A_314 : i32 to vector<16xi32>
      %mul3A_316 = arith.muli %and3A_313, %mul3A_315 : vector<16xi32>
      %shift_left3A_317 = arith.shli %broadcast_in_dim3A_223, %mul3A_316 : vector<16xi32>
      %shift_right_arithmetic3A_318 = arith.constant 2 : i32
      %shift_right_arithmetic3A_319 = vector.broadcast %shift_right_arithmetic3A_318 : i32 to vector<16xi32>
      %shift_right_arithmetic3A_320 = arith.shrsi %gather3A_310, %shift_right_arithmetic3A_319 : vector<16xi32>
      tpu.vector_store_idx %arg6[%iota3A, %shift_right_arithmetic3A_320], %shift_left3A_317 {add = true} : memref<16x256xi32, #tpu.memory_space<vmem>>[vector<16xi32>, vector<16xi32>], vector<16xi32>,
      %mul3A_321 = arith.constant 5 : i32
      %mul3A_322 = arith.muli %scan3A_247, %mul3A_321 : i32
      %add3A_323 = arith.constant 4 : i32
      %add3A_324 = arith.addi %mul3A_322, %add3A_323 : i32
      %add3A_325 = arith.constant 5600 : i32
      %add3A_326 = arith.addi %add3A_325, %add3A_324 : i32
      %add3A_327 = vector.broadcast %add3A_326 : i32 to vector<16xi32>
      %add3A_328 = arith.addi %mul3A_221, %add3A_327 : vector<16xi32>
      %gather3A_329 = tpu.vector_load_idx %arg4[%add3A_328] : memref<6400xi32, #tpu.memory_space<vmem>>[vector<16xi32>], vector<16xi32>,
      %and3A_330 = arith.constant 3 : i32
      %and3A_331 = vector.broadcast %and3A_330 : i32 to vector<16xi32>
      %and3A_332 = arith.andi %gather3A_329, %and3A_331 : vector<16xi32>
      %mul3A_333 = arith.constant 8 : i32
      %mul3A_334 = vector.broadcast %mul3A_333 : i32 to vector<16xi32>
      %mul3A_335 = arith.muli %and3A_332, %mul3A_334 : vector<16xi32>
      %shift_left3A_336 = arith.shli %broadcast_in_dim3A_223, %mul3A_335 : vector<16xi32>
      %shift_right_arithmetic3A_337 = arith.constant 2 : i32
      %shift_right_arithmetic3A_338 = vector.broadcast %shift_right_arithmetic3A_337 : i32 to vector<16xi32>
      %shift_right_arithmetic3A_339 = arith.shrsi %gather3A_329, %shift_right_arithmetic3A_338 : vector<16xi32>
      tpu.vector_store_idx %arg6[%iota3A, %shift_right_arithmetic3A_339], %shift_left3A_336 {add = true} : memref<16x256xi32, #tpu.memory_space<vmem>>[vector<16xi32>, vector<16xi32>], vector<16xi32>,
      %scan3A_340 = arith.constant 0 : i32
      scf.yield %scan3A_340 : i32
    }
    %scan3A_230 = arith.constant 10 : i32
    %mul3A_231 = arith.constant 128 : i32
    %mul3A_232 = arith.muli %add3A, %mul3A_231 : i32
    %add3A_233 = arith.constant 112 : i32
    %add3A_234 = arith.addi %mul3A_232, %add3A_233 : i32
    %dma_start3A_235 = arith.constant 0 : i32
    %dma_start3A_236 = tpu.memref_slice %arg3[%add3A_234, %dma_start3A_235] : memref<4096x256xi32, #tpu.memory_space<hbm>> -> memref<16x256xi32, #tpu.memory_space<hbm>>
    %dma_start3A_237 = arith.constant 0 : i32
    %dma_start3A_238 = tpu.memref_slice %arg3[%add3A_234, %dma_start3A_237] : memref<4096x256xi32, #tpu.memory_space<hbm>> -> memref<16x256xi32, #tpu.memory_space<hbm>>
    tpu.enqueue_dma source(%arg6 : memref<16x256xi32, #tpu.memory_space<vmem>>) target(%dma_start3A_238 : memref<16x256xi32, #tpu.memory_space<hbm>>) target_semaphore(%arg8 : memref<!tpu.dma_semaphore, #tpu.memory_space<semaphore_mem>>)
    %dma_wait3A_239 = arith.constant 0 : i32
    %dma_wait3A_240 = tpu.memref_slice %arg3[%add3A_203, %dma_wait3A_239] : memref<4096x256xi32, #tpu.memory_space<hbm>> -> memref<16x256xi32, #tpu.memory_space<hbm>>
    %dma_wait3A_241 = arith.constant 0 : i32
    %dma_wait3A_242 = tpu.memref_slice %arg3[%add3A_203, %dma_wait3A_241] : memref<4096x256xi32, #tpu.memory_space<hbm>> -> memref<16x256xi32, #tpu.memory_space<hbm>>
    tpu.wait_dma2 semaphore(%arg7 : memref<!tpu.dma_semaphore, #tpu.memory_space<semaphore_mem>>) src(%arg5 : memref<16x256xi32, #tpu.memory_space<vmem>>) dst(%dma_wait3A_242 : memref<16x256xi32, #tpu.memory_space<hbm>>)
    %dma_wait3A_243 = arith.constant 0 : i32
    %dma_wait3A_244 = tpu.memref_slice %arg3[%add3A_234, %dma_wait3A_243] : memref<4096x256xi32, #tpu.memory_space<hbm>> -> memref<16x256xi32, #tpu.memory_space<hbm>>
    %dma_wait3A_245 = arith.constant 0 : i32
    %dma_wait3A_246 = tpu.memref_slice %arg3[%add3A_234, %dma_wait3A_245] : memref<4096x256xi32, #tpu.memory_space<hbm>> -> memref<16x256xi32, #tpu.memory_space<hbm>>
    tpu.wait_dma2 semaphore(%arg8 : memref<!tpu.dma_semaphore, #tpu.memory_space<semaphore_mem>>) src(%arg6 : memref<16x256xi32, #tpu.memory_space<vmem>>) dst(%dma_wait3A_246 : memref<16x256xi32, #tpu.memory_space<hbm>>)
    return
  }
}

module attributes {stable_mosaic.version = 14 : i64} {
  func.func @_tc_body(%arg0: i32, %arg1: memref<1024x256xi32, #tpu.memory_space<vmem>>, %arg2: memref<1024x100xf32, #tpu.memory_space<vmem>>, %arg3: memref<1024x256xf32, #tpu.memory_space<vmem>>, %arg4: memref<8x256xf32, #tpu.memory_space<vmem>>, %arg5: memref<512x256xf32, #tpu.memory_space<vmem>>, %arg6: memref<256x256xf32, #tpu.memory_space<vmem>>, %arg7: memref<1024x256xf32, #tpu.memory_space<vmem>>) attributes {dimension_semantics = [#tpu.dimension_semantics<arbitrary>], iteration_bounds = array<i64: 4>, scalar_prefetch = 0 : i64, scratch_operands = 0 : i64, tpu.core_type = #tpu.core_type<tc>, window_params = [{transform_indices = @transform_0, window_bounds = array<i64: 1024, 256>}, {transform_indices = @transform_1, window_bounds = array<i64: 1024, 100>}, {pipeline_mode = #tpu.pipeline_mode<synchronous>, transform_indices = @transform_2, window_bounds = array<i64: 1024, 256>}, {pipeline_mode = #tpu.pipeline_mode<synchronous>, transform_indices = @transform_3, window_bounds = array<i64: 8, 256>}, {pipeline_mode = #tpu.pipeline_mode<synchronous>, transform_indices = @transform_4, window_bounds = array<i64: 512, 256>}, {pipeline_mode = #tpu.pipeline_mode<synchronous>, transform_indices = @transform_5, window_bounds = array<i64: 256, 256>}, {transform_indices = @transform_6, window_bounds = array<i64: 1024, 256>}]} {
    %get3A = arith.constant 0 : index
    %get3A_0 = arith.constant 0 : index
    %get3A_1 = vector.load %arg1[%get3A, %get3A_0] : memref<1024x256xi32, #tpu.memory_space<vmem>>, vector<1024x256xi32>
    %shift_right_arithmetic3A = arith.constant 0 : i32
    %shift_right_arithmetic3A_2 = vector.broadcast %shift_right_arithmetic3A : i32 to vector<1024x256xi32>
    %shift_right_arithmetic3A_3 = arith.shrsi %get3A_1, %shift_right_arithmetic3A_2 : vector<1024x256xi32>
    %and3A = arith.constant 255 : i32
    %and3A_4 = vector.broadcast %and3A : i32 to vector<1024x256xi32>
    %and3A_5 = arith.andi %shift_right_arithmetic3A_3, %and3A_4 : vector<1024x256xi32>
    %convert_element_type3A = arith.sitofp %and3A_5 : vector<1024x256xi32> to vector<1024x256xf32>
    %shift_right_arithmetic3A_6 = arith.constant 8 : i32
    %shift_right_arithmetic3A_7 = vector.broadcast %shift_right_arithmetic3A_6 : i32 to vector<1024x256xi32>
    %shift_right_arithmetic3A_8 = arith.shrsi %get3A_1, %shift_right_arithmetic3A_7 : vector<1024x256xi32>
    %and3A_9 = arith.constant 255 : i32
    %and3A_10 = vector.broadcast %and3A_9 : i32 to vector<1024x256xi32>
    %and3A_11 = arith.andi %shift_right_arithmetic3A_8, %and3A_10 : vector<1024x256xi32>
    %convert_element_type3A_12 = arith.sitofp %and3A_11 : vector<1024x256xi32> to vector<1024x256xf32>
    %shift_right_arithmetic3A_13 = arith.constant 16 : i32
    %shift_right_arithmetic3A_14 = vector.broadcast %shift_right_arithmetic3A_13 : i32 to vector<1024x256xi32>
    %shift_right_arithmetic3A_15 = arith.shrsi %get3A_1, %shift_right_arithmetic3A_14 : vector<1024x256xi32>
    %and3A_16 = arith.constant 255 : i32
    %and3A_17 = vector.broadcast %and3A_16 : i32 to vector<1024x256xi32>
    %and3A_18 = arith.andi %shift_right_arithmetic3A_15, %and3A_17 : vector<1024x256xi32>
    %convert_element_type3A_19 = arith.sitofp %and3A_18 : vector<1024x256xi32> to vector<1024x256xf32>
    %shift_right_arithmetic3A_20 = arith.constant 24 : i32
    %shift_right_arithmetic3A_21 = vector.broadcast %shift_right_arithmetic3A_20 : i32 to vector<1024x256xi32>
    %shift_right_arithmetic3A_22 = arith.shrsi %get3A_1, %shift_right_arithmetic3A_21 : vector<1024x256xi32>
    %and3A_23 = arith.constant 255 : i32
    %and3A_24 = vector.broadcast %and3A_23 : i32 to vector<1024x256xi32>
    %and3A_25 = arith.andi %shift_right_arithmetic3A_22, %and3A_24 : vector<1024x256xi32>
    %convert_element_type3A_26 = arith.sitofp %and3A_25 : vector<1024x256xi32> to vector<1024x256xf32>
    %concatenate3A = tpu.concatenate %convert_element_type3A, %convert_element_type3A_12, %convert_element_type3A_19, %convert_element_type3A_26 in 1 : vector<1024x256xf32>, vector<1024x256xf32>, vector<1024x256xf32>, vector<1024x256xf32> -> vector<1024x1024xf32>
    %get3A_27 = arith.constant 0 : index
    %get3A_28 = arith.constant 0 : index
    %get3A_29 = vector.load %arg3[%get3A_27, %get3A_28] : memref<1024x256xf32, #tpu.memory_space<vmem>>, vector<1024x256xf32>
    %dot_general3A = arith.constant dense<0.000000e+00> : vector<1024x256xf32>
    %dot_general3A_30 = tpu.matmul %concatenate3A, %get3A_29, %dot_general3A {dimension_numbers = #tpu.dot_dimension_numbers<[1], [0], [0], [1], [0, 0, 1, 1], [], []>, transpose_lhs_hint = false} : vector<1024x1024xf32>, vector<1024x256xf32>, vector<1024x256xf32> -> vector<1024x256xf32>
    %mul3A = arith.constant 2.000000e-02 : f32
    %mul3A_31 = vector.broadcast %mul3A : f32 to vector<1024x256xf32>
    %mul3A_32 = arith.mulf %dot_general3A_30, %mul3A_31 : vector<1024x256xf32>
    %get3A_33 = arith.constant 0 : index
    %get3A_34 = arith.constant 0 : index
    %get3A_35 = vector.load %arg2[%get3A_33, %get3A_34] : memref<1024x100xf32, #tpu.memory_space<vmem>>, vector<1024x100xf32>
    %iota3A = tpu.iota {dimensions = array<i32: 1>} : vector<1x100xi32>
    %jit3A = arith.constant 2 : i32
    %eq3A = arith.constant 0 : i32
    %eq3A_36 = arith.cmpi eq, %jit3A, %eq3A : i32
    %jit3A_37 = arith.constant 1 : i32
    %select_n3A = arith.select %eq3A_36, %jit3A_37, %jit3A : i32
    %rem3A = vector.broadcast %select_n3A : i32 to vector<1x100xi32>
    %rem3A_38 = arith.remsi %iota3A, %rem3A : vector<1x100xi32>
    %ne3A = arith.constant 0 : i32
    %ne3A_39 = vector.broadcast %ne3A : i32 to vector<1x100xi32>
    %ne3A_40 = arith.cmpi ne, %rem3A_38, %ne3A_39 : vector<1x100xi32>
    %lt3A = arith.constant 0 : i32
    %lt3A_41 = vector.broadcast %lt3A : i32 to vector<1x100xi32>
    %lt3A_42 = arith.cmpi slt, %rem3A_38, %lt3A_41 : vector<1x100xi32>
    %lt3A_43 = arith.constant 0 : i32
    %lt3A_44 = arith.cmpi slt, %select_n3A, %lt3A_43 : i32
    %ne3A_45 = vector.broadcast %lt3A_44 : i1 to vector<1x100xi1>
    %ne3A_46 = vector.broadcast %ne3A_45 : vector<1x100xi1> to vector<1x100xi1>
    %ne3A_47 = arith.xori %lt3A_42, %ne3A_46 : vector<1x100xi1>
    %and3A_48 = arith.andi %ne3A_47, %ne3A_40 : vector<1x100xi1>
    %add3A = vector.broadcast %select_n3A : i32 to vector<1x100xi32>
    %add3A_49 = arith.addi %rem3A_38, %add3A : vector<1x100xi32>
    %select_n3A_50 = arith.select %and3A_48, %add3A_49, %rem3A_38 : vector<1x100xi1>, vector<1x100xi32>
    %eq3A_51 = arith.constant 0 : i32
    %eq3A_52 = vector.broadcast %eq3A_51 : i32 to vector<1x100xi32>
    %eq3A_53 = arith.cmpi eq, %select_n3A_50, %eq3A_52 : vector<1x100xi32>
    %jit3A_54 = arith.constant 0.000000e+00 : f32
    %broadcast_in_dim3A = vector.shape_cast %eq3A_53 : vector<1x100xi1> to vector<1x100xi1>
    %broadcast_in_dim3A_55 = vector.broadcast %broadcast_in_dim3A : vector<1x100xi1> to vector<1024x100xi1>
    %broadcast_in_dim3A_56 = vector.broadcast %jit3A_54 : f32 to vector<1024x100xf32>
    %select_n3A_57 = arith.select %broadcast_in_dim3A_55, %get3A_35, %broadcast_in_dim3A_56 : vector<1024x100xi1>, vector<1024x100xf32>
    %reduce_sum3A = arith.constant dense<0.000000e+00> : vector<1024xf32>
    %reduce_sum3A_58 = vector.multi_reduction <add>, %select_n3A_57, %reduce_sum3A [1] : vector<1024x100xf32> to vector<1024xf32>
    %broadcast_in_dim3A_59 = vector.shape_cast %reduce_sum3A_58 : vector<1024xf32> to vector<1024x1xf32>
    %mul3A_60 = arith.constant 2.000000e-02 : f32
    %mul3A_61 = vector.broadcast %mul3A_60 : f32 to vector<1024x1xf32>
    %mul3A_62 = arith.mulf %broadcast_in_dim3A_59, %mul3A_61 : vector<1024x1xf32>
    %eq3A_63 = arith.constant 1 : i32
    %eq3A_64 = vector.broadcast %eq3A_63 : i32 to vector<1x100xi32>
    %eq3A_65 = arith.cmpi eq, %select_n3A_50, %eq3A_64 : vector<1x100xi32>
    %jit3A_66 = arith.constant 0.000000e+00 : f32
    %broadcast_in_dim3A_67 = vector.shape_cast %eq3A_65 : vector<1x100xi1> to vector<1x100xi1>
    %broadcast_in_dim3A_68 = vector.broadcast %broadcast_in_dim3A_67 : vector<1x100xi1> to vector<1024x100xi1>
    %broadcast_in_dim3A_69 = vector.broadcast %jit3A_66 : f32 to vector<1024x100xf32>
    %select_n3A_70 = arith.select %broadcast_in_dim3A_68, %get3A_35, %broadcast_in_dim3A_69 : vector<1024x100xi1>, vector<1024x100xf32>
    %reduce_sum3A_71 = arith.constant dense<0.000000e+00> : vector<1024xf32>
    %reduce_sum3A_72 = vector.multi_reduction <add>, %select_n3A_70, %reduce_sum3A_71 [1] : vector<1024x100xf32> to vector<1024xf32>
    %broadcast_in_dim3A_73 = vector.shape_cast %reduce_sum3A_72 : vector<1024xf32> to vector<1024x1xf32>
    %mul3A_74 = arith.constant 2.000000e-02 : f32
    %mul3A_75 = vector.broadcast %mul3A_74 : f32 to vector<1024x1xf32>
    %mul3A_76 = arith.mulf %broadcast_in_dim3A_73, %mul3A_75 : vector<1024x1xf32>
    %get3A_77 = arith.constant 0 : index
    %get3A_78 = arith.constant 0 : index
    %get3A_79 = vector.load %arg4[%get3A_77, %get3A_78] : memref<8x256xf32, #tpu.memory_space<vmem>>, vector<8x256xf32>
    %slice3A = vector.extract_strided_slice %get3A_79 {offsets = [0, 0], sizes = [1, 256], strides = [1, 1]} : vector<8x256xf32> to vector<1x256xf32>
    %mul3A_80 = vector.broadcast %mul3A_62 : vector<1024x1xf32> to vector<1024x256xf32>
    %mul3A_81 = vector.broadcast %slice3A : vector<1x256xf32> to vector<1024x256xf32>
    %mul3A_82 = arith.mulf %mul3A_80, %mul3A_81 : vector<1024x256xf32>
    %slice3A_83 = vector.extract_strided_slice %get3A_79 {offsets = [1, 0], sizes = [1, 256], strides = [1, 1]} : vector<8x256xf32> to vector<1x256xf32>
    %mul3A_84 = vector.broadcast %mul3A_76 : vector<1024x1xf32> to vector<1024x256xf32>
    %mul3A_85 = vector.broadcast %slice3A_83 : vector<1x256xf32> to vector<1024x256xf32>
    %mul3A_86 = arith.mulf %mul3A_84, %mul3A_85 : vector<1024x256xf32>
    %add3A_87 = arith.addf %mul3A_82, %mul3A_86 : vector<1024x256xf32>
    %slice3A_88 = vector.extract_strided_slice %get3A_79 {offsets = [2, 0], sizes = [1, 256], strides = [1, 1]} : vector<8x256xf32> to vector<1x256xf32>
    %add3A_89 = vector.broadcast %slice3A_88 : vector<1x256xf32> to vector<1024x256xf32>
    %add3A_90 = arith.addf %add3A_87, %add3A_89 : vector<1024x256xf32>
    %get3A_91 = arith.constant 0 : index
    %get3A_92 = arith.constant 0 : index
    %get3A_93 = vector.load %arg5[%get3A_91, %get3A_92] : memref<512x256xf32, #tpu.memory_space<vmem>>, vector<256x256xf32>
    %dot_general3A_94 = arith.constant dense<0.000000e+00> : vector<1024x256xf32>
    %dot_general3A_95 = tpu.matmul %mul3A_32, %get3A_93, %dot_general3A_94 {dimension_numbers = #tpu.dot_dimension_numbers<[1], [0], [0], [1], [0, 0, 1, 1], [], []>, transpose_lhs_hint = false} : vector<1024x256xf32>, vector<256x256xf32>, vector<1024x256xf32> -> vector<1024x256xf32>
    %get3A_96 = arith.constant 256 : index
    %get3A_97 = arith.constant 0 : index
    %get3A_98 = vector.load %arg5[%get3A_96, %get3A_97] : memref<512x256xf32, #tpu.memory_space<vmem>>, vector<256x256xf32>
    %dot_general3A_99 = arith.constant dense<0.000000e+00> : vector<1024x256xf32>
    %dot_general3A_100 = tpu.matmul %add3A_90, %get3A_98, %dot_general3A_99 {dimension_numbers = #tpu.dot_dimension_numbers<[1], [0], [0], [1], [0, 0, 1, 1], [], []>, transpose_lhs_hint = false} : vector<1024x256xf32>, vector<256x256xf32>, vector<1024x256xf32> -> vector<1024x256xf32>
    %add3A_101 = arith.addf %dot_general3A_95, %dot_general3A_100 : vector<1024x256xf32>
    %slice3A_102 = vector.extract_strided_slice %get3A_79 {offsets = [3, 0], sizes = [1, 256], strides = [1, 1]} : vector<8x256xf32> to vector<1x256xf32>
    %add3A_103 = vector.broadcast %slice3A_102 : vector<1x256xf32> to vector<1024x256xf32>
    %add3A_104 = arith.addf %add3A_101, %add3A_103 : vector<1024x256xf32>
    %mul3A_105 = arith.constant 5.000000e-01 : f32
    %mul3A_106 = vector.broadcast %mul3A_105 : f32 to vector<1024x256xf32>
    %mul3A_107 = arith.mulf %mul3A_106, %add3A_104 : vector<1024x256xf32>
    %mul3A_108 = arith.constant 0.707106769 : f32
    %mul3A_109 = vector.broadcast %mul3A_108 : f32 to vector<1024x256xf32>
    %mul3A_110 = arith.mulf %add3A_104, %mul3A_109 : vector<1024x256xf32>
    %erf3A = math.erf %mul3A_110 : vector<1024x256xf32>
    %add3A_111 = arith.constant 1.000000e+00 : f32
    %add3A_112 = vector.broadcast %add3A_111 : f32 to vector<1024x256xf32>
    %add3A_113 = arith.addf %add3A_112, %erf3A : vector<1024x256xf32>
    %mul3A_114 = arith.mulf %mul3A_107, %add3A_113 : vector<1024x256xf32>
    %get3A_115 = arith.constant 0 : index
    %get3A_116 = arith.constant 0 : index
    %get3A_117 = vector.load %arg6[%get3A_115, %get3A_116] : memref<256x256xf32, #tpu.memory_space<vmem>>, vector<256x256xf32>
    %dot_general3A_118 = arith.constant dense<0.000000e+00> : vector<1024x256xf32>
    %dot_general3A_119 = tpu.matmul %mul3A_114, %get3A_117, %dot_general3A_118 {dimension_numbers = #tpu.dot_dimension_numbers<[1], [0], [0], [1], [0, 0, 1, 1], [], []>, transpose_lhs_hint = false} : vector<1024x256xf32>, vector<256x256xf32>, vector<1024x256xf32> -> vector<1024x256xf32>
    %slice3A_120 = vector.extract_strided_slice %get3A_79 {offsets = [4, 0], sizes = [1, 256], strides = [1, 1]} : vector<8x256xf32> to vector<1x256xf32>
    %add3A_121 = vector.broadcast %slice3A_120 : vector<1x256xf32> to vector<1024x256xf32>
    %add3A_122 = arith.addf %dot_general3A_119, %add3A_121 : vector<1024x256xf32>
    %swap3A = arith.constant 0 : index
    %swap3A_123 = arith.constant 0 : index
    %swap3A_124 = vector.load %arg7[%swap3A, %swap3A_123] : memref<1024x256xf32, #tpu.memory_space<vmem>>, vector<1024x256xf32>
    tpu.vector_store %arg7[%swap3A, %swap3A_123], %add3A_122 {strides = array<i32>} : memref<1024x256xf32, #tpu.memory_space<vmem>>, vector<1024x256xf32>,
    return
  }
  func.func @transform_0(%arg0: i32) -> (i32, i32) {
    %c0_i32 = arith.constant 0 : i32
    %c0_i32_0 = arith.constant 0 : i32
    return %arg0, %c0_i32 : i32, i32
  }
  func.func @transform_1(%arg0: i32) -> (i32, i32) {
    %c0_i32 = arith.constant 0 : i32
    %c0_i32_0 = arith.constant 0 : i32
    return %arg0, %c0_i32 : i32, i32
  }
  func.func @transform_2(%arg0: i32) -> (i32, i32) {
    %c0_i32 = arith.constant 0 : i32
    %c0_i32_0 = arith.constant 0 : i32
    %c0_i32_1 = arith.constant 0 : i32
    return %c0_i32, %c0_i32_0 : i32, i32
  }
  func.func @transform_3(%arg0: i32) -> (i32, i32) {
    %c0_i32 = arith.constant 0 : i32
    %c0_i32_0 = arith.constant 0 : i32
    %c0_i32_1 = arith.constant 0 : i32
    return %c0_i32, %c0_i32_0 : i32, i32
  }
  func.func @transform_4(%arg0: i32) -> (i32, i32) {
    %c0_i32 = arith.constant 0 : i32
    %c0_i32_0 = arith.constant 0 : i32
    %c0_i32_1 = arith.constant 0 : i32
    return %c0_i32, %c0_i32_0 : i32, i32
  }
  func.func @transform_5(%arg0: i32) -> (i32, i32) {
    %c0_i32 = arith.constant 0 : i32
    %c0_i32_0 = arith.constant 0 : i32
    %c0_i32_1 = arith.constant 0 : i32
    return %c0_i32, %c0_i32_0 : i32, i32
  }
  func.func @transform_6(%arg0: i32) -> (i32, i32) {
    %c0_i32 = arith.constant 0 : i32
    %c0_i32_0 = arith.constant 0 : i32
    return %arg0, %c0_i32 : i32, i32
  }
}

</mosaic_0001>

<sc_bundles>
// kernel: kernel.4.cloned.1.call-start
scs
__scs_entry_jumppad:
0x0: {  	(pc) =	sbr.rel $0x88, $3  }
0x1: {  	(tag) =	ssettag $0x0;
	lr =	simm.s32 $0x1  }
0x2: {  	[smem:$0x3F98] =	sst lr;
	_ =	strace $0xD0000000  }
0x3: {  	_ = 	snop  }
0x4: {  	_ = 	snop  }
0x5: {  	_ = 	snop  }
0x6: {  	_ = 	snop  }
0x7: {  	_ = 	snop  }
__scs_overlays_trampoline_lowered:
0x8: {  	[smem:$0x3FA7] =	sst s0  }
0x9: {  	[smem:$0x3FA8] =	sst s1  }
0xa: {  	[smem:$0x3FA9] =	sst s2  }
0xb: {  	[smem:$0x3FAA] =	sst s3  }
0xc: {  	[smem:$0x3FAB] =	sst s4  }
0xd: {  	[smem:$0x3FAC] =	sst s5  }
0xe: {  	[smem:$0x3FAD] =	sst s6  }
0xf: {  	[smem:$0x3FAE] =	sst s7  }
0x10: {  	[smem:$0x3FAF] =	sst s8  }
0x11: {  	[smem:$0x3FB0] =	sst s9;
	s0 =	simm.s32 @!p0 $0x0  }
0x12: {  	s1 =	sld [smem:$0x3F96];
	s0 =	simm.s32 @p0 $0x1  }
0x13: {  	[smem:$0x3FB1] =	sst s0;
	s0 =	simm.s32 @!p1 $0x0  }
0x14: {  	s2 =	sld [smem:$0x3F95];
	s0 =	simm.s32 @p1 $0x1  }
0x15: {  	[smem:$0x3FB2] =	sst s0;
	s0 =	simm.s32 @!p2 $0x0  }
0x16: {  	s3 =	sld [smem:$0x3FDB];
	s0 =	simm.s32 @p2 $0x1  }
0x17: {  	s4 =	simm.s32 $0x1BF5;
	[smem:$0x3FB4] =	sst s0  }
0x18: {  	s0 =	sld [smem:$0x3F97];
	_ =	swait.ge [sflag:s4], $0x0  }
0x19: {  	s7 =	sld [smem:$0x3F98]  }
0x1a: {  	s8 =	sadd.s32 $0xFFFFE003, lr  }
0x1b: {  	s9 =	sadd.s32 $0xFFFFFEF7, lr;
	s5 =	simm.s32 $0xFFFFFFFF;
	p2 =	slt.u32 s8, $0xFFFFF086  }
0x1c: {  	p1 =	slt.u32 s9, $0xF7A;
	s5 =	simm.s32 @!p2 $0x0  }
0x1d: {  	s5 =	simm.s32 @p1 $0x1;
	p0 =	seq.s32 s7, s2  }
0x1e: {  	s7 =	smul.u32 @!p0 $0xF7A, s2;
	p2 =	seq.s32 @!p0 s5, $0x0  }
0x1f: {  	s9 =	smul.u32 $0xF7A, s1;
	s8 =	simm.s32 @!p0 $0x1BF5;
	p2 =	por !p2, p0  }
0x20: {  	[sflag:s8] =	ssyncset.s32 @!p0 $0xFFFFF086;
	s6 =	sadd.s32 @!p0 s3, s7;
	s7 =	simm.s32 @!p0 $0x108  }
0x21: {  	s3 =	sadd.s32 s3, s9;
	s6 =	sadd.s32 @!p0 $0x88, s6;
	s7 =	simm.s32 @p2 $0x1082  }
0x22: {  	[simem:s7], [sflag:s8] =	dma.local @!p0 [hbm:s6], $0xF7A  }
0x23: {  	s9 =	sor.u32 $0xD0000000, s2;
	s6 =	simm.s32 $0x108;
	_ =	swait.ge @!p0 [sflag:s8], $0x0  }
0x24: {  	s3 =	sadd.s32 $0x88, s3;
	s6 =	simm.s32 @!p1 $0x1082;
	[sflag:s4] =	ssyncset.s32 $0xFFFFF086  }
0x25: {  	[simem:s6], [sflag:s4] =	dma.local [hbm:s3], $0xF7A  }
0x26: {  	[smem:$0x3F98] =	sst s1;
	(tag) =	ssettag s2;
	_ =	strace s9  }
0x27: {  	s1 =	sld [smem:$0x3FA8]  }
0x28: {  	s2 =	sld [smem:$0x3FA9]  }
0x29: {  	s4 =	sld [smem:$0x3FAB]  }
0x2a: {  	p0 =	seq.s32 s5, $0x0;
	s5 =	sld [smem:$0x3FAC]  }
0x2b: {  	s6 =	sld [smem:$0x3FAD]  }
0x2c: {  	s7 =	sld [smem:$0x3FAE]  }
0x2d: {  	s3 =	simm.s32 $0x108;
	s8 =	sld [smem:$0x3FAF]  }
0x2e: {  	s3 =	simm.s32 @!p0 $0x1082;
	s9 =	sld [smem:$0x3FB0]  }
0x2f: {  	lr =	sadd.s32 s0, s3;
	s0 =	sld [smem:$0x3FA7]  }
0x30: {  	s3 =	sld [smem:$0x3FAA]  }
0x31: {  	[smem:$0x3FB3] =	sst s10  }
0x32: {  	s10 =	sld [smem:$0x3FB1];
	_ =	sdelay $0x3  }
0x33: {  	p0 =	seq.s32 s10, $0x1;
	s10 =	sld [smem:$0x3FB3];
	_ =	sdelay $0x3  }
0x34: {  	[smem:$0x3FB3] =	sst s10  }
0x35: {  	s10 =	sld [smem:$0x3FB2];
	_ =	sdelay $0x3  }
0x36: {  	p1 =	seq.s32 s10, $0x1;
	s10 =	sld [smem:$0x3FB3];
	_ =	sdelay $0x3  }
0x37: {  	[smem:$0x3FB3] =	sst s10  }
0x38: {  	s10 =	sld [smem:$0x3FB4]  }
0x39: {  	_ = 	snop;
	(pc) =	sbr.ind lr, $3  }
0x3a: {  	_ = 	snop  }
0x3b: {  	_ = 	snop  }
0x3c: {  	p2 =	seq.s32 s10, $0x1;
	s10 =	sld [smem:$0x3FB3]  }
0x3d: {  	_ =	shalt  }
0x3e: {  	_ =	shalt  }
0x3f: {  	_ =	shalt  }
0x40: {  	_ =	shalt  }
0x41: {  	_ =	shalt  }
0x42: {  	_ =	shalt  }
0x43: {  	_ =	shalt  }
0x44: {  	_ =	shalt  }
0x45: {  	_ =	shalt  }
0x46: {  	_ =	shalt  }
0x47: {  	_ =	shalt  }
0x48: {  	_ =	shalt  }
0x49: {  	_ =	shalt  }
0x4a: {  	_ =	shalt  }
0x4b: {  	_ =	shalt  }
0x4c: {  	_ =	shalt  }
0x4d: {  	_ =	shalt  }
0x4e: {  	_ =	shalt  }
0x4f: {  	_ =	shalt  }
0x50: {  	_ =	shalt  }
0x51: {  	_ =	shalt  }
0x52: {  	_ =	shalt  }
0x53: {  	_ =	shalt  }
0x54: {  	_ =	shalt  }
0x55: {  	_ =	shalt  }
0x56: {  	_ =	shalt  }
0x57: {  	_ =	shalt  }
0x58: {  	_ =	shalt  }
0x59: {  	_ =	shalt  }
0x5a: {  	_ =	shalt  }
0x5b: {  	_ =	shalt  }
0x5c: {  	_ =	shalt  }
0x5d: {  	_ =	shalt  }
0x5e: {  	_ =	shalt  }
0x5f: {  	_ =	shalt  }
0x60: {  	_ =	shalt  }
0x61: {  	_ =	shalt  }
0x62: {  	_ =	shalt  }
0x63: {  	_ =	shalt  }
0x64: {  	_ =	shalt  }
0x65: {  	_ =	shalt  }
0x66: {  	_ =	shalt  }
0x67: {  	_ =	shalt  }
0x68: {  	_ =	shalt  }
0x69: {  	_ =	shalt  }
0x6a: {  	_ =	shalt  }
0x6b: {  	_ =	shalt  }
0x6c: {  	_ =	shalt  }
0x6d: {  	_ =	shalt  }
0x6e: {  	_ =	shalt  }
0x6f: {  	_ =	shalt  }
0x70: {  	_ =	shalt  }
0x71: {  	_ =	shalt  }
0x72: {  	_ =	shalt  }
0x73: {  	_ =	shalt  }
0x74: {  	_ =	shalt  }
0x75: {  	_ =	shalt  }
0x76: {  	_ =	shalt  }
0x77: {  	_ =	shalt  }
0x78: {  	_ =	shalt  }
0x79: {  	_ =	shalt  }
0x7a: {  	_ =	shalt  }
0x7b: {  	_ =	shalt  }
0x7c: {  	_ =	shalt  }
0x7d: {  	_ =	shalt  }
0x7e: {  	_ =	shalt  }
0x7f: {  	_ =	shalt  }
0x80: {  	_ =	shalt  }
0x81: {  	_ =	shalt  }
0x82: {  	_ =	shalt  }
0x83: {  	_ =	shalt  }
0x84: {  	_ =	shalt  }
0x85: {  	_ =	shalt  }
0x86: {  	_ =	shalt  }
0x87: {  	_ =	shalt  }
.Lfunc_end0:
.L_simem_size_0:
called_computation_lowered:
.L_overlay_start_0:
0x88: {  	s2 =	sld [smem:$0x3FD9]  }
0x89: {  	s3 =	sld [smem:$0x3FFE];
	_ =	sdelay $0x1  }
0x8a: {  	s1 =	srdreg.scid  }
0x8b: {  	s0 =	sand.u32 $0x1, s1  }
0x8c: {  	s17 =	sshll.u32 s0, $0xA;
	s2 =	sadd.s32 s3, s2  }
0x8d: {  	s2 =	sadd.s32 s2, s17  }
0x8e: {  	[smem:$0x3FBF] =	sst s2  }
0x8f: {  	_ = 	snop  }
0x90: {  	s2 =	sld [smem:$0x3FD0];
	(tm) =	ssettm $0x1  }
0x91: {  	s18 =	sld [smem:$0x3FFB];
	_ =	sdelay $0x3  }
0x92: {  	_ =	strace s18  }
0x93: {  	s3 =	sld [smem:$0x3FFC];
	_ =	sdelay $0x3  }
0x94: {  	_ =	strace s3  }
0x95: {  	s3 =	sld [smem:$0x3FFD];
	_ =	sdelay $0x3  }
0x96: {  	_ =	strace s3  }
0x97: {  	_ =	strace $0x8FFFFFFF  }
0x98: {  	s19 =	sld [smem:$0x3FDB];
	_ =	sdelay $0x1  }
0x99: {  	s4 =	simm.s32 $_scs_section_size  }
0x9a: {  	s5 =	simm.s32 $_size__tile_overlayer_lowered;
	s6 =	simm.s32 $_tile_overlayer_lowered  }
0x9b: {  	s22 =	simm.s32 $0x1BFF;
	s21 =	sshll.u32 s6, $0x1;
	s3 =	sadd.s32 s4, s19  }
0x9c: {  	s7 =	simm.s32 $0x0;
	s20 =	sshll.u32 s5, $0x1;
	s5 =	sadd.s32 s21, s3  }
0x9d: {  	[timem:s7], [sflag:s22] =	dma.local [hbm:s5], s20  }
0x9e: {  	_ =	swait.ge [sflag:s22], s20  }
0x9f: {  	s4 =	ssub.s32 $0x0, s20;
	[sflag:s22] =	ssyncset.done $0x0  }
0xa0: {  	[sflag:s22] =	ssyncadd.s32 s4;
	_ =	sdelay $0x1  }
0xa1: {  	s23 =	simm.s32 $0x1B8B  }
0xa2: {  	_ =	swait.ge [sflag:s23], $0x1  }
0xa3: {  	[sflag:s23] =	ssyncset.done $0x0  }
0xa4: {  	s25 =	simm.s32 $0x1B8E;
	s24 =	sld [smem:$0x3FFE];
	[sflag:s23] =	ssyncadd.s32 $0xFFFFFFFF  }
0xa5: {  	s26 =	simm.s32 $execute0_lowered;
	[smem:$0x3FD2] =	sst s25  }
0xa6: {  	s5 =	sshll.u32 s26, $0x1;
	_ =	strace $0x80000046;
	[dreg:$0x1] =	wrdreg $0xFFFFFFFF  }
0xa7: {  	s28 =	simm.s32 $_size_execute0_lowered;
	s3 =	sadd.s32 s3, s5;
	[dreg:$0x0] =	wrdreg $0x0  }
0xa8: {  	s5 =	sshll.u32 s28, $0x1;
	[dreg:$0x2] =	wrdreg s3  }
0xa9: {  	[dreg:$0x3] =	wrdreg s5  }
0xaa: {  	[dreg:$0x4] =	wrdreg $0xC0  }
0xab: {  	_ =	task [dreg:s7], $0x5FFFF  }
0xac: {  	[dreg:$0x1] =	wrdreg $0xFFFFFFFF  }
0xad: {  	[dreg:$0x0] =	wrdreg $0x60  }
0xae: {  	[dreg:$0x2] =	wrdreg s24  }
0xaf: {  	[dreg:$0x3] =	wrdreg s2  }
0xb0: {  	[dreg:$0x4] =	wrdreg $0x9  }
0xb1: {  	_ =	task.clear_ibuf [dreg:s7], $0x5FFFF;
	_ =	strace $0x90000046  }
0xb2: {  	s29 =	simm.s32 $0x9;
	_ =	strace $0x80000048  }
0xb3: {  	_ =	swait.ge [sflag:s29], $0x1  }
0xb4: {  	[sflag:s29] =	ssyncadd.s32 $0xFFFFFFFF  }
0xb5: {  	_ =	strace $0x90000048  }
0xb6: {  	_ =	sfence  }
0xb7: {  	s30 =	sld [smem:$0x0];
	_ =	sdelay $0x2  }
0xb8: {  	s31 =	sshll.u32 s1, $0xD;
	s1 =	sshrl.u32 s1, $0x2  }
0xb9: {  	s3 =	sand.u32 $0x4000, s31;
	s1 =	sadd.s32 s1, s30  }
0xba: {  	s0 =	sor.u32 s3, s0;
	s1 =	sshll.u32 s1, $0x11  }
0xbb: {  	s0 =	sor.u32 s1, s0  }
0xbc: {  	s0 =	sadd.s32 $0x8F2B, s0  }
0xbd: {  	[sflag:s0] =	ssyncadd.remote.s32 $0x1  }
0xbe: {  	_ =	sfence.sel $0xFFFF  }
0xbf: {  	[dreg:$0x0] =	wrdreg $0xFFFFFFFF;
	(pc) =	sbr.abs _section_cstart, $3  }
0xc0: {  	[dreg:$0x1] =	wrdreg $0xFFFFFFFF  }
0xc1: {  	_ =	task.clear_ibuf [dreg:s7], $0x2FFFF;
	_ =	strace $0x9FFFFFFF  }
0xc2: {  	(tm) =	ssettm $0x7FFFFFFF  }
0xc3: {  	_ =	shalt  }
tec
execute0_lowered:
.L_overlay_start_1:
0x0: {  	(tag) =	ssettag $0x1  }
0x1: {  	v0 =	vimm.s32 $0xB80;
	vm0 =	vcmask $0x300  }
0x2: {  	vm14 =	vcmask $0x704;
	v0 =	vsel vm0, $0x0, v0  }
0x3: {  	s3 =	rddreg [dreg:$0x0];
	s1 =	srdreg.scid;
	vm15 =	vcmask $0xB08;
	v0 =	vsel vm14, $0x80, v0  }
0x4: {  	s0 =	stileid.u32;
	s4 =	rddreg [dreg:$0x1];
	vm4 =	vcmask $0xF0C;
	v0 =	vsel vm15, $0x100, v0  }
0x5: {  	vm5 =	vcmask $0x1310;
	s13 =	simm.s32 $0x80;
	s14 =	simm.s32 $0x400;
	s15 =	simm.s32 $0x3;
	v0 =	vsel vm4, $0x180, v0  }
0x6: {  	vm6 =	vcmask $0x1714;
	s16 =	simm.s32 $0x1900;
	s17 =	simm.s32 $0x2900;
	s18 =	simm.s32 $0x1;
	v0 =	vsel vm5, $0x200, v0  }
0x7: {  	vm7 =	vcmask $0x1B18;
	s19 =	simm.s32 $0x2;
	s5 =	sand.u32 $0x1, s1;
	s2 =	sshll.u32 s0, $0x1;
	v0 =	vsel vm6, $0x280, v0  }
0x8: {  	vm8 =	vcmask $0x1F1C;
	s20 =	simm.s32 $0x0;
	s7 =	sshrl.u32 s0, $0x2;
	s6 =	sor.u32 s5, s2;
	v0 =	vsel vm7, $0x300, v0  }
0x9: {  	vm9 =	vcmask $0x2320;
	s1 =	rddreg [dreg:$0x2];
	s7 =	smul.u32 $0xC800, s7;
	s8 =	sshll.u32 s6, $0x7;
	v0 =	vsel vm8, $0x380, v0  }
0xa: {  	vm10 =	vcmask $0x2724;
	s2 =	simm.s32 $0x0;
	s5 =	ssub.s32 $0x2, s5;
	s8 =	sand.u32 $0x380, s8;
	v0 =	vsel vm9, $0x800, v0  }
0xb: {  	vm11 =	vcmask $0x2B28;
	[smem:$0x7FF] =	sst s2;
	s6 =	sshll.u32 s6, $0xC;
	s7 =	sor.u32 s7, s8;
	v0 =	vsel vm10, $0x880, v0  }
0xc: {  	vm12 =	vcmask $0x2F2C;
	s31 =	sshrl.u32 s5, $0x1;
	_ =	strace $0x80000047;
	s7 =	sshrl.u32 s7, $0x3;
	v0 =	vsel vm11, $0x900, v0  }
0xd: {  	vm13 =	vcmask $0x3330;
	s12 =	ssub.s32 s5, s31;
	s7 =	sadd.s32 s7, s3;
	s3 =	sadd.s32 s4, s6;
	v1 =	vsel vm12, $0x980, v0  }
0xe: {  	v2 =	vlaneseq.u32;
	vm14 =	vcmask $0x3734;
	s12 =	smax.u32 s12, $0x1;
	s4 =	sadd.s32 $0x1A00, s7;
	s5 =	sadd.s32 $0x200, s3;
	v1 =	vsel vm13, $0xA00, v1  }
0xf: {  	vm15 =	vcmask $0x3B38;
	s6 =	sadd.s32 $0x400, s3;
	s7 =	sadd.s32 $0x600, s3;
	s8 =	sadd.s32 $0x800, s3;
	v3 =	vsel vm14, $0xA80, v1;
	v1 =	vmul.u32 $0x32, v2  }
0x10: {  	s9 =	sadd.s32 $0xA00, s3;
	s10 =	sadd.s32 $0xC00, s3;
	s11 =	sadd.s32 $0xE00, s3;
	v0 =	vimm.s32 $0x0;
	v2 =	vimm.s32 $0x1;
	v3 =	vsel vm15, $0xB00, v3  }
.LBB2_1:
0x11: {  	[tilespmem:s2], [sflag:$0x3] =	stream.strided.gather [hbm4b:s4+s13], $0x1900, s14, s13, $0x38;
	[tilespmem:$0x3900] =	vst v63  }
0x12: {  	_ =	swait.ge [sflag:s15], $0x1900  }
0x13: {  	s21 =	sand.u32 $0x70, s2;
	s22 =	sand.u32 $0x400, s2;
	[sflag:s15] =	ssyncset.done $0x0  }
0x14: {  	s21 =	sor.u32 s21, s22;
	[sflag:s15] =	ssyncadd.s32 $0xFFFFE700  }
0x15: {  	[tilespmem:s21+$0x1980] =	vst v0  }
0x16: {  	[tilespmem:s21+$0x1A00] =	vst v0  }
0x17: {  	[tilespmem:s21+$0x1A80] =	vst v0  }
0x18: {  	[tilespmem:s21+$0x1B00] =	vst v0  }
0x19: {  	[tilespmem:s21+$0x1B80] =	vst v0  }
0x1a: {  	s24 =	sor.u32 s2, s2;
	s23 =	simm.s32 $0x0;
	s22 =	simm.s32 $0x10;
	[tilespmem:s21+$0x1C00] =	vst v0  }
.LBB2_2:
0x1b: {  	p0 =	sne.s32 s22, $0xF0;
	[tilespmem:s21+$0x1900] =	vst v0;
	s24 =	sor.u32 $0x380, s24  }
0x1c: {  	[tilespmem:s24+$0x1900] =	vst v0  }
0x1d: {  	[tilespmem:s21+$0x2100] =	vst v0  }
0x1e: {  	[tilespmem:s21+$0x2180] =	vst v0  }
0x1f: {  	[tilespmem:s21+$0x2200] =	vst v0  }
0x20: {  	[tilespmem:s21+$0x2280] =	vst v0  }
0x21: {  	[tilespmem:s21+$0x2300] =	vst v0  }
0x22: {  	s23 =	sadd.s32 $0x80, s23;
	[tilespmem:s21+$0x2380] =	vst v0  }
0x23: {  	s24 =	sand.u32 $0x70, s22;
	s25 =	sand.u32 $0x400, s23;
	[tilespmem:s21+$0x2400] =	vst v0  }
0x24: {  	[tilespmem:s21+$0x2480] =	vst v0;
	s21 =	sor.u32 s24, s25  }
0x25: {  	[tilespmem:s21+$0x1980] =	vst v0  }
.Ltmp0:
0x26: {  	[tilespmem:s21+$0x1A00] =	vst v0;
	(pc) =	sbr.rel @p0 .LBB2_2-.Ltmp0, $4  }
0x27: {  	[tilespmem:s21+$0x1A80] =	vst v0  }
0x28: {  	[tilespmem:s21+$0x1B00] =	vst v0  }
0x29: {  	[tilespmem:s21+$0x1B80] =	vst v0  }
0x2a: {  	s24 =	sor.u32 s23, s22;
	s22 =	sadd.s32 $0x10, s22;
	[tilespmem:s21+$0x1C00] =	vst v0  }
0x2b: {  	[tilespmem:s21+$0x1900] =	vst v0;
	s22 =	sor.u32 $0x380, s24  }
0x2c: {  	[tilespmem:s22+$0x1900] =	vst v0  }
0x2d: {  	[tilespmem:s21+$0x2100] =	vst v0  }
0x2e: {  	[tilespmem:s21+$0x2180] =	vst v0  }
0x2f: {  	[tilespmem:s21+$0x2200] =	vst v0  }
0x30: {  	[tilespmem:s21+$0x2280] =	vst v0  }
0x31: {  	[tilespmem:s21+$0x2300] =	vst v0  }
0x32: {  	[tilespmem:s21+$0x2380] =	vst v0  }
0x33: {  	[tilespmem:s21+$0x2400] =	vst v0  }
0x34: {  	[tilespmem:s21+$0x2480] =	vst v0;
	s21 =	simm.s32 $0x4  }
.LBB2_4:
0x35: {  	s22 =	sadd.s32 $0xFFFFFFFC, s21  }
0x36: {  	v4 =	vadd.s32 s22, v1;
	_ =	sdelay $0x4  }
0x37: {  	v4 =	vld.idx.msk [tilespmem:v4+s2+$0x0], $0xffff;
	_ =	sdelay $0x4  }
0x38: {  	v5 =	vshra.s32 v4, $0x2  }
0x39: {  	v6 =	vshll.u32 v5, $0x3  }
0x3a: {  	v5 =	vand.u32 $0x7F, v5;
	v6 =	vand.u32 $0xFFFFFC00, v6  }
0x3b: {  	v5 =	vor.u32 v5, v6  }
0x3c: {  	s29 =	sadd.s32 $0xFFFFFFFD, s21;
	v5 =	vadd.s32 v3, v5  }
0x3d: {  	v56 =	vadd.s32 s29, v1  }
0x3e: {  	v4 =	vshll.u32 v4, $0x3  }
0x3f: {  	v4 =	vand.u32 $0x18, v4  }
0x40: {  	v4 =	vshll.u32 v2, v4  }
0x41: {  	[tilespmem:v5+s16+$0x0] =	vst.idx.add.s32.msk $0xffff, v4  }
0x42: {  	v4 =	vld.idx.msk [tilespmem:v56+s2+$0x0], $0xffff;
	_ =	sdelay $0x4  }
0x43: {  	v5 =	vshra.s32 v4, $0x2  }
0x44: {  	v57 =	vshll.u32 v5, $0x3  }
0x45: {  	v5 =	vand.u32 $0x7F, v5;
	v6 =	vand.u32 $0xFFFFFC00, v57  }
0x46: {  	v5 =	vor.u32 v5, v6  }
0x47: {  	s30 =	sadd.s32 $0xFFFFFFFE, s21;
	v5 =	vadd.s32 v3, v5  }
0x48: {  	v58 =	vadd.s32 s30, v1  }
0x49: {  	v4 =	vshll.u32 v4, $0x3  }
0x4a: {  	v4 =	vand.u32 $0x18, v4  }
0x4b: {  	v4 =	vshll.u32 v2, v4  }
0x4c: {  	[tilespmem:v5+s16+$0x0] =	vst.idx.add.s32.msk $0xffff, v4  }
0x4d: {  	v4 =	vld.idx.msk [tilespmem:v58+s2+$0x0], $0xffff;
	_ =	sdelay $0x4  }
0x4e: {  	v5 =	vshra.s32 v4, $0x2  }
0x4f: {  	v59 =	vshll.u32 v5, $0x3  }
0x50: {  	v5 =	vand.u32 $0x7F, v5;
	v6 =	vand.u32 $0xFFFFFC00, v59  }
0x51: {  	v5 =	vor.u32 v5, v6  }
0x52: {  	s31 =	sadd.s32 $0xFFFFFFFF, s21;
	v5 =	vadd.s32 v3, v5  }
0x53: {  	v60 =	vadd.s32 s31, v1  }
0x54: {  	v4 =	vshll.u32 v4, $0x3  }
0x55: {  	v4 =	vand.u32 $0x18, v4  }
0x56: {  	v4 =	vshll.u32 v2, v4  }
0x57: {  	[tilespmem:v5+s16+$0x0] =	vst.idx.add.s32.msk $0xffff, v4  }
0x58: {  	v4 =	vld.idx.msk [tilespmem:v60+s2+$0x0], $0xffff;
	_ =	sdelay $0x4  }
0x59: {  	v5 =	vshra.s32 v4, $0x2  }
0x5a: {  	v61 =	vshll.u32 v5, $0x3  }
0x5b: {  	v5 =	vand.u32 $0x7F, v5;
	v6 =	vand.u32 $0xFFFFFC00, v61  }
0x5c: {  	v5 =	vor.u32 v5, v6  }
0x5d: {  	v5 =	vadd.s32 v3, v5  }
0x5e: {  	v62 =	vadd.s32 s21, v1  }
0x5f: {  	v4 =	vshll.u32 v4, $0x3  }
0x60: {  	v4 =	vand.u32 $0x18, v4  }
0x61: {  	v4 =	vshll.u32 v2, v4  }
0x62: {  	[tilespmem:v5+s16+$0x0] =	vst.idx.add.s32.msk $0xffff, v4  }
0x63: {  	v4 =	vld.idx.msk [tilespmem:v62+s2+$0x0], $0xffff;
	_ =	sdelay $0x4  }
0x64: {  	v5 =	vshra.s32 v4, $0x2  }
0x65: {  	v63 =	vshll.u32 v5, $0x3  }
0x66: {  	v5 =	vand.u32 $0x7F, v5;
	v6 =	vand.u32 $0xFFFFFC00, v63  }
0x67: {  	v5 =	vor.u32 v5, v6  }
0x68: {  	p0 =	sne.s32 s21, $0x31;
	v5 =	vadd.s32 v3, v5  }
.Ltmp1:
0x69: {  	_ = 	snop;
	(pc) =	sbr.rel @p0 .LBB2_4-.Ltmp1, $4  }
0x6a: {  	v4 =	vshll.u32 v4, $0x3  }
0x6b: {  	v4 =	vand.u32 $0x18, v4  }
0x6c: {  	v4 =	vshll.u32 v2, v4  }
0x6d: {  	s21 =	sadd.s32 $0x5, s21;
	[tilespmem:v5+s16+$0x0] =	vst.idx.add.s32.msk $0xffff, v4  }
0x6e: {  	s22 =	simm.s32 $0x0  }
0x6f: {  	[hbm4b:s3+s22] =	stream.linear.scatter [tilespmem:s16], [sflag:$0x1], $0x1000, $0x38;
	[tilespmem:$0x3900] =	vst v63  }
0x70: {  	s21 =	sand.u32 $0x70, s22;
	s23 =	sand.u32 $0x400, s22  }
0x71: {  	s21 =	sor.u32 s21, s23  }
0x72: {  	[tilespmem:s21+$0x2980] =	vst v0  }
0x73: {  	[tilespmem:s21+$0x2A00] =	vst v0  }
0x74: {  	[tilespmem:s21+$0x2A80] =	vst v0  }
0x75: {  	[tilespmem:s21+$0x2B00] =	vst v0  }
0x76: {  	[tilespmem:s21+$0x2B80] =	vst v0  }
0x77: {  	s24 =	sor.u32 s22, s22;
	s23 =	simm.s32 $0x10;
	[tilespmem:s21+$0x2C00] =	vst v0  }
.LBB2_6:
0x78: {  	p0 =	sne.s32 s23, $0xF0;
	[tilespmem:s21+$0x2900] =	vst v0;
	s24 =	sor.u32 $0x380, s24  }
0x79: {  	[tilespmem:s24+$0x2900] =	vst v0  }
0x7a: {  	[tilespmem:s21+$0x3100] =	vst v0  }
0x7b: {  	[tilespmem:s21+$0x3180] =	vst v0  }
0x7c: {  	[tilespmem:s21+$0x3200] =	vst v0  }
0x7d: {  	[tilespmem:s21+$0x3280] =	vst v0  }
0x7e: {  	[tilespmem:s21+$0x3300] =	vst v0  }
0x7f: {  	s22 =	sadd.s32 $0x80, s22;
	[tilespmem:s21+$0x3380] =	vst v0  }
0x80: {  	s24 =	sand.u32 $0x70, s23;
	s25 =	sand.u32 $0x400, s22;
	[tilespmem:s21+$0x3400] =	vst v0  }
0x81: {  	[tilespmem:s21+$0x3480] =	vst v0;
	s21 =	sor.u32 s24, s25  }
0x82: {  	[tilespmem:s21+$0x2980] =	vst v0  }
.Ltmp2:
0x83: {  	[tilespmem:s21+$0x2A00] =	vst v0;
	(pc) =	sbr.rel @p0 .LBB2_6-.Ltmp2, $4  }
0x84: {  	[tilespmem:s21+$0x2A80] =	vst v0  }
0x85: {  	[tilespmem:s21+$0x2B00] =	vst v0  }
0x86: {  	[tilespmem:s21+$0x2B80] =	vst v0  }
0x87: {  	s24 =	sor.u32 s22, s23;
	s23 =	sadd.s32 $0x10, s23;
	[tilespmem:s21+$0x2C00] =	vst v0  }
0x88: {  	[tilespmem:s21+$0x2900] =	vst v0;
	s22 =	sor.u32 $0x380, s24  }
0x89: {  	[tilespmem:s22+$0x2900] =	vst v0  }
0x8a: {  	[tilespmem:s21+$0x3100] =	vst v0  }
0x8b: {  	[tilespmem:s21+$0x3180] =	vst v0  }
0x8c: {  	[tilespmem:s21+$0x3200] =	vst v0  }
0x8d: {  	[tilespmem:s21+$0x3280] =	vst v0  }
0x8e: {  	[tilespmem:s21+$0x3300] =	vst v0  }
0x8f: {  	[tilespmem:s21+$0x3380] =	vst v0  }
0x90: {  	[tilespmem:s21+$0x3400] =	vst v0  }
0x91: {  	[tilespmem:s21+$0x3480] =	vst v0;
	s21 =	simm.s32 $0x320  }
.LBB2_8:
0x92: {  	v4 =	vadd.s32 s21, v1;
	_ =	sdelay $0x4  }
0x93: {  	v4 =	vld.idx.msk [tilespmem:v4+s2+$0x0], $0xffff;
	_ =	sdelay $0x4  }
0x94: {  	v5 =	vshra.s32 v4, $0x2  }
0x95: {  	v6 =	vshll.u32 v5, $0x3  }
0x96: {  	v5 =	vand.u32 $0x7F, v5;
	v6 =	vand.u32 $0xFFFFFC00, v6  }
0x97: {  	v5 =	vor.u32 v5, v6  }
0x98: {  	s22 =	sadd.s32 $0x1, s21;
	v5 =	vadd.s32 v3, v5  }
0x99: {  	v56 =	vadd.s32 s22, v1  }
0x9a: {  	v4 =	vshll.u32 v4, $0x3  }
0x9b: {  	v4 =	vand.u32 $0x18, v4  }
0x9c: {  	v4 =	vshll.u32 v2, v4  }
0x9d: {  	[tilespmem:v5+s17+$0x0] =	vst.idx.add.s32.msk $0xffff, v4  }
0x9e: {  	v4 =	vld.idx.msk [tilespmem:v56+s2+$0x0], $0xffff;
	_ =	sdelay $0x4  }
0x9f: {  	v5 =	vshra.s32 v4, $0x2  }
0xa0: {  	v57 =	vshll.u32 v5, $0x3  }
0xa1: {  	v5 =	vand.u32 $0x7F, v5;
	v6 =	vand.u32 $0xFFFFFC00, v57  }
0xa2: {  	v5 =	vor.u32 v5, v6  }
0xa3: {  	s29 =	sadd.s32 $0x2, s21;
	v5 =	vadd.s32 v3, v5  }
0xa4: {  	v58 =	vadd.s32 s29, v1  }
0xa5: {  	v4 =	vshll.u32 v4, $0x3  }
0xa6: {  	v4 =	vand.u32 $0x18, v4  }
0xa7: {  	v4 =	vshll.u32 v2, v4  }
0xa8: {  	[tilespmem:v5+s17+$0x0] =	vst.idx.add.s32.msk $0xffff, v4  }
0xa9: {  	v4 =	vld.idx.msk [tilespmem:v58+s2+$0x0], $0xffff;
	_ =	sdelay $0x4  }
0xaa: {  	v5 =	vshra.s32 v4, $0x2  }
0xab: {  	v59 =	vshll.u32 v5, $0x3  }
0xac: {  	v5 =	vand.u32 $0x7F, v5;
	v6 =	vand.u32 $0xFFFFFC00, v59  }
0xad: {  	v5 =	vor.u32 v5, v6  }
0xae: {  	s30 =	sadd.s32 $0x3, s21;
	v5 =	vadd.s32 v3, v5  }
0xaf: {  	v60 =	vadd.s32 s30, v1  }
0xb0: {  	v4 =	vshll.u32 v4, $0x3  }
0xb1: {  	v4 =	vand.u32 $0x18, v4  }
0xb2: {  	v4 =	vshll.u32 v2, v4  }
0xb3: {  	[tilespmem:v5+s17+$0x0] =	vst.idx.add.s32.msk $0xffff, v4  }
0xb4: {  	v4 =	vld.idx.msk [tilespmem:v60+s2+$0x0], $0xffff;
	_ =	sdelay $0x4  }
0xb5: {  	v5 =	vshra.s32 v4, $0x2  }
0xb6: {  	v61 =	vshll.u32 v5, $0x3  }
0xb7: {  	v5 =	vand.u32 $0x7F, v5;
	v6 =	vand.u32 $0xFFFFFC00, v61  }
0xb8: {  	v5 =	vor.u32 v5, v6  }
0xb9: {  	s31 =	sadd.s32 $0x4, s21;
	v5 =	vadd.s32 v3, v5  }
0xba: {  	v62 =	vadd.s32 s31, v1  }
0xbb: {  	v4 =	vshll.u32 v4, $0x3  }
0xbc: {  	v4 =	vand.u32 $0x18, v4  }
0xbd: {  	v4 =	vshll.u32 v2, v4  }
0xbe: {  	[tilespmem:v5+s17+$0x0] =	vst.idx.add.s32.msk $0xffff, v4  }
0xbf: {  	v4 =	vld.idx.msk [tilespmem:v62+s2+$0x0], $0xffff;
	_ =	sdelay $0x4  }
0xc0: {  	v5 =	vshra.s32 v4, $0x2  }
0xc1: {  	v63 =	vshll.u32 v5, $0x3  }
0xc2: {  	v5 =	vand.u32 $0x7F, v5;
	v6 =	vand.u32 $0xFFFFFC00, v63  }
0xc3: {  	v5 =	vor.u32 v5, v6  }
0xc4: {  	p0 =	sne.s32 s21, $0x34D;
	v5 =	vadd.s32 v3, v5  }
.Ltmp3:
0xc5: {  	_ = 	snop;
	(pc) =	sbr.rel @p0 .LBB2_8-.Ltmp3, $4  }
0xc6: {  	v4 =	vshll.u32 v4, $0x3  }
0xc7: {  	v4 =	vand.u32 $0x18, v4  }
0xc8: {  	v4 =	vshll.u32 v2, v4  }
0xc9: {  	s21 =	sadd.s32 $0x5, s21;
	[tilespmem:v5+s17+$0x0] =	vst.idx.add.s32.msk $0xffff, v4  }
0xca: {  	s22 =	simm.s32 $0x0  }
0xcb: {  	[hbm4b:s5+s22] =	stream.linear.scatter [tilespmem:s17], [sflag:$0x2], $0x1000, $0x38;
	[tilespmem:$0x3900] =	vst v63  }
0xcc: {  	_ =	swait.ge [sflag:s18], $0x1000  }
0xcd: {  	s21 =	sand.u32 $0x70, s22;
	s23 =	sand.u32 $0x400, s22;
	[sflag:s18] =	ssyncset.done $0x0  }
0xce: {  	s21 =	sor.u32 s21, s23;
	[sflag:s18] =	ssyncadd.s32 $0xFFFFF000  }
0xcf: {  	[tilespmem:s21+$0x1980] =	vst v0  }
0xd0: {  	[tilespmem:s21+$0x1A00] =	vst v0  }
0xd1: {  	[tilespmem:s21+$0x1A80] =	vst v0  }
0xd2: {  	[tilespmem:s21+$0x1B00] =	vst v0  }
0xd3: {  	[tilespmem:s21+$0x1B80] =	vst v0  }
0xd4: {  	s24 =	sor.u32 s22, s22;
	s23 =	simm.s32 $0x10;
	[tilespmem:s21+$0x1C00] =	vst v0  }
.LBB2_10:
0xd5: {  	p0 =	sne.s32 s23, $0xF0;
	[tilespmem:s21+$0x1900] =	vst v0;
	s24 =	sor.u32 $0x380, s24  }
0xd6: {  	[tilespmem:s24+$0x1900] =	vst v0  }
0xd7: {  	[tilespmem:s21+$0x2100] =	vst v0  }
0xd8: {  	[tilespmem:s21+$0x2180] =	vst v0  }
0xd9: {  	[tilespmem:s21+$0x2200] =	vst v0  }
0xda: {  	[tilespmem:s21+$0x2280] =	vst v0  }
0xdb: {  	[tilespmem:s21+$0x2300] =	vst v0  }
0xdc: {  	s22 =	sadd.s32 $0x80, s22;
	[tilespmem:s21+$0x2380] =	vst v0  }
0xdd: {  	s24 =	sand.u32 $0x70, s23;
	s25 =	sand.u32 $0x400, s22;
	[tilespmem:s21+$0x2400] =	vst v0  }
0xde: {  	[tilespmem:s21+$0x2480] =	vst v0;
	s21 =	sor.u32 s24, s25  }
0xdf: {  	[tilespmem:s21+$0x1980] =	vst v0  }
.Ltmp4:
0xe0: {  	[tilespmem:s21+$0x1A00] =	vst v0;
	(pc) =	sbr.rel @p0 .LBB2_10-.Ltmp4, $4  }
0xe1: {  	[tilespmem:s21+$0x1A80] =	vst v0  }
0xe2: {  	[tilespmem:s21+$0x1B00] =	vst v0  }
0xe3: {  	[tilespmem:s21+$0x1B80] =	vst v0  }
0xe4: {  	s24 =	sor.u32 s22, s23;
	s23 =	sadd.s32 $0x10, s23;
	[tilespmem:s21+$0x1C00] =	vst v0  }
0xe5: {  	[tilespmem:s21+$0x1900] =	vst v0;
	s22 =	sor.u32 $0x380, s24  }
0xe6: {  	[tilespmem:s22+$0x1900] =	vst v0  }
0xe7: {  	[tilespmem:s21+$0x2100] =	vst v0  }
0xe8: {  	[tilespmem:s21+$0x2180] =	vst v0  }
0xe9: {  	[tilespmem:s21+$0x2200] =	vst v0  }
0xea: {  	[tilespmem:s21+$0x2280] =	vst v0  }
0xeb: {  	[tilespmem:s21+$0x2300] =	vst v0  }
0xec: {  	[tilespmem:s21+$0x2380] =	vst v0  }
0xed: {  	[tilespmem:s21+$0x2400] =	vst v0  }
0xee: {  	[tilespmem:s21+$0x2480] =	vst v0;
	s21 =	simm.s32 $0x640  }
.LBB2_12:
0xef: {  	v4 =	vadd.s32 s21, v1;
	_ =	sdelay $0x4  }
0xf0: {  	v4 =	vld.idx.msk [tilespmem:v4+s2+$0x0], $0xffff;
	_ =	sdelay $0x4  }
0xf1: {  	v5 =	vshra.s32 v4, $0x2  }
0xf2: {  	v6 =	vshll.u32 v5, $0x3  }
0xf3: {  	v5 =	vand.u32 $0x7F, v5;
	v6 =	vand.u32 $0xFFFFFC00, v6  }
0xf4: {  	v5 =	vor.u32 v5, v6  }
0xf5: {  	s22 =	sadd.s32 $0x1, s21;
	v5 =	vadd.s32 v3, v5  }
0xf6: {  	v56 =	vadd.s32 s22, v1  }
0xf7: {  	v4 =	vshll.u32 v4, $0x3  }
0xf8: {  	v4 =	vand.u32 $0x18, v4  }
0xf9: {  	v4 =	vshll.u32 v2, v4  }
0xfa: {  	[tilespmem:v5+s16+$0x0] =	vst.idx.add.s32.msk $0xffff, v4  }
0xfb: {  	v4 =	vld.idx.msk [tilespmem:v56+s2+$0x0], $0xffff;
	_ =	sdelay $0x4  }
0xfc: {  	v5 =	vshra.s32 v4, $0x2  }
0xfd: {  	v57 =	vshll.u32 v5, $0x3  }
0xfe: {  	v5 =	vand.u32 $0x7F, v5;
	v6 =	vand.u32 $0xFFFFFC00, v57  }
0xff: {  	v5 =	vor.u32 v5, v6  }
0x100: {  	s29 =	sadd.s32 $0x2, s21;
	v5 =	vadd.s32 v3, v5  }
0x101: {  	v58 =	vadd.s32 s29, v1  }
0x102: {  	v4 =	vshll.u32 v4, $0x3  }
0x103: {  	v4 =	vand.u32 $0x18, v4  }
0x104: {  	v4 =	vshll.u32 v2, v4  }
0x105: {  	[tilespmem:v5+s16+$0x0] =	vst.idx.add.s32.msk $0xffff, v4  }
0x106: {  	v4 =	vld.idx.msk [tilespmem:v58+s2+$0x0], $0xffff;
	_ =	sdelay $0x4  }
0x107: {  	v5 =	vshra.s32 v4, $0x2  }
0x108: {  	v59 =	vshll.u32 v5, $0x3  }
0x109: {  	v5 =	vand.u32 $0x7F, v5;
	v6 =	vand.u32 $0xFFFFFC00, v59  }
0x10a: {  	v5 =	vor.u32 v5, v6  }
0x10b: {  	s30 =	sadd.s32 $0x3, s21;
	v5 =	vadd.s32 v3, v5  }
0x10c: {  	v60 =	vadd.s32 s30, v1  }
0x10d: {  	v4 =	vshll.u32 v4, $0x3  }
0x10e: {  	v4 =	vand.u32 $0x18, v4  }
0x10f: {  	v4 =	vshll.u32 v2, v4  }
0x110: {  	[tilespmem:v5+s16+$0x0] =	vst.idx.add.s32.msk $0xffff, v4  }
0x111: {  	v4 =	vld.idx.msk [tilespmem:v60+s2+$0x0], $0xffff;
	_ =	sdelay $0x4  }
0x112: {  	v5 =	vshra.s32 v4, $0x2  }
0x113: {  	v61 =	vshll.u32 v5, $0x3  }
0x114: {  	v5 =	vand.u32 $0x7F, v5;
	v6 =	vand.u32 $0xFFFFFC00, v61  }
0x115: {  	v5 =	vor.u32 v5, v6  }
0x116: {  	s31 =	sadd.s32 $0x4, s21;
	v5 =	vadd.s32 v3, v5  }
0x117: {  	v62 =	vadd.s32 s31, v1  }
0x118: {  	v4 =	vshll.u32 v4, $0x3  }
0x119: {  	v4 =	vand.u32 $0x18, v4  }
0x11a: {  	v4 =	vshll.u32 v2, v4  }
0x11b: {  	[tilespmem:v5+s16+$0x0] =	vst.idx.add.s32.msk $0xffff, v4  }
0x11c: {  	v4 =	vld.idx.msk [tilespmem:v62+s2+$0x0], $0xffff;
	_ =	sdelay $0x4  }
0x11d: {  	v5 =	vshra.s32 v4, $0x2  }
0x11e: {  	v63 =	vshll.u32 v5, $0x3  }
0x11f: {  	v5 =	vand.u32 $0x7F, v5;
	v6 =	vand.u32 $0xFFFFFC00, v63  }
0x120: {  	v5 =	vor.u32 v5, v6  }
0x121: {  	p0 =	sne.s32 s21, $0x66D;
	v5 =	vadd.s32 v3, v5  }
.Ltmp5:
0x122: {  	_ = 	snop;
	(pc) =	sbr.rel @p0 .LBB2_12-.Ltmp5, $4  }
0x123: {  	v4 =	vshll.u32 v4, $0x3  }
0x124: {  	v4 =	vand.u32 $0x18, v4  }
0x125: {  	v4 =	vshll.u32 v2, v4  }
0x126: {  	s21 =	sadd.s32 $0x5, s21;
	[tilespmem:v5+s16+$0x0] =	vst.idx.add.s32.msk $0xffff, v4  }
0x127: {  	s22 =	simm.s32 $0x0  }
0x128: {  	[hbm4b:s6+s22] =	stream.linear.scatter [tilespmem:s16], [sflag:$0x1], $0x1000, $0x38;
	[tilespmem:$0x3900] =	vst v63  }
0x129: {  	_ =	swait.ge [sflag:s19], $0x1000  }
0x12a: {  	s21 =	sand.u32 $0x70, s22;
	s23 =	sand.u32 $0x400, s22;
	[sflag:s19] =	ssyncset.done $0x0  }
0x12b: {  	s21 =	sor.u32 s21, s23;
	[sflag:s19] =	ssyncadd.s32 $0xFFFFF000  }
0x12c: {  	[tilespmem:s21+$0x2980] =	vst v0  }
0x12d: {  	[tilespmem:s21+$0x2A00] =	vst v0  }
0x12e: {  	[tilespmem:s21+$0x2A80] =	vst v0  }
0x12f: {  	[tilespmem:s21+$0x2B00] =	vst v0  }
0x130: {  	[tilespmem:s21+$0x2B80] =	vst v0  }
0x131: {  	s24 =	sor.u32 s22, s22;
	s23 =	simm.s32 $0x10;
	[tilespmem:s21+$0x2C00] =	vst v0  }
.LBB2_14:
0x132: {  	p0 =	sne.s32 s23, $0xF0;
	[tilespmem:s21+$0x2900] =	vst v0;
	s24 =	sor.u32 $0x380, s24  }
0x133: {  	[tilespmem:s24+$0x2900] =	vst v0  }
0x134: {  	[tilespmem:s21+$0x3100] =	vst v0  }
0x135: {  	[tilespmem:s21+$0x3180] =	vst v0  }
0x136: {  	[tilespmem:s21+$0x3200] =	vst v0  }
0x137: {  	[tilespmem:s21+$0x3280] =	vst v0  }
0x138: {  	[tilespmem:s21+$0x3300] =	vst v0  }
0x139: {  	s22 =	sadd.s32 $0x80, s22;
	[tilespmem:s21+$0x3380] =	vst v0  }
0x13a: {  	s24 =	sand.u32 $0x70, s23;
	s25 =	sand.u32 $0x400, s22;
	[tilespmem:s21+$0x3400] =	vst v0  }
0x13b: {  	[tilespmem:s21+$0x3480] =	vst v0;
	s21 =	sor.u32 s24, s25  }
0x13c: {  	[tilespmem:s21+$0x2980] =	vst v0  }
.Ltmp6:
0x13d: {  	[tilespmem:s21+$0x2A00] =	vst v0;
	(pc) =	sbr.rel @p0 .LBB2_14-.Ltmp6, $4  }
0x13e: {  	[tilespmem:s21+$0x2A80] =	vst v0  }
0x13f: {  	[tilespmem:s21+$0x2B00] =	vst v0  }
0x140: {  	[tilespmem:s21+$0x2B80] =	vst v0  }
0x141: {  	s24 =	sor.u32 s22, s23;
	s23 =	sadd.s32 $0x10, s23;
	[tilespmem:s21+$0x2C00] =	vst v0  }
0x142: {  	[tilespmem:s21+$0x2900] =	vst v0;
	s22 =	sor.u32 $0x380, s24  }
0x143: {  	[tilespmem:s22+$0x2900] =	vst v0  }
0x144: {  	[tilespmem:s21+$0x3100] =	vst v0  }
0x145: {  	[tilespmem:s21+$0x3180] =	vst v0  }
0x146: {  	[tilespmem:s21+$0x3200] =	vst v0  }
0x147: {  	[tilespmem:s21+$0x3280] =	vst v0  }
0x148: {  	[tilespmem:s21+$0x3300] =	vst v0  }
0x149: {  	[tilespmem:s21+$0x3380] =	vst v0  }
0x14a: {  	[tilespmem:s21+$0x3400] =	vst v0  }
0x14b: {  	[tilespmem:s21+$0x3480] =	vst v0;
	s21 =	simm.s32 $0x960  }
.LBB2_16:
0x14c: {  	v4 =	vadd.s32 s21, v1;
	_ =	sdelay $0x4  }
0x14d: {  	v4 =	vld.idx.msk [tilespmem:v4+s2+$0x0], $0xffff;
	_ =	sdelay $0x4  }
0x14e: {  	v5 =	vshra.s32 v4, $0x2  }
0x14f: {  	v6 =	vshll.u32 v5, $0x3  }
0x150: {  	v5 =	vand.u32 $0x7F, v5;
	v6 =	vand.u32 $0xFFFFFC00, v6  }
0x151: {  	v5 =	vor.u32 v5, v6  }
0x152: {  	s22 =	sadd.s32 $0x1, s21;
	v5 =	vadd.s32 v3, v5  }
0x153: {  	v56 =	vadd.s32 s22, v1  }
0x154: {  	v4 =	vshll.u32 v4, $0x3  }
0x155: {  	v4 =	vand.u32 $0x18, v4  }
0x156: {  	v4 =	vshll.u32 v2, v4  }
0x157: {  	[tilespmem:v5+s17+$0x0] =	vst.idx.add.s32.msk $0xffff, v4  }
0x158: {  	v4 =	vld.idx.msk [tilespmem:v56+s2+$0x0], $0xffff;
	_ =	sdelay $0x4  }
0x159: {  	v5 =	vshra.s32 v4, $0x2  }
0x15a: {  	v57 =	vshll.u32 v5, $0x3  }
0x15b: {  	v5 =	vand.u32 $0x7F, v5;
	v6 =	vand.u32 $0xFFFFFC00, v57  }
0x15c: {  	v5 =	vor.u32 v5, v6  }
0x15d: {  	s29 =	sadd.s32 $0x2, s21;
	v5 =	vadd.s32 v3, v5  }
0x15e: {  	v58 =	vadd.s32 s29, v1  }
0x15f: {  	v4 =	vshll.u32 v4, $0x3  }
0x160: {  	v4 =	vand.u32 $0x18, v4  }
0x161: {  	v4 =	vshll.u32 v2, v4  }
0x162: {  	[tilespmem:v5+s17+$0x0] =	vst.idx.add.s32.msk $0xffff, v4  }
0x163: {  	v4 =	vld.idx.msk [tilespmem:v58+s2+$0x0], $0xffff;
	_ =	sdelay $0x4  }
0x164: {  	v5 =	vshra.s32 v4, $0x2  }
0x165: {  	v59 =	vshll.u32 v5, $0x3  }
0x166: {  	v5 =	vand.u32 $0x7F, v5;
	v6 =	vand.u32 $0xFFFFFC00, v59  }
0x167: {  	v5 =	vor.u32 v5, v6  }
0x168: {  	s30 =	sadd.s32 $0x3, s21;
	v5 =	vadd.s32 v3, v5  }
0x169: {  	v60 =	vadd.s32 s30, v1  }
0x16a: {  	v4 =	vshll.u32 v4, $0x3  }
0x16b: {  	v4 =	vand.u32 $0x18, v4  }
0x16c: {  	v4 =	vshll.u32 v2, v4  }
0x16d: {  	[tilespmem:v5+s17+$0x0] =	vst.idx.add.s32.msk $0xffff, v4  }
0x16e: {  	v4 =	vld.idx.msk [tilespmem:v60+s2+$0x0], $0xffff;
	_ =	sdelay $0x4  }
0x16f: {  	v5 =	vshra.s32 v4, $0x2  }
0x170: {  	v61 =	vshll.u32 v5, $0x3  }
0x171: {  	v5 =	vand.u32 $0x7F, v5;
	v6 =	vand.u32 $0xFFFFFC00, v61  }
0x172: {  	v5 =	vor.u32 v5, v6  }
0x173: {  	s31 =	sadd.s32 $0x4, s21;
	v5 =	vadd.s32 v3, v5  }
0x174: {  	v62 =	vadd.s32 s31, v1  }
0x175: {  	v4 =	vshll.u32 v4, $0x3  }
0x176: {  	v4 =	vand.u32 $0x18, v4  }
0x177: {  	v4 =	vshll.u32 v2, v4  }
0x178: {  	[tilespmem:v5+s17+$0x0] =	vst.idx.add.s32.msk $0xffff, v4  }
0x179: {  	v4 =	vld.idx.msk [tilespmem:v62+s2+$0x0], $0xffff;
	_ =	sdelay $0x4  }
0x17a: {  	v5 =	vshra.s32 v4, $0x2  }
0x17b: {  	v63 =	vshll.u32 v5, $0x3  }
0x17c: {  	v5 =	vand.u32 $0x7F, v5;
	v6 =	vand.u32 $0xFFFFFC00, v63  }
0x17d: {  	v5 =	vor.u32 v5, v6  }
0x17e: {  	p0 =	sne.s32 s21, $0x98D;
	v5 =	vadd.s32 v3, v5  }
.Ltmp7:
0x17f: {  	_ = 	snop;
	(pc) =	sbr.rel @p0 .LBB2_16-.Ltmp7, $4  }
0x180: {  	v4 =	vshll.u32 v4, $0x3  }
0x181: {  	v4 =	vand.u32 $0x18, v4  }
0x182: {  	v4 =	vshll.u32 v2, v4  }
0x183: {  	s21 =	sadd.s32 $0x5, s21;
	[tilespmem:v5+s17+$0x0] =	vst.idx.add.s32.msk $0xffff, v4  }
0x184: {  	s22 =	simm.s32 $0x0  }
0x185: {  	[hbm4b:s7+s22] =	stream.linear.scatter [tilespmem:s17], [sflag:$0x2], $0x1000, $0x38;
	[tilespmem:$0x3900] =	vst v63  }
0x186: {  	_ =	swait.ge [sflag:s18], $0x1000  }
0x187: {  	s21 =	sand.u32 $0x70, s22;
	s23 =	sand.u32 $0x400, s22;
	[sflag:s18] =	ssyncset.done $0x0  }
0x188: {  	s21 =	sor.u32 s21, s23;
	[sflag:s18] =	ssyncadd.s32 $0xFFFFF000  }
0x189: {  	[tilespmem:s21+$0x1980] =	vst v0  }
0x18a: {  	[tilespmem:s21+$0x1A00] =	vst v0  }
0x18b: {  	[tilespmem:s21+$0x1A80] =	vst v0  }
0x18c: {  	[tilespmem:s21+$0x1B00] =	vst v0  }
0x18d: {  	[tilespmem:s21+$0x1B80] =	vst v0  }
0x18e: {  	s24 =	sor.u32 s22, s22;
	s23 =	simm.s32 $0x10;
	[tilespmem:s21+$0x1C00] =	vst v0  }
.LBB2_18:
0x18f: {  	p0 =	sne.s32 s23, $0xF0;
	[tilespmem:s21+$0x1900] =	vst v0;
	s24 =	sor.u32 $0x380, s24  }
0x190: {  	[tilespmem:s24+$0x1900] =	vst v0  }
0x191: {  	[tilespmem:s21+$0x2100] =	vst v0  }
0x192: {  	[tilespmem:s21+$0x2180] =	vst v0  }
0x193: {  	[tilespmem:s21+$0x2200] =	vst v0  }
0x194: {  	[tilespmem:s21+$0x2280] =	vst v0  }
0x195: {  	[tilespmem:s21+$0x2300] =	vst v0  }
0x196: {  	s22 =	sadd.s32 $0x80, s22;
	[tilespmem:s21+$0x2380] =	vst v0  }
0x197: {  	s24 =	sand.u32 $0x70, s23;
	s25 =	sand.u32 $0x400, s22;
	[tilespmem:s21+$0x2400] =	vst v0  }
0x198: {  	[tilespmem:s21+$0x2480] =	vst v0;
	s21 =	sor.u32 s24, s25  }
0x199: {  	[tilespmem:s21+$0x1980] =	vst v0  }
.Ltmp8:
0x19a: {  	[tilespmem:s21+$0x1A00] =	vst v0;
	(pc) =	sbr.rel @p0 .LBB2_18-.Ltmp8, $4  }
0x19b: {  	[tilespmem:s21+$0x1A80] =	vst v0  }
0x19c: {  	[tilespmem:s21+$0x1B00] =	vst v0  }
0x19d: {  	[tilespmem:s21+$0x1B80] =	vst v0  }
0x19e: {  	s24 =	sor.u32 s22, s23;
	s23 =	sadd.s32 $0x10, s23;
	[tilespmem:s21+$0x1C00] =	vst v0  }
0x19f: {  	[tilespmem:s21+$0x1900] =	vst v0;
	s22 =	sor.u32 $0x380, s24  }
0x1a0: {  	[tilespmem:s22+$0x1900] =	vst v0  }
0x1a1: {  	[tilespmem:s21+$0x2100] =	vst v0  }
0x1a2: {  	[tilespmem:s21+$0x2180] =	vst v0  }
0x1a3: {  	[tilespmem:s21+$0x2200] =	vst v0  }
0x1a4: {  	[tilespmem:s21+$0x2280] =	vst v0  }
0x1a5: {  	[tilespmem:s21+$0x2300] =	vst v0  }
0x1a6: {  	[tilespmem:s21+$0x2380] =	vst v0  }
0x1a7: {  	[tilespmem:s21+$0x2400] =	vst v0  }
0x1a8: {  	[tilespmem:s21+$0x2480] =	vst v0;
	s21 =	simm.s32 $0xC80  }
.LBB2_20:
0x1a9: {  	v4 =	vadd.s32 s21, v1;
	_ =	sdelay $0x4  }
0x1aa: {  	v4 =	vld.idx.msk [tilespmem:v4+s2+$0x0], $0xffff;
	_ =	sdelay $0x4  }
0x1ab: {  	v5 =	vshra.s32 v4, $0x2  }
0x1ac: {  	v6 =	vshll.u32 v5, $0x3  }
0x1ad: {  	v5 =	vand.u32 $0x7F, v5;
	v6 =	vand.u32 $0xFFFFFC00, v6  }
0x1ae: {  	v5 =	vor.u32 v5, v6  }
0x1af: {  	s22 =	sadd.s32 $0x1, s21;
	v5 =	vadd.s32 v3, v5  }
0x1b0: {  	v56 =	vadd.s32 s22, v1  }
0x1b1: {  	v4 =	vshll.u32 v4, $0x3  }
0x1b2: {  	v4 =	vand.u32 $0x18, v4  }
0x1b3: {  	v4 =	vshll.u32 v2, v4  }
0x1b4: {  	[tilespmem:v5+s16+$0x0] =	vst.idx.add.s32.msk $0xffff, v4  }
0x1b5: {  	v4 =	vld.idx.msk [tilespmem:v56+s2+$0x0], $0xffff;
	_ =	sdelay $0x4  }
0x1b6: {  	v5 =	vshra.s32 v4, $0x2  }
0x1b7: {  	v57 =	vshll.u32 v5, $0x3  }
0x1b8: {  	v5 =	vand.u32 $0x7F, v5;
	v6 =	vand.u32 $0xFFFFFC00, v57  }
0x1b9: {  	v5 =	vor.u32 v5, v6  }
0x1ba: {  	s29 =	sadd.s32 $0x2, s21;
	v5 =	vadd.s32 v3, v5  }
0x1bb: {  	v58 =	vadd.s32 s29, v1  }
0x1bc: {  	v4 =	vshll.u32 v4, $0x3  }
0x1bd: {  	v4 =	vand.u32 $0x18, v4  }
0x1be: {  	v4 =	vshll.u32 v2, v4  }
0x1bf: {  	[tilespmem:v5+s16+$0x0] =	vst.idx.add.s32.msk $0xffff, v4  }
0x1c0: {  	v4 =	vld.idx.msk [tilespmem:v58+s2+$0x0], $0xffff;
	_ =	sdelay $0x4  }
0x1c1: {  	v5 =	vshra.s32 v4, $0x2  }
0x1c2: {  	v59 =	vshll.u32 v5, $0x3  }
0x1c3: {  	v5 =	vand.u32 $0x7F, v5;
	v6 =	vand.u32 $0xFFFFFC00, v59  }
0x1c4: {  	v5 =	vor.u32 v5, v6  }
0x1c5: {  	s30 =	sadd.s32 $0x3, s21;
	v5 =	vadd.s32 v3, v5  }
0x1c6: {  	v60 =	vadd.s32 s30, v1  }
0x1c7: {  	v4 =	vshll.u32 v4, $0x3  }
0x1c8: {  	v4 =	vand.u32 $0x18, v4  }
0x1c9: {  	v4 =	vshll.u32 v2, v4  }
0x1ca: {  	[tilespmem:v5+s16+$0x0] =	vst.idx.add.s32.msk $0xffff, v4  }
0x1cb: {  	v4 =	vld.idx.msk [tilespmem:v60+s2+$0x0], $0xffff;
	_ =	sdelay $0x4  }
0x1cc: {  	v5 =	vshra.s32 v4, $0x2  }
0x1cd: {  	v61 =	vshll.u32 v5, $0x3  }
0x1ce: {  	v5 =	vand.u32 $0x7F, v5;
	v6 =	vand.u32 $0xFFFFFC00, v61  }
0x1cf: {  	v5 =	vor.u32 v5, v6  }
0x1d0: {  	s31 =	sadd.s32 $0x4, s21;
	v5 =	vadd.s32 v3, v5  }
0x1d1: {  	v62 =	vadd.s32 s31, v1  }
0x1d2: {  	v4 =	vshll.u32 v4, $0x3  }
0x1d3: {  	v4 =	vand.u32 $0x18, v4  }
0x1d4: {  	v4 =	vshll.u32 v2, v4  }
0x1d5: {  	[tilespmem:v5+s16+$0x0] =	vst.idx.add.s32.msk $0xffff, v4  }
0x1d6: {  	v4 =	vld.idx.msk [tilespmem:v62+s2+$0x0], $0xffff;
	_ =	sdelay $0x4  }
0x1d7: {  	v5 =	vshra.s32 v4, $0x2  }
0x1d8: {  	v63 =	vshll.u32 v5, $0x3  }
0x1d9: {  	v5 =	vand.u32 $0x7F, v5;
	v6 =	vand.u32 $0xFFFFFC00, v63  }
0x1da: {  	v5 =	vor.u32 v5, v6  }
0x1db: {  	p0 =	sne.s32 s21, $0xCAD;
	v5 =	vadd.s32 v3, v5  }
.Ltmp9:
0x1dc: {  	_ = 	snop;
	(pc) =	sbr.rel @p0 .LBB2_20-.Ltmp9, $4  }
0x1dd: {  	v4 =	vshll.u32 v4, $0x3  }
0x1de: {  	v4 =	vand.u32 $0x18, v4  }
0x1df: {  	v4 =	vshll.u32 v2, v4  }
0x1e0: {  	s21 =	sadd.s32 $0x5, s21;
	[tilespmem:v5+s16+$0x0] =	vst.idx.add.s32.msk $0xffff, v4  }
0x1e1: {  	s22 =	simm.s32 $0x0  }
0x1e2: {  	[hbm4b:s8+s22] =	stream.linear.scatter [tilespmem:s16], [sflag:$0x1], $0x1000, $0x38;
	[tilespmem:$0x3900] =	vst v63  }
0x1e3: {  	_ =	swait.ge [sflag:s19], $0x1000  }
0x1e4: {  	s21 =	sand.u32 $0x70, s22;
	s23 =	sand.u32 $0x400, s22;
	[sflag:s19] =	ssyncset.done $0x0  }
0x1e5: {  	s21 =	sor.u32 s21, s23;
	[sflag:s19] =	ssyncadd.s32 $0xFFFFF000  }
0x1e6: {  	[tilespmem:s21+$0x2980] =	vst v0  }
0x1e7: {  	[tilespmem:s21+$0x2A00] =	vst v0  }
0x1e8: {  	[tilespmem:s21+$0x2A80] =	vst v0  }
0x1e9: {  	[tilespmem:s21+$0x2B00] =	vst v0  }
0x1ea: {  	[tilespmem:s21+$0x2B80] =	vst v0  }
0x1eb: {  	s24 =	sor.u32 s22, s22;
	s23 =	simm.s32 $0x10;
	[tilespmem:s21+$0x2C00] =	vst v0  }
.LBB2_22:
0x1ec: {  	p0 =	sne.s32 s23, $0xF0;
	[tilespmem:s21+$0x2900] =	vst v0;
	s24 =	sor.u32 $0x380, s24  }
0x1ed: {  	[tilespmem:s24+$0x2900] =	vst v0  }
0x1ee: {  	[tilespmem:s21+$0x3100] =	vst v0  }
0x1ef: {  	[tilespmem:s21+$0x3180] =	vst v0  }
0x1f0: {  	[tilespmem:s21+$0x3200] =	vst v0  }
0x1f1: {  	[tilespmem:s21+$0x3280] =	vst v0  }
0x1f2: {  	[tilespmem:s21+$0x3300] =	vst v0  }
0x1f3: {  	s22 =	sadd.s32 $0x80, s22;
	[tilespmem:s21+$0x3380] =	vst v0  }
0x1f4: {  	s24 =	sand.u32 $0x70, s23;
	s25 =	sand.u32 $0x400, s22;
	[tilespmem:s21+$0x3400] =	vst v0  }
0x1f5: {  	[tilespmem:s21+$0x3480] =	vst v0;
	s21 =	sor.u32 s24, s25  }
0x1f6: {  	[tilespmem:s21+$0x2980] =	vst v0  }
.Ltmp10:
0x1f7: {  	[tilespmem:s21+$0x2A00] =	vst v0;
	(pc) =	sbr.rel @p0 .LBB2_22-.Ltmp10, $4  }
0x1f8: {  	[tilespmem:s21+$0x2A80] =	vst v0  }
0x1f9: {  	[tilespmem:s21+$0x2B00] =	vst v0  }
0x1fa: {  	[tilespmem:s21+$0x2B80] =	vst v0  }
0x1fb: {  	s24 =	sor.u32 s22, s23;
	s23 =	sadd.s32 $0x10, s23;
	[tilespmem:s21+$0x2C00] =	vst v0  }
0x1fc: {  	[tilespmem:s21+$0x2900] =	vst v0;
	s22 =	sor.u32 $0x380, s24  }
0x1fd: {  	[tilespmem:s22+$0x2900] =	vst v0  }
0x1fe: {  	[tilespmem:s21+$0x3100] =	vst v0  }
0x1ff: {  	[tilespmem:s21+$0x3180] =	vst v0  }
0x200: {  	[tilespmem:s21+$0x3200] =	vst v0  }
0x201: {  	[tilespmem:s21+$0x3280] =	vst v0  }
0x202: {  	[tilespmem:s21+$0x3300] =	vst v0  }
0x203: {  	[tilespmem:s21+$0x3380] =	vst v0  }
0x204: {  	[tilespmem:s21+$0x3400] =	vst v0  }
0x205: {  	[tilespmem:s21+$0x3480] =	vst v0;
	s21 =	simm.s32 $0xFA0  }
.LBB2_24:
0x206: {  	v4 =	vadd.s32 s21, v1;
	_ =	sdelay $0x4  }
0x207: {  	v4 =	vld.idx.msk [tilespmem:v4+s2+$0x0], $0xffff;
	_ =	sdelay $0x4  }
0x208: {  	v5 =	vshra.s32 v4, $0x2  }
0x209: {  	v6 =	vshll.u32 v5, $0x3  }
0x20a: {  	v5 =	vand.u32 $0x7F, v5;
	v6 =	vand.u32 $0xFFFFFC00, v6  }
0x20b: {  	v5 =	vor.u32 v5, v6  }
0x20c: {  	s22 =	sadd.s32 $0x1, s21;
	v5 =	vadd.s32 v3, v5  }
0x20d: {  	v56 =	vadd.s32 s22, v1  }
0x20e: {  	v4 =	vshll.u32 v4, $0x3  }
0x20f: {  	v4 =	vand.u32 $0x18, v4  }
0x210: {  	v4 =	vshll.u32 v2, v4  }
0x211: {  	[tilespmem:v5+s17+$0x0] =	vst.idx.add.s32.msk $0xffff, v4  }
0x212: {  	v4 =	vld.idx.msk [tilespmem:v56+s2+$0x0], $0xffff;
	_ =	sdelay $0x4  }
0x213: {  	v5 =	vshra.s32 v4, $0x2  }
0x214: {  	v57 =	vshll.u32 v5, $0x3  }
0x215: {  	v5 =	vand.u32 $0x7F, v5;
	v6 =	vand.u32 $0xFFFFFC00, v57  }
0x216: {  	v5 =	vor.u32 v5, v6  }
0x217: {  	s29 =	sadd.s32 $0x2, s21;
	v5 =	vadd.s32 v3, v5  }
0x218: {  	v58 =	vadd.s32 s29, v1  }
0x219: {  	v4 =	vshll.u32 v4, $0x3  }
0x21a: {  	v4 =	vand.u32 $0x18, v4  }
0x21b: {  	v4 =	vshll.u32 v2, v4  }
0x21c: {  	[tilespmem:v5+s17+$0x0] =	vst.idx.add.s32.msk $0xffff, v4  }
0x21d: {  	v4 =	vld.idx.msk [tilespmem:v58+s2+$0x0], $0xffff;
	_ =	sdelay $0x4  }
0x21e: {  	v5 =	vshra.s32 v4, $0x2  }
0x21f: {  	v59 =	vshll.u32 v5, $0x3  }
0x220: {  	v5 =	vand.u32 $0x7F, v5;
	v6 =	vand.u32 $0xFFFFFC00, v59  }
0x221: {  	v5 =	vor.u32 v5, v6  }
0x222: {  	s30 =	sadd.s32 $0x3, s21;
	v5 =	vadd.s32 v3, v5  }
0x223: {  	v60 =	vadd.s32 s30, v1  }
0x224: {  	v4 =	vshll.u32 v4, $0x3  }
0x225: {  	v4 =	vand.u32 $0x18, v4  }
0x226: {  	v4 =	vshll.u32 v2, v4  }
0x227: {  	[tilespmem:v5+s17+$0x0] =	vst.idx.add.s32.msk $0xffff, v4  }
0x228: {  	v4 =	vld.idx.msk [tilespmem:v60+s2+$0x0], $0xffff;
	_ =	sdelay $0x4  }
0x229: {  	v5 =	vshra.s32 v4, $0x2  }
0x22a: {  	v61 =	vshll.u32 v5, $0x3  }
0x22b: {  	v5 =	vand.u32 $0x7F, v5;
	v6 =	vand.u32 $0xFFFFFC00, v61  }
0x22c: {  	v5 =	vor.u32 v5, v6  }
0x22d: {  	s31 =	sadd.s32 $0x4, s21;
	v5 =	vadd.s32 v3, v5  }
0x22e: {  	v62 =	vadd.s32 s31, v1  }
0x22f: {  	v4 =	vshll.u32 v4, $0x3  }
0x230: {  	v4 =	vand.u32 $0x18, v4  }
0x231: {  	v4 =	vshll.u32 v2, v4  }
0x232: {  	[tilespmem:v5+s17+$0x0] =	vst.idx.add.s32.msk $0xffff, v4  }
0x233: {  	v4 =	vld.idx.msk [tilespmem:v62+s2+$0x0], $0xffff;
	_ =	sdelay $0x4  }
0x234: {  	v5 =	vshra.s32 v4, $0x2  }
0x235: {  	v63 =	vshll.u32 v5, $0x3  }
0x236: {  	v5 =	vand.u32 $0x7F, v5;
	v6 =	vand.u32 $0xFFFFFC00, v63  }
0x237: {  	v5 =	vor.u32 v5, v6  }
0x238: {  	p0 =	sne.s32 s21, $0xFCD;
	v5 =	vadd.s32 v3, v5  }
.Ltmp11:
0x239: {  	_ = 	snop;
	(pc) =	sbr.rel @p0 .LBB2_24-.Ltmp11, $4  }
0x23a: {  	v4 =	vshll.u32 v4, $0x3  }
0x23b: {  	v4 =	vand.u32 $0x18, v4  }
0x23c: {  	v4 =	vshll.u32 v2, v4  }
0x23d: {  	s21 =	sadd.s32 $0x5, s21;
	[tilespmem:v5+s17+$0x0] =	vst.idx.add.s32.msk $0xffff, v4  }
0x23e: {  	s22 =	simm.s32 $0x0  }
0x23f: {  	[hbm4b:s9+s22] =	stream.linear.scatter [tilespmem:s17], [sflag:$0x2], $0x1000, $0x38;
	[tilespmem:$0x3900] =	vst v63  }
0x240: {  	_ =	swait.ge [sflag:s18], $0x1000  }
0x241: {  	s21 =	sand.u32 $0x70, s22;
	s23 =	sand.u32 $0x400, s22;
	[sflag:s18] =	ssyncset.done $0x0  }
0x242: {  	s21 =	sor.u32 s21, s23;
	[sflag:s18] =	ssyncadd.s32 $0xFFFFF000  }
0x243: {  	[tilespmem:s21+$0x1980] =	vst v0  }
0x244: {  	[tilespmem:s21+$0x1A00] =	vst v0  }
0x245: {  	[tilespmem:s21+$0x1A80] =	vst v0  }
0x246: {  	[tilespmem:s21+$0x1B00] =	vst v0  }
0x247: {  	[tilespmem:s21+$0x1B80] =	vst v0  }
0x248: {  	s24 =	sor.u32 s22, s22;
	s23 =	simm.s32 $0x10;
	[tilespmem:s21+$0x1C00] =	vst v0  }
.LBB2_26:
0x249: {  	p0 =	sne.s32 s23, $0xF0;
	[tilespmem:s21+$0x1900] =	vst v0;
	s24 =	sor.u32 $0x380, s24  }
0x24a: {  	[tilespmem:s24+$0x1900] =	vst v0  }
0x24b: {  	[tilespmem:s21+$0x2100] =	vst v0  }
0x24c: {  	[tilespmem:s21+$0x2180] =	vst v0  }
0x24d: {  	[tilespmem:s21+$0x2200] =	vst v0  }
0x24e: {  	[tilespmem:s21+$0x2280] =	vst v0  }
0x24f: {  	[tilespmem:s21+$0x2300] =	vst v0  }
0x250: {  	s22 =	sadd.s32 $0x80, s22;
	[tilespmem:s21+$0x2380] =	vst v0  }
0x251: {  	s24 =	sand.u32 $0x70, s23;
	s25 =	sand.u32 $0x400, s22;
	[tilespmem:s21+$0x2400] =	vst v0  }
0x252: {  	[tilespmem:s21+$0x2480] =	vst v0;
	s21 =	sor.u32 s24, s25  }
0x253: {  	[tilespmem:s21+$0x1980] =	vst v0  }
.Ltmp12:
0x254: {  	[tilespmem:s21+$0x1A00] =	vst v0;
	(pc) =	sbr.rel @p0 .LBB2_26-.Ltmp12, $4  }
0x255: {  	[tilespmem:s21+$0x1A80] =	vst v0  }
0x256: {  	[tilespmem:s21+$0x1B00] =	vst v0  }
0x257: {  	[tilespmem:s21+$0x1B80] =	vst v0  }
0x258: {  	s24 =	sor.u32 s22, s23;
	s23 =	sadd.s32 $0x10, s23;
	[tilespmem:s21+$0x1C00] =	vst v0  }
0x259: {  	[tilespmem:s21+$0x1900] =	vst v0;
	s22 =	sor.u32 $0x380, s24  }
0x25a: {  	[tilespmem:s22+$0x1900] =	vst v0  }
0x25b: {  	[tilespmem:s21+$0x2100] =	vst v0  }
0x25c: {  	[tilespmem:s21+$0x2180] =	vst v0  }
0x25d: {  	[tilespmem:s21+$0x2200] =	vst v0  }
0x25e: {  	[tilespmem:s21+$0x2280] =	vst v0  }
0x25f: {  	[tilespmem:s21+$0x2300] =	vst v0  }
0x260: {  	[tilespmem:s21+$0x2380] =	vst v0  }
0x261: {  	[tilespmem:s21+$0x2400] =	vst v0  }
0x262: {  	[tilespmem:s21+$0x2480] =	vst v0;
	s21 =	simm.s32 $0x12C0  }
.LBB2_28:
0x263: {  	v4 =	vadd.s32 s21, v1;
	_ =	sdelay $0x4  }
0x264: {  	v4 =	vld.idx.msk [tilespmem:v4+s2+$0x0], $0xffff;
	_ =	sdelay $0x4  }
0x265: {  	v5 =	vshra.s32 v4, $0x2  }
0x266: {  	v6 =	vshll.u32 v5, $0x3  }
0x267: {  	v5 =	vand.u32 $0x7F, v5;
	v6 =	vand.u32 $0xFFFFFC00, v6  }
0x268: {  	v5 =	vor.u32 v5, v6  }
0x269: {  	s22 =	sadd.s32 $0x1, s21;
	v5 =	vadd.s32 v3, v5  }
0x26a: {  	v56 =	vadd.s32 s22, v1  }
0x26b: {  	v4 =	vshll.u32 v4, $0x3  }
0x26c: {  	v4 =	vand.u32 $0x18, v4  }
0x26d: {  	v4 =	vshll.u32 v2, v4  }
0x26e: {  	[tilespmem:v5+s16+$0x0] =	vst.idx.add.s32.msk $0xffff, v4  }
0x26f: {  	v4 =	vld.idx.msk [tilespmem:v56+s2+$0x0], $0xffff;
	_ =	sdelay $0x4  }
0x270: {  	v5 =	vshra.s32 v4, $0x2  }
0x271: {  	v57 =	vshll.u32 v5, $0x3  }
0x272: {  	v5 =	vand.u32 $0x7F, v5;
	v6 =	vand.u32 $0xFFFFFC00, v57  }
0x273: {  	v5 =	vor.u32 v5, v6  }
0x274: {  	s29 =	sadd.s32 $0x2, s21;
	v5 =	vadd.s32 v3, v5  }
0x275: {  	v58 =	vadd.s32 s29, v1  }
0x276: {  	v4 =	vshll.u32 v4, $0x3  }
0x277: {  	v4 =	vand.u32 $0x18, v4  }
0x278: {  	v4 =	vshll.u32 v2, v4  }
0x279: {  	[tilespmem:v5+s16+$0x0] =	vst.idx.add.s32.msk $0xffff, v4  }
0x27a: {  	v4 =	vld.idx.msk [tilespmem:v58+s2+$0x0], $0xffff;
	_ =	sdelay $0x4  }
0x27b: {  	v5 =	vshra.s32 v4, $0x2  }
0x27c: {  	v59 =	vshll.u32 v5, $0x3  }
0x27d: {  	v5 =	vand.u32 $0x7F, v5;
	v6 =	vand.u32 $0xFFFFFC00, v59  }
0x27e: {  	v5 =	vor.u32 v5, v6  }
0x27f: {  	s30 =	sadd.s32 $0x3, s21;
	v5 =	vadd.s32 v3, v5  }
0x280: {  	v60 =	vadd.s32 s30, v1  }
0x281: {  	v4 =	vshll.u32 v4, $0x3  }
0x282: {  	v4 =	vand.u32 $0x18, v4  }
0x283: {  	v4 =	vshll.u32 v2, v4  }
0x284: {  	[tilespmem:v5+s16+$0x0] =	vst.idx.add.s32.msk $0xffff, v4  }
0x285: {  	v4 =	vld.idx.msk [tilespmem:v60+s2+$0x0], $0xffff;
	_ =	sdelay $0x4  }
0x286: {  	v5 =	vshra.s32 v4, $0x2  }
0x287: {  	v61 =	vshll.u32 v5, $0x3  }
0x288: {  	v5 =	vand.u32 $0x7F, v5;
	v6 =	vand.u32 $0xFFFFFC00, v61  }
0x289: {  	v5 =	vor.u32 v5, v6  }
0x28a: {  	s31 =	sadd.s32 $0x4, s21;
	v5 =	vadd.s32 v3, v5  }
0x28b: {  	v62 =	vadd.s32 s31, v1  }
0x28c: {  	v4 =	vshll.u32 v4, $0x3  }
0x28d: {  	v4 =	vand.u32 $0x18, v4  }
0x28e: {  	v4 =	vshll.u32 v2, v4  }
0x28f: {  	[tilespmem:v5+s16+$0x0] =	vst.idx.add.s32.msk $0xffff, v4  }
0x290: {  	v4 =	vld.idx.msk [tilespmem:v62+s2+$0x0], $0xffff;
	_ =	sdelay $0x4  }
0x291: {  	v5 =	vshra.s32 v4, $0x2  }
0x292: {  	v63 =	vshll.u32 v5, $0x3  }
0x293: {  	v5 =	vand.u32 $0x7F, v5;
	v6 =	vand.u32 $0xFFFFFC00, v63  }
0x294: {  	v5 =	vor.u32 v5, v6  }
0x295: {  	p0 =	sne.s32 s21, $0x12ED;
	v5 =	vadd.s32 v3, v5  }
.Ltmp13:
0x296: {  	_ = 	snop;
	(pc) =	sbr.rel @p0 .LBB2_28-.Ltmp13, $4  }
0x297: {  	v4 =	vshll.u32 v4, $0x3  }
0x298: {  	v4 =	vand.u32 $0x18, v4  }
0x299: {  	v4 =	vshll.u32 v2, v4  }
0x29a: {  	s21 =	sadd.s32 $0x5, s21;
	[tilespmem:v5+s16+$0x0] =	vst.idx.add.s32.msk $0xffff, v4  }
0x29b: {  	s22 =	simm.s32 $0x0  }
0x29c: {  	[hbm4b:s10+s22] =	stream.linear.scatter [tilespmem:s16], [sflag:$0x1], $0x1000, $0x38;
	[tilespmem:$0x3900] =	vst v63  }
0x29d: {  	_ =	swait.ge [sflag:s19], $0x1000  }
0x29e: {  	s21 =	sand.u32 $0x70, s22;
	s23 =	sand.u32 $0x400, s22;
	[sflag:s19] =	ssyncset.done $0x0  }
0x29f: {  	s21 =	sor.u32 s21, s23;
	[sflag:s19] =	ssyncadd.s32 $0xFFFFF000  }
0x2a0: {  	[tilespmem:s21+$0x2980] =	vst v0  }
0x2a1: {  	[tilespmem:s21+$0x2A00] =	vst v0  }
0x2a2: {  	[tilespmem:s21+$0x2A80] =	vst v0  }
0x2a3: {  	[tilespmem:s21+$0x2B00] =	vst v0  }
0x2a4: {  	[tilespmem:s21+$0x2B80] =	vst v0  }
0x2a5: {  	s24 =	sor.u32 s22, s22;
	s23 =	simm.s32 $0x10;
	[tilespmem:s21+$0x2C00] =	vst v0  }
.LBB2_30:
0x2a6: {  	p0 =	sne.s32 s23, $0xF0;
	[tilespmem:s21+$0x2900] =	vst v0;
	s24 =	sor.u32 $0x380, s24  }
0x2a7: {  	[tilespmem:s24+$0x2900] =	vst v0  }
0x2a8: {  	[tilespmem:s21+$0x3100] =	vst v0  }
0x2a9: {  	[tilespmem:s21+$0x3180] =	vst v0  }
0x2aa: {  	[tilespmem:s21+$0x3200] =	vst v0  }
0x2ab: {  	[tilespmem:s21+$0x3280] =	vst v0  }
0x2ac: {  	[tilespmem:s21+$0x3300] =	vst v0  }
0x2ad: {  	s22 =	sadd.s32 $0x80, s22;
	[tilespmem:s21+$0x3380] =	vst v0  }
0x2ae: {  	s24 =	sand.u32 $0x70, s23;
	s25 =	sand.u32 $0x400, s22;
	[tilespmem:s21+$0x3400] =	vst v0  }
0x2af: {  	[tilespmem:s21+$0x3480] =	vst v0;
	s21 =	sor.u32 s24, s25  }
0x2b0: {  	[tilespmem:s21+$0x2980] =	vst v0  }
.Ltmp14:
0x2b1: {  	[tilespmem:s21+$0x2A00] =	vst v0;
	(pc) =	sbr.rel @p0 .LBB2_30-.Ltmp14, $4  }
0x2b2: {  	[tilespmem:s21+$0x2A80] =	vst v0  }
0x2b3: {  	[tilespmem:s21+$0x2B00] =	vst v0  }
0x2b4: {  	[tilespmem:s21+$0x2B80] =	vst v0  }
0x2b5: {  	s24 =	sor.u32 s22, s23;
	s23 =	sadd.s32 $0x10, s23;
	[tilespmem:s21+$0x2C00] =	vst v0  }
0x2b6: {  	[tilespmem:s21+$0x2900] =	vst v0;
	s22 =	sor.u32 $0x380, s24  }
0x2b7: {  	[tilespmem:s22+$0x2900] =	vst v0  }
0x2b8: {  	[tilespmem:s21+$0x3100] =	vst v0  }
0x2b9: {  	[tilespmem:s21+$0x3180] =	vst v0  }
0x2ba: {  	[tilespmem:s21+$0x3200] =	vst v0  }
0x2bb: {  	[tilespmem:s21+$0x3280] =	vst v0  }
0x2bc: {  	[tilespmem:s21+$0x3300] =	vst v0  }
0x2bd: {  	[tilespmem:s21+$0x3380] =	vst v0  }
0x2be: {  	[tilespmem:s21+$0x3400] =	vst v0  }
0x2bf: {  	[tilespmem:s21+$0x3480] =	vst v0;
	s21 =	simm.s32 $0x15E0  }
.LBB2_32:
0x2c0: {  	v4 =	vadd.s32 s21, v1;
	_ =	sdelay $0x4  }
0x2c1: {  	v4 =	vld.idx.msk [tilespmem:v4+s2+$0x0], $0xffff;
	_ =	sdelay $0x4  }
0x2c2: {  	v5 =	vshra.s32 v4, $0x2  }
0x2c3: {  	v6 =	vshll.u32 v5, $0x3  }
0x2c4: {  	v5 =	vand.u32 $0x7F, v5;
	v6 =	vand.u32 $0xFFFFFC00, v6  }
0x2c5: {  	v5 =	vor.u32 v5, v6  }
0x2c6: {  	s22 =	sadd.s32 $0x1, s21;
	v5 =	vadd.s32 v3, v5  }
0x2c7: {  	v56 =	vadd.s32 s22, v1  }
0x2c8: {  	v4 =	vshll.u32 v4, $0x3  }
0x2c9: {  	v4 =	vand.u32 $0x18, v4  }
0x2ca: {  	v4 =	vshll.u32 v2, v4  }
0x2cb: {  	[tilespmem:v5+s17+$0x0] =	vst.idx.add.s32.msk $0xffff, v4  }
0x2cc: {  	v4 =	vld.idx.msk [tilespmem:v56+s2+$0x0], $0xffff;
	_ =	sdelay $0x4  }
0x2cd: {  	v5 =	vshra.s32 v4, $0x2  }
0x2ce: {  	v57 =	vshll.u32 v5, $0x3  }
0x2cf: {  	v5 =	vand.u32 $0x7F, v5;
	v6 =	vand.u32 $0xFFFFFC00, v57  }
0x2d0: {  	v5 =	vor.u32 v5, v6  }
0x2d1: {  	s29 =	sadd.s32 $0x2, s21;
	v5 =	vadd.s32 v3, v5  }
0x2d2: {  	v58 =	vadd.s32 s29, v1  }
0x2d3: {  	v4 =	vshll.u32 v4, $0x3  }
0x2d4: {  	v4 =	vand.u32 $0x18, v4  }
0x2d5: {  	v4 =	vshll.u32 v2, v4  }
0x2d6: {  	[tilespmem:v5+s17+$0x0] =	vst.idx.add.s32.msk $0xffff, v4  }
0x2d7: {  	v4 =	vld.idx.msk [tilespmem:v58+s2+$0x0], $0xffff;
	_ =	sdelay $0x4  }
0x2d8: {  	v5 =	vshra.s32 v4, $0x2  }
0x2d9: {  	v59 =	vshll.u32 v5, $0x3  }
0x2da: {  	v5 =	vand.u32 $0x7F, v5;
	v6 =	vand.u32 $0xFFFFFC00, v59  }
0x2db: {  	v5 =	vor.u32 v5, v6  }
0x2dc: {  	s30 =	sadd.s32 $0x3, s21;
	v5 =	vadd.s32 v3, v5  }
0x2dd: {  	v60 =	vadd.s32 s30, v1  }
0x2de: {  	v4 =	vshll.u32 v4, $0x3  }
0x2df: {  	v4 =	vand.u32 $0x18, v4  }
0x2e0: {  	v4 =	vshll.u32 v2, v4  }
0x2e1: {  	[tilespmem:v5+s17+$0x0] =	vst.idx.add.s32.msk $0xffff, v4  }
0x2e2: {  	v4 =	vld.idx.msk [tilespmem:v60+s2+$0x0], $0xffff;
	_ =	sdelay $0x4  }
0x2e3: {  	v5 =	vshra.s32 v4, $0x2  }
0x2e4: {  	v61 =	vshll.u32 v5, $0x3  }
0x2e5: {  	v5 =	vand.u32 $0x7F, v5;
	v6 =	vand.u32 $0xFFFFFC00, v61  }
0x2e6: {  	v5 =	vor.u32 v5, v6  }
0x2e7: {  	s31 =	sadd.s32 $0x4, s21;
	v5 =	vadd.s32 v3, v5  }
0x2e8: {  	v62 =	vadd.s32 s31, v1  }
0x2e9: {  	v4 =	vshll.u32 v4, $0x3  }
0x2ea: {  	v4 =	vand.u32 $0x18, v4  }
0x2eb: {  	v4 =	vshll.u32 v2, v4  }
0x2ec: {  	[tilespmem:v5+s17+$0x0] =	vst.idx.add.s32.msk $0xffff, v4  }
0x2ed: {  	v4 =	vld.idx.msk [tilespmem:v62+s2+$0x0], $0xffff;
	_ =	sdelay $0x4  }
0x2ee: {  	v5 =	vshra.s32 v4, $0x2  }
0x2ef: {  	v63 =	vshll.u32 v5, $0x3  }
0x2f0: {  	v5 =	vand.u32 $0x7F, v5;
	v6 =	vand.u32 $0xFFFFFC00, v63  }
0x2f1: {  	v5 =	vor.u32 v5, v6  }
0x2f2: {  	p0 =	sne.s32 s21, $0x160D;
	v5 =	vadd.s32 v3, v5  }
.Ltmp15:
0x2f3: {  	_ = 	snop;
	(pc) =	sbr.rel @p0 .LBB2_32-.Ltmp15, $4  }
0x2f4: {  	v4 =	vshll.u32 v4, $0x3  }
0x2f5: {  	v4 =	vand.u32 $0x18, v4  }
0x2f6: {  	v4 =	vshll.u32 v2, v4  }
0x2f7: {  	s21 =	sadd.s32 $0x5, s21;
	[tilespmem:v5+s17+$0x0] =	vst.idx.add.s32.msk $0xffff, v4  }
0x2f8: {  	[hbm4b:s11+s2] =	stream.linear.scatter [tilespmem:s17], [sflag:$0x2], $0x1000, $0x38;
	[tilespmem:$0x3900] =	vst v63  }
0x2f9: {  	s20 =	sadd.s32 $0x1, s20  }
0x2fa: {  	_ =	swait.ge [sflag:s18], $0x1000;
	p0 =	sne.s32 s20, s12  }
.Ltmp16:
0x2fb: {  	[sflag:s18] =	ssyncset.done $0x0;
	(pc) =	sbr.rel @p0 .LBB2_1-.Ltmp16, $4  }
0x2fc: {  	[sflag:s18] =	ssyncadd.s32 $0xFFFFF000  }
0x2fd: {  	_ =	swait.ge [sflag:s19], $0x1000  }
0x2fe: {  	[sflag:s19] =	ssyncset.done $0x0  }
0x2ff: {  	[sflag:s19] =	ssyncadd.s32 $0xFFFFF000  }
0x300: {  	_ =	sfence.sel $0x180000  }
0x301: {  	[bflag:$0x0] =	sbarrier.arrive $0xFFFF  }
0x302: {  	p0 =	sne.s32 s0, $0x0;
	_ =	strace $0x90000047  }
0x303: {  	s0 =	sadd.s32 @!p0 $0x100000, s1;
	[bflag:$0x2] =	sbarrier.arrive $0xFFFF  }
0x304: {  	[sflag:s0] =	ssyncadd.tile.s32 @!p0 $0x1;
	_ =	shalt  }
.Lfunc_end2:
_tile_overlayer_lowered:
.L_overlay_start_2:
0x305: {  	(tag) =	ssettag $0x2  }
0x306: {  	s0 =	rddreg [dreg:$0x0];
	s2 =	stileid.u32  }
0x307: {  	s1 =	rddreg [dreg:$0x1];
	p0 =	sne.s32 s2, $0x0  }
0x308: {  	s3 =	rddreg [dreg:$0x2];
	[bflag:$0x3] =	sbarrier.arrive $0xFFFF;
	s2 =	simm.s32 @!p0 $0x1C03  }
0x309: {  	[timem:s3], [sflag:s2] =	dma.local @!p0 [hbm:s0], s1  }
0x30a: {  	s0 =	simm.s32 @!p0 $0x3  }
0x30b: {  	_ =	swait.ge @!p0 [sflag:s0], s1  }
0x30c: {  	s1 =	ssub.s32 @!p0 $0x0, s1;
	[sflag:s0] =	ssyncset.done @!p0 $0x0  }
0x30d: {  	[sflag:s0] =	ssyncadd.s32 @!p0 s1  }
0x30e: {  	[bflag:$0x3] =	sbarrier.arrive $0xFFFF  }
0x30f: {  	_ =	shalt  }

</sc_bundles>
